<compile_context>
chip_gen: v7x
topology: tpu7x:2x2x1
jax: 0.10.2.dev20260603
libtpu: 0.0.44.dev20260713+nightly
codegen_flags: <defaults>
</compile_context>

<pallas_src>
import functools

import jax
import jax.numpy as jnp
from jax import lax
from jax.experimental import pallas as pl
from jax.experimental.pallas import tpu as pltpu
from jax.experimental.pallas import tpu_sc as plsc

N = 10000
E = 320000
D = 128

NC = 2
NS = 16
NW = NC * NS
CH = 128
NPAD = 10112
RPT = NPAD // NS
SCH = 16
SLOW_C = 1
CS = 32
CF = 128
NCH_MAX = CF


def _sc_agg_body(with_cnt, *refs):
    if with_cnt:
        (src_hbm, dst_hbm, feat_hbm, agg_out, cnt_out,
         agg_sh, src_s, dst_s, rb0, rb1, cnt_t, semg0, semg1) = refs
    else:
        (src_hbm, dst_hbm, feat_hbm, agg_out,
         agg_sh, src_s, dst_s, rb0, rb1, semg0, semg1) = refs
        cnt_out = cnt_t = None

    c = lax.axis_index("c")
    s = lax.axis_index("s")
    wid = s * NC + c

    def _zrb(i, _):
        for j in range(D // 16):
            rb0[i, pl.ds(j * 16, 16)] = jnp.zeros((16,), jnp.float32)
        return 0
    lax.fori_loop(0, CH, _zrb, 0)
    for i in range(4):
        pltpu.sync_copy(rb0, agg_sh.at[pl.ds(s * RPT + i * CH, CH)])
    pltpu.sync_copy(rb0.at[pl.ds(0, RPT - 4 * CH)],
                    agg_sh.at[pl.ds(s * RPT + 4 * CH, RPT - 4 * CH)])

    if with_cnt:
        def _zcnt(i, _):
            cnt_t[pl.ds(i * 16, 16)] = jnp.zeros((16,), jnp.float32)
            return 0
        lax.fori_loop(0, NPAD // 16, _zcnt, 0)

    plsc.subcore_barrier()

    ones16 = jnp.ones((16,), jnp.float32)

    def _fire(ci, rb, sem):
        pltpu.async_copy(feat_hbm.at[src_s.at[ci]], rb, sem)

    def _drain(ci, rb, sem):
        pltpu.make_async_copy(feat_hbm.at[src_s.at[ci]], rb, sem).wait()

    def _consume(ci, rb):
        pltpu.sync_copy(rb, agg_sh.at[dst_s.at[ci]], add=True)
        if with_cnt:
            for k in range(CH // 16):
                dv = dst_s[ci, pl.ds(k * 16, 16)]
                plsc.addupdate_scatter(cnt_t, [dv], ones16)

    def _stage(st, _):
        pltpu.sync_copy(src_hbm.at[wid, pl.ds(st * SCH, SCH)], src_s)
        pltpu.sync_copy(dst_hbm.at[wid, pl.ds(st * SCH, SCH)], dst_s)
        _fire(0, rb0, semg0)

        def _pair(j, _):
            c0 = 2 * j
            _fire(c0 + 1, rb1, semg1)
            _drain(c0, rb0, semg0)
            _consume(c0, rb0)

            @pl.when(j < SCH // 2 - 1)
            def _():
                _fire(c0 + 2, rb0, semg0)
            _drain(c0 + 1, rb1, semg1)
            _consume(c0 + 1, rb1)
            return 0
        lax.fori_loop(0, SCH // 2, _pair, 0)
        return 0
    n_stages = jnp.where(c == SLOW_C, CS // SCH, CF // SCH)
    lax.fori_loop(0, n_stages, _stage, 0)
    plsc.subcore_barrier()

    pltpu.sync_copy(agg_sh.at[pl.ds(s * RPT, RPT)],
                    agg_out.at[c, pl.ds(s * RPT, RPT)])
    if with_cnt:
        pltpu.sync_copy(cnt_t, cnt_out.at[c, s])


def _make_sc_call(with_cnt):
    mesh = plsc.VectorSubcoreMesh(core_axis_name="c", subcore_axis_name="s")
    out_type = [jax.ShapeDtypeStruct((NC, NPAD, D), jnp.float32)]
    if with_cnt:
        out_type.append(jax.ShapeDtypeStruct((NC, NS, NPAD), jnp.float32))
    scratch = [
        pltpu.VMEM_SHARED((NPAD, D), jnp.float32),
        pltpu.VMEM((SCH, CH), jnp.int32),
        pltpu.VMEM((SCH, CH), jnp.int32),
        pltpu.VMEM((CH, D), jnp.float32),
        pltpu.VMEM((CH, D), jnp.float32),
    ]
    if with_cnt:
        scratch.append(pltpu.VMEM((NPAD,), jnp.float32))
    scratch += [pltpu.SemaphoreType.DMA] * 2
    return pl.kernel(
        functools.partial(_sc_agg_body, with_cnt),
        out_type=tuple(out_type),
        mesh=mesh,
        compiler_params=pltpu.CompilerParams(needs_layout_passes=False),
        scratch_types=scratch,
    )


def _dense_body(relu, agg_ref, cnt_ref, x_ref, wl_ref, wr_ref, b_ref, o_ref):
    agg = agg_ref[0] + agg_ref[1]
    cnt = jnp.sum(cnt_ref[...], axis=(0, 1))[:, None]
    mean = agg / jnp.maximum(cnt, 1.0)
    y = (jnp.dot(mean, wl_ref[...], preferred_element_type=jnp.float32)
         + jnp.dot(x_ref[...], wr_ref[...], preferred_element_type=jnp.float32)
         + b_ref[...])
    if relu:
        y = jnp.maximum(y, 0.0)
    o_ref[...] = y


def _dense(agg, cnt, x, wl, wr, b, relu):
    BR = 1024
    grid = (pl.cdiv(N, BR),)
    return pl.pallas_call(
        functools.partial(_dense_body, relu),
        grid=grid,
        in_specs=[
            pl.BlockSpec((NC, BR, D), lambda i: (0, i, 0)),
            pl.BlockSpec((NC, NS, BR), lambda i: (0, 0, i)),
            pl.BlockSpec((BR, D), lambda i: (i, 0)),
            pl.BlockSpec((D, D), lambda i: (0, 0)),
            pl.BlockSpec((D, D), lambda i: (0, 0)),
            pl.BlockSpec((1, D), lambda i: (0, 0)),
        ],
        out_specs=pl.BlockSpec((BR, D), lambda i: (i, 0)),
        out_shape=jax.ShapeDtypeStruct((N, D), jnp.float32),
    )(agg, cnt, x, wl, wr, b)


_sc_agg_cnt = _make_sc_call(True)
_sc_agg = _make_sc_call(False)


_CNT_W = [CS if (w % NC) == SLOW_C else CF for w in range(NW)]
_START_W = [sum(_CNT_W[:w]) * CH for w in range(NW)]
_TOT = sum(_CNT_W) * CH


def _pack(flat, fill):
    rows = []
    for w in range(NW):
        span = flat[_START_W[w]:_START_W[w] + _CNT_W[w] * CH]
        if _CNT_W[w] < NCH_MAX:
            span = jnp.concatenate(
                [span, jnp.full(((NCH_MAX - _CNT_W[w]) * CH,), fill, jnp.int32)])
        rows.append(span.reshape(NCH_MAX, CH))
    return jnp.stack(rows)


def kernel(x, edge_index, W1_l, W1_r, b1, W2_l, W2_r, b2):
    pad = _TOT - E
    src_p = _pack(jnp.concatenate(
        [edge_index[0], jnp.zeros((pad,), jnp.int32)]), 0)
    dst_p = _pack(jnp.concatenate(
        [edge_index[1], jnp.full((pad,), N, jnp.int32)]), N)

    agg1, cnt = _sc_agg_cnt(src_p, dst_p, x)
    h = _dense(agg1, cnt, x, W1_l, W1_r, b1.reshape(1, D), True)
    (agg2,) = _sc_agg(src_p, dst_p, h)
    return _dense(agg2, cnt, h, W2_l, W2_r, b2.reshape(1, D), False)

# --- scband reference (transcript-rebuilt; emitter-appended) ---
"""Pipeline reference for scband-gnn-17386027614800 (READ-ONLY COPY).

The authoritative reference and input builder live on the scoring server;
editing this copy changes nothing except your own understanding.
"""

import jax, jax.numpy as jnp
import numpy as np

N = 10000
E = 320000
D_IN = 128
D_HID = 128
D_OUT = 128


def glorot(key, shape):
    lim = float(np.sqrt(6.0 / (shape[0] + shape[1])))
    return jax.random.uniform(key, shape, dtype=jnp.float32, minval=-lim, maxval=lim)


def setup_inputs(seed: int = 0) -> dict:
    key = jax.random.key(seed)
    ks = jax.random.split(key, 8)
    x = jax.random.normal(ks[0], (N, D_IN), dtype=jnp.float32)
    edge_index = jax.random.randint(ks[1], (2, E), 0, N, dtype=jnp.int32)
    W1_l = glorot(ks[2], (D_IN, D_HID))
    W1_r = glorot(ks[3], (D_IN, D_HID))
    b1 = jnp.zeros((D_HID,), dtype=jnp.float32)
    W2_l = glorot(ks[4], (D_HID, D_OUT))
    W2_r = glorot(ks[5], (D_HID, D_OUT))
    b2 = jnp.zeros((D_OUT,), dtype=jnp.float32)
    return {"x": x, "edge_index": edge_index, "W1_l": W1_l, "W1_r": W1_r, "b1": b1,
            "W2_l": W2_l, "W2_r": W2_r, "b2": b2}


def _sage_conv(x, edge_index, W_l, W_r, b):
    # PyG SAGEConv (mean aggregation):
    #   out = lin_l(mean_{j in N(i)} x_j) + lin_r(x_i)
    src = edge_index[0]
    dst = edge_index[1]
    msg = jnp.take(x, src, axis=0)                       # gather   [E, d]
    agg = jax.ops.segment_sum(msg, dst, num_segments=N)   # scatter-add [N, d]
    cnt = jax.ops.segment_sum(jnp.ones((msg.shape[0], 1), dtype=x.dtype), dst,
                              num_segments=N)
    mean = agg / jnp.maximum(cnt, 1.0)
    return mean @ W_l + x @ W_r + b


def reference(x, edge_index, W1_l, W1_r, b1, W2_l, W2_r, b2):
    h = _sage_conv(x, edge_index, W1_l, W1_r, b1)
    h = jax.nn.relu(h)
    out = _sage_conv(h, edge_index, W2_l, W2_r, b2)
    return out

if __name__ == "__main__":
    import jax
    _d = setup_inputs()
    print(jax.jit(kernel)(*tuple(_d.values())))

</pallas_src>

<mosaic_0001>
#map = affine_map<(d0, d1) -> (0, 0, 0)>
#map1 = affine_map<(d0, d1) -> (0, 0)>
module attributes {stable_mosaic.version = 14 : i64} {
  func.func @_sc_agg_body(%arg0: i32, %arg1: i32, %arg2: memref<32x128x128xi32, #tpu.memory_space<hbm>>, %arg3: memref<32x128x128xi32, #tpu.memory_space<hbm>>, %arg4: memref<10000x128xf32, #tpu.memory_space<hbm>>, %arg5: memref<2x10112x128xf32, #tpu.memory_space<hbm>>, %arg6: memref<2x16x10112xf32, #tpu.memory_space<hbm>>, %arg7: memref<10112x128xf32, #tpu.memory_space<vmem_shared>>, %arg8: memref<16x128xi32, #tpu.memory_space<vmem>>, %arg9: memref<16x128xi32, #tpu.memory_space<vmem>>, %arg10: memref<128x128xf32, #tpu.memory_space<vmem>>, %arg11: memref<128x128xf32, #tpu.memory_space<vmem>>, %arg12: memref<10112xf32, #tpu.memory_space<vmem>>, %arg13: memref<!tpu.dma_semaphore, #tpu.memory_space<semaphore_mem>>, %arg14: memref<!tpu.dma_semaphore, #tpu.memory_space<semaphore_mem>>) attributes {dimension_semantics = [#tpu.dimension_semantics<core_parallel>, #tpu.dimension_semantics<subcore_parallel>], iteration_bounds = array<i64: 2, 16>, scalar_prefetch = 0 : i64, scratch_operands = 8 : i64, tpu.core_type = #tpu.core_type<sc_vector_subcore>, window_params = [{transform_indices = #map}, {transform_indices = #map}, {transform_indices = #map1}, {transform_indices = #map}, {transform_indices = #map}]} {
    %mul3A = arith.constant 2 : i32
    %mul3A_0 = arith.muli %arg1, %mul3A : i32
    %add3A = arith.addi %mul3A_0, %arg0 : i32
    %scan3A = arith.constant 0 : i32
    %scan3A_1 = arith.constant 0 : i32
    %scan3A_2 = arith.constant 128 : i32
    %scan3A_3 = arith.addi %scan3A_1, %scan3A_2 : i32
    %scan3A_4 = arith.constant 1 : i32
    %scan3A_5 = scf.for %scan3A_53 = %scan3A_1 to %scan3A_3 step %scan3A_4 iter_args(%scan3A_54 = %scan3A) -> (i32)  : i32 {
      %broadcast_in_dim3A_55 = arith.constant 0.000000e+00 : f32
      %broadcast_in_dim3A_56 = vector.broadcast %broadcast_in_dim3A_55 : f32 to vector<16xf32>
      %swap3A = arith.index_cast %scan3A_53 : i32 to index
      %swap3A_57 = arith.constant 0 : index
      %swap3A_58 = tpu.vector_load %arg10[%swap3A, %swap3A_57] {strides = array<i32>} : memref<128x128xf32, #tpu.memory_space<vmem>>, vector<16xf32>,
      tpu.vector_store %arg10[%swap3A, %swap3A_57], %broadcast_in_dim3A_56 {strides = array<i32>} : memref<128x128xf32, #tpu.memory_space<vmem>>, vector<16xf32>,
      %broadcast_in_dim3A_59 = arith.constant 0.000000e+00 : f32
      %broadcast_in_dim3A_60 = vector.broadcast %broadcast_in_dim3A_59 : f32 to vector<16xf32>
      %swap3A_61 = arith.index_cast %scan3A_53 : i32 to index
      %swap3A_62 = arith.constant 16 : index
      %swap3A_63 = tpu.vector_load %arg10[%swap3A_61, %swap3A_62] {strides = array<i32>} : memref<128x128xf32, #tpu.memory_space<vmem>>, vector<16xf32>,
      tpu.vector_store %arg10[%swap3A_61, %swap3A_62], %broadcast_in_dim3A_60 {strides = array<i32>} : memref<128x128xf32, #tpu.memory_space<vmem>>, vector<16xf32>,
      %broadcast_in_dim3A_64 = arith.constant 0.000000e+00 : f32
      %broadcast_in_dim3A_65 = vector.broadcast %broadcast_in_dim3A_64 : f32 to vector<16xf32>
      %swap3A_66 = arith.index_cast %scan3A_53 : i32 to index
      %swap3A_67 = arith.constant 32 : index
      %swap3A_68 = tpu.vector_load %arg10[%swap3A_66, %swap3A_67] {strides = array<i32>} : memref<128x128xf32, #tpu.memory_space<vmem>>, vector<16xf32>,
      tpu.vector_store %arg10[%swap3A_66, %swap3A_67], %broadcast_in_dim3A_65 {strides = array<i32>} : memref<128x128xf32, #tpu.memory_space<vmem>>, vector<16xf32>,
      %broadcast_in_dim3A_69 = arith.constant 0.000000e+00 : f32
      %broadcast_in_dim3A_70 = vector.broadcast %broadcast_in_dim3A_69 : f32 to vector<16xf32>
      %swap3A_71 = arith.index_cast %scan3A_53 : i32 to index
      %swap3A_72 = arith.constant 48 : index
      %swap3A_73 = tpu.vector_load %arg10[%swap3A_71, %swap3A_72] {strides = array<i32>} : memref<128x128xf32, #tpu.memory_space<vmem>>, vector<16xf32>,
      tpu.vector_store %arg10[%swap3A_71, %swap3A_72], %broadcast_in_dim3A_70 {strides = array<i32>} : memref<128x128xf32, #tpu.memory_space<vmem>>, vector<16xf32>,
      %broadcast_in_dim3A_74 = arith.constant 0.000000e+00 : f32
      %broadcast_in_dim3A_75 = vector.broadcast %broadcast_in_dim3A_74 : f32 to vector<16xf32>
      %swap3A_76 = arith.index_cast %scan3A_53 : i32 to index
      %swap3A_77 = arith.constant 64 : index
      %swap3A_78 = tpu.vector_load %arg10[%swap3A_76, %swap3A_77] {strides = array<i32>} : memref<128x128xf32, #tpu.memory_space<vmem>>, vector<16xf32>,
      tpu.vector_store %arg10[%swap3A_76, %swap3A_77], %broadcast_in_dim3A_75 {strides = array<i32>} : memref<128x128xf32, #tpu.memory_space<vmem>>, vector<16xf32>,
      %broadcast_in_dim3A_79 = arith.constant 0.000000e+00 : f32
      %broadcast_in_dim3A_80 = vector.broadcast %broadcast_in_dim3A_79 : f32 to vector<16xf32>
      %swap3A_81 = arith.index_cast %scan3A_53 : i32 to index
      %swap3A_82 = arith.constant 80 : index
      %swap3A_83 = tpu.vector_load %arg10[%swap3A_81, %swap3A_82] {strides = array<i32>} : memref<128x128xf32, #tpu.memory_space<vmem>>, vector<16xf32>,
      tpu.vector_store %arg10[%swap3A_81, %swap3A_82], %broadcast_in_dim3A_80 {strides = array<i32>} : memref<128x128xf32, #tpu.memory_space<vmem>>, vector<16xf32>,
      %broadcast_in_dim3A_84 = arith.constant 0.000000e+00 : f32
      %broadcast_in_dim3A_85 = vector.broadcast %broadcast_in_dim3A_84 : f32 to vector<16xf32>
      %swap3A_86 = arith.index_cast %scan3A_53 : i32 to index
      %swap3A_87 = arith.constant 96 : index
      %swap3A_88 = tpu.vector_load %arg10[%swap3A_86, %swap3A_87] {strides = array<i32>} : memref<128x128xf32, #tpu.memory_space<vmem>>, vector<16xf32>,
      tpu.vector_store %arg10[%swap3A_86, %swap3A_87], %broadcast_in_dim3A_85 {strides = array<i32>} : memref<128x128xf32, #tpu.memory_space<vmem>>, vector<16xf32>,
      %broadcast_in_dim3A_89 = arith.constant 0.000000e+00 : f32
      %broadcast_in_dim3A_90 = vector.broadcast %broadcast_in_dim3A_89 : f32 to vector<16xf32>
      %swap3A_91 = arith.index_cast %scan3A_53 : i32 to index
      %swap3A_92 = arith.constant 112 : index
      %swap3A_93 = tpu.vector_load %arg10[%swap3A_91, %swap3A_92] {strides = array<i32>} : memref<128x128xf32, #tpu.memory_space<vmem>>, vector<16xf32>,
      tpu.vector_store %arg10[%swap3A_91, %swap3A_92], %broadcast_in_dim3A_90 {strides = array<i32>} : memref<128x128xf32, #tpu.memory_space<vmem>>, vector<16xf32>,
      %scan3A_94 = arith.constant 0 : i32
      scf.yield %scan3A_94 : i32
    }
    %scan3A_6 = arith.constant 128 : i32
    %mul3A_7 = arith.constant 632 : i32
    %mul3A_8 = arith.muli %arg1, %mul3A_7 : i32
    %add3A_9 = arith.constant 0 : i32
    %add3A_10 = arith.addi %mul3A_8, %add3A_9 : i32
    "tpu.region"() ({
      %run_scoped3A = tpu.sem_alloc : memref<!tpu.dma_semaphore, #tpu.memory_space<semaphore_mem>>
      %dma_start3A = arith.constant 0 : i32
      %dma_start3A_53 = tpu.memref_slice %arg7[%add3A_10, %dma_start3A] : memref<10112x128xf32, #tpu.memory_space<vmem_shared>> -> memref<128x128xf32, #tpu.memory_space<vmem_shared>>
      %dma_start3A_54 = arith.constant 0 : i32
      %dma_start3A_55 = tpu.memref_slice %arg7[%add3A_10, %dma_start3A_54] : memref<10112x128xf32, #tpu.memory_space<vmem_shared>> -> memref<128x128xf32, #tpu.memory_space<vmem_shared>>
      tpu.enqueue_dma source(%arg10 : memref<128x128xf32, #tpu.memory_space<vmem>>) target(%dma_start3A_55 : memref<128x128xf32, #tpu.memory_space<vmem_shared>>) target_semaphore(%run_scoped3A : memref<!tpu.dma_semaphore, #tpu.memory_space<semaphore_mem>>)
      %dma_wait3A = arith.constant 0 : i32
      %dma_wait3A_56 = tpu.memref_slice %arg7[%add3A_10, %dma_wait3A] : memref<10112x128xf32, #tpu.memory_space<vmem_shared>> -> memref<128x128xf32, #tpu.memory_space<vmem_shared>>
      %dma_wait3A_57 = arith.constant 0 : i32
      %dma_wait3A_58 = tpu.memref_slice %arg7[%add3A_10, %dma_wait3A_57] : memref<10112x128xf32, #tpu.memory_space<vmem_shared>> -> memref<128x128xf32, #tpu.memory_space<vmem_shared>>
      tpu.wait_dma2 semaphore(%run_scoped3A : memref<!tpu.dma_semaphore, #tpu.memory_space<semaphore_mem>>) src(%arg10 : memref<128x128xf32, #tpu.memory_space<vmem>>) dst(%dma_wait3A_58 : memref<128x128xf32, #tpu.memory_space<vmem_shared>>)
      tpu.yield
    }) : () -> ()
    %mul3A_11 = arith.constant 632 : i32
    %mul3A_12 = arith.muli %arg1, %mul3A_11 : i32
    %add3A_13 = arith.constant 128 : i32
    %add3A_14 = arith.addi %mul3A_12, %add3A_13 : i32
    "tpu.region"() ({
      %run_scoped3A = tpu.sem_alloc : memref<!tpu.dma_semaphore, #tpu.memory_space<semaphore_mem>>
      %dma_start3A = arith.constant 0 : i32
      %dma_start3A_53 = tpu.memref_slice %arg7[%add3A_14, %dma_start3A] : memref<10112x128xf32, #tpu.memory_space<vmem_shared>> -> memref<128x128xf32, #tpu.memory_space<vmem_shared>>
      %dma_start3A_54 = arith.constant 0 : i32
      %dma_start3A_55 = tpu.memref_slice %arg7[%add3A_14, %dma_start3A_54] : memref<10112x128xf32, #tpu.memory_space<vmem_shared>> -> memref<128x128xf32, #tpu.memory_space<vmem_shared>>
      tpu.enqueue_dma source(%arg10 : memref<128x128xf32, #tpu.memory_space<vmem>>) target(%dma_start3A_55 : memref<128x128xf32, #tpu.memory_space<vmem_shared>>) target_semaphore(%run_scoped3A : memref<!tpu.dma_semaphore, #tpu.memory_space<semaphore_mem>>)
      %dma_wait3A = arith.constant 0 : i32
      %dma_wait3A_56 = tpu.memref_slice %arg7[%add3A_14, %dma_wait3A] : memref<10112x128xf32, #tpu.memory_space<vmem_shared>> -> memref<128x128xf32, #tpu.memory_space<vmem_shared>>
      %dma_wait3A_57 = arith.constant 0 : i32
      %dma_wait3A_58 = tpu.memref_slice %arg7[%add3A_14, %dma_wait3A_57] : memref<10112x128xf32, #tpu.memory_space<vmem_shared>> -> memref<128x128xf32, #tpu.memory_space<vmem_shared>>
      tpu.wait_dma2 semaphore(%run_scoped3A : memref<!tpu.dma_semaphore, #tpu.memory_space<semaphore_mem>>) src(%arg10 : memref<128x128xf32, #tpu.memory_space<vmem>>) dst(%dma_wait3A_58 : memref<128x128xf32, #tpu.memory_space<vmem_shared>>)
      tpu.yield
    }) : () -> ()
    %mul3A_15 = arith.constant 632 : i32
    %mul3A_16 = arith.muli %arg1, %mul3A_15 : i32
    %add3A_17 = arith.constant 256 : i32
    %add3A_18 = arith.addi %mul3A_16, %add3A_17 : i32
    "tpu.region"() ({
      %run_scoped3A = tpu.sem_alloc : memref<!tpu.dma_semaphore, #tpu.memory_space<semaphore_mem>>
      %dma_start3A = arith.constant 0 : i32
      %dma_start3A_53 = tpu.memref_slice %arg7[%add3A_18, %dma_start3A] : memref<10112x128xf32, #tpu.memory_space<vmem_shared>> -> memref<128x128xf32, #tpu.memory_space<vmem_shared>>
      %dma_start3A_54 = arith.constant 0 : i32
      %dma_start3A_55 = tpu.memref_slice %arg7[%add3A_18, %dma_start3A_54] : memref<10112x128xf32, #tpu.memory_space<vmem_shared>> -> memref<128x128xf32, #tpu.memory_space<vmem_shared>>
      tpu.enqueue_dma source(%arg10 : memref<128x128xf32, #tpu.memory_space<vmem>>) target(%dma_start3A_55 : memref<128x128xf32, #tpu.memory_space<vmem_shared>>) target_semaphore(%run_scoped3A : memref<!tpu.dma_semaphore, #tpu.memory_space<semaphore_mem>>)
      %dma_wait3A = arith.constant 0 : i32
      %dma_wait3A_56 = tpu.memref_slice %arg7[%add3A_18, %dma_wait3A] : memref<10112x128xf32, #tpu.memory_space<vmem_shared>> -> memref<128x128xf32, #tpu.memory_space<vmem_shared>>
      %dma_wait3A_57 = arith.constant 0 : i32
      %dma_wait3A_58 = tpu.memref_slice %arg7[%add3A_18, %dma_wait3A_57] : memref<10112x128xf32, #tpu.memory_space<vmem_shared>> -> memref<128x128xf32, #tpu.memory_space<vmem_shared>>
      tpu.wait_dma2 semaphore(%run_scoped3A : memref<!tpu.dma_semaphore, #tpu.memory_space<semaphore_mem>>) src(%arg10 : memref<128x128xf32, #tpu.memory_space<vmem>>) dst(%dma_wait3A_58 : memref<128x128xf32, #tpu.memory_space<vmem_shared>>)
      tpu.yield
    }) : () -> ()
    %mul3A_19 = arith.constant 632 : i32
    %mul3A_20 = arith.muli %arg1, %mul3A_19 : i32
    %add3A_21 = arith.constant 384 : i32
    %add3A_22 = arith.addi %mul3A_20, %add3A_21 : i32
    "tpu.region"() ({
      %run_scoped3A = tpu.sem_alloc : memref<!tpu.dma_semaphore, #tpu.memory_space<semaphore_mem>>
      %dma_start3A = arith.constant 0 : i32
      %dma_start3A_53 = tpu.memref_slice %arg7[%add3A_22, %dma_start3A] : memref<10112x128xf32, #tpu.memory_space<vmem_shared>> -> memref<128x128xf32, #tpu.memory_space<vmem_shared>>
      %dma_start3A_54 = arith.constant 0 : i32
      %dma_start3A_55 = tpu.memref_slice %arg7[%add3A_22, %dma_start3A_54] : memref<10112x128xf32, #tpu.memory_space<vmem_shared>> -> memref<128x128xf32, #tpu.memory_space<vmem_shared>>
      tpu.enqueue_dma source(%arg10 : memref<128x128xf32, #tpu.memory_space<vmem>>) target(%dma_start3A_55 : memref<128x128xf32, #tpu.memory_space<vmem_shared>>) target_semaphore(%run_scoped3A : memref<!tpu.dma_semaphore, #tpu.memory_space<semaphore_mem>>)
      %dma_wait3A = arith.constant 0 : i32
      %dma_wait3A_56 = tpu.memref_slice %arg7[%add3A_22, %dma_wait3A] : memref<10112x128xf32, #tpu.memory_space<vmem_shared>> -> memref<128x128xf32, #tpu.memory_space<vmem_shared>>
      %dma_wait3A_57 = arith.constant 0 : i32
      %dma_wait3A_58 = tpu.memref_slice %arg7[%add3A_22, %dma_wait3A_57] : memref<10112x128xf32, #tpu.memory_space<vmem_shared>> -> memref<128x128xf32, #tpu.memory_space<vmem_shared>>
      tpu.wait_dma2 semaphore(%run_scoped3A : memref<!tpu.dma_semaphore, #tpu.memory_space<semaphore_mem>>) src(%arg10 : memref<128x128xf32, #tpu.memory_space<vmem>>) dst(%dma_wait3A_58 : memref<128x128xf32, #tpu.memory_space<vmem_shared>>)
      tpu.yield
    }) : () -> ()
    %mul3A_23 = arith.constant 632 : i32
    %mul3A_24 = arith.muli %arg1, %mul3A_23 : i32
    %add3A_25 = arith.constant 512 : i32
    %add3A_26 = arith.addi %mul3A_24, %add3A_25 : i32
    "tpu.region"() ({
      %run_scoped3A = tpu.sem_alloc : memref<!tpu.dma_semaphore, #tpu.memory_space<semaphore_mem>>
      %dma_start3A = arith.constant 0 : i32
      %dma_start3A_53 = arith.constant 0 : i32
      %dma_start3A_54 = tpu.memref_slice %arg10[%dma_start3A, %dma_start3A_53] : memref<128x128xf32, #tpu.memory_space<vmem>> -> memref<120x128xf32, #tpu.memory_space<vmem>>
      %dma_start3A_55 = arith.constant 0 : i32
      %dma_start3A_56 = tpu.memref_slice %arg7[%add3A_26, %dma_start3A_55] : memref<10112x128xf32, #tpu.memory_space<vmem_shared>> -> memref<120x128xf32, #tpu.memory_space<vmem_shared>>
      %dma_start3A_57 = arith.constant 0 : i32
      %dma_start3A_58 = tpu.memref_slice %arg7[%add3A_26, %dma_start3A_57] : memref<10112x128xf32, #tpu.memory_space<vmem_shared>> -> memref<120x128xf32, #tpu.memory_space<vmem_shared>>
      %dma_start3A_59 = arith.constant 0 : i32
      %dma_start3A_60 = arith.constant 0 : i32
      %dma_start3A_61 = tpu.memref_slice %arg10[%dma_start3A_59, %dma_start3A_60] : memref<128x128xf32, #tpu.memory_space<vmem>> -> memref<120x128xf32, #tpu.memory_space<vmem>>
      tpu.enqueue_dma source(%dma_start3A_61 : memref<120x128xf32, #tpu.memory_space<vmem>>) target(%dma_start3A_58 : memref<120x128xf32, #tpu.memory_space<vmem_shared>>) target_semaphore(%run_scoped3A : memref<!tpu.dma_semaphore, #tpu.memory_space<semaphore_mem>>)
      %dma_wait3A = arith.constant 0 : i32
      %dma_wait3A_62 = arith.constant 0 : i32
      %dma_wait3A_63 = tpu.memref_slice %arg10[%dma_wait3A, %dma_wait3A_62] : memref<128x128xf32, #tpu.memory_space<vmem>> -> memref<120x128xf32, #tpu.memory_space<vmem>>
      %dma_wait3A_64 = arith.constant 0 : i32
      %dma_wait3A_65 = tpu.memref_slice %arg7[%add3A_26, %dma_wait3A_64] : memref<10112x128xf32, #tpu.memory_space<vmem_shared>> -> memref<120x128xf32, #tpu.memory_space<vmem_shared>>
      %dma_wait3A_66 = arith.constant 0 : i32
      %dma_wait3A_67 = tpu.memref_slice %arg7[%add3A_26, %dma_wait3A_66] : memref<10112x128xf32, #tpu.memory_space<vmem_shared>> -> memref<120x128xf32, #tpu.memory_space<vmem_shared>>
      %dma_wait3A_68 = arith.constant 0 : i32
      %dma_wait3A_69 = arith.constant 0 : i32
      %dma_wait3A_70 = tpu.memref_slice %arg10[%dma_wait3A_68, %dma_wait3A_69] : memref<128x128xf32, #tpu.memory_space<vmem>> -> memref<120x128xf32, #tpu.memory_space<vmem>>
      tpu.wait_dma2 semaphore(%run_scoped3A : memref<!tpu.dma_semaphore, #tpu.memory_space<semaphore_mem>>) src(%dma_wait3A_70 : memref<120x128xf32, #tpu.memory_space<vmem>>) dst(%dma_wait3A_67 : memref<120x128xf32, #tpu.memory_space<vmem_shared>>)
      tpu.yield
    }) : () -> ()
    %scan3A_27 = arith.constant 0 : i32
    %scan3A_28 = arith.constant 0 : i32
    %scan3A_29 = arith.constant 632 : i32
    %scan3A_30 = arith.addi %scan3A_28, %scan3A_29 : i32
    %scan3A_31 = arith.constant 1 : i32
    %scan3A_32 = scf.for %scan3A_53 = %scan3A_28 to %scan3A_30 step %scan3A_31 iter_args(%scan3A_54 = %scan3A_27) -> (i32)  : i32 {
      %broadcast_in_dim3A_55 = arith.constant 0.000000e+00 : f32
      %broadcast_in_dim3A_56 = vector.broadcast %broadcast_in_dim3A_55 : f32 to vector<16xf32>
      %mul3A_57 = arith.constant 16 : i32
      %mul3A_58 = arith.muli %scan3A_53, %mul3A_57 : i32
      %swap3A = arith.index_cast %mul3A_58 : i32 to index
      %swap3A_59 = tpu.vector_load %arg12[%swap3A] {strides = array<i32>} : memref<10112xf32, #tpu.memory_space<vmem>>, vector<16xf32>,
      tpu.vector_store %arg12[%swap3A], %broadcast_in_dim3A_56 {strides = array<i32>} : memref<10112xf32, #tpu.memory_space<vmem>>, vector<16xf32>,
      %scan3A_60 = arith.constant 0 : i32
      scf.yield %scan3A_60 : i32
    }
    %scan3A_33 = arith.constant 632 : i32
    %barrier3A = arith.constant 0 : index
    tpu.barrier barrier_id(%barrier3A)
    %broadcast_in_dim3A = arith.constant 1.000000e+00 : f32
    %broadcast_in_dim3A_34 = vector.broadcast %broadcast_in_dim3A : f32 to vector<16xf32>
    %eq3A = arith.constant 1 : i32
    %eq3A_35 = arith.cmpi eq, %arg0, %eq3A : i32
    %jit3A = arith.constant 2 : i32
    %jit3A_36 = arith.constant 8 : i32
    %select_n3A = arith.select %eq3A_35, %jit3A, %jit3A_36 : i32
    %while3A = arith.constant 0 : i32
    %while3A_37 = arith.constant 0 : i32
    %while3A_38 = arith.subi %select_n3A, %while3A : i32
    %while3A_39 = arith.addi %while3A, %while3A_38 : i32
    %while3A_40 = arith.constant 1 : i32
    %while3A_41 = arith.divsi %while3A_38, %while3A_40 : i32
    %while3A_42 = arith.muli %while3A_41, %while3A_40 : i32
    %while3A_43 = arith.addi %while3A, %while3A_42 : i32
    %while3A_44 = arith.constant 1 : i32
    %while3A_45 = scf.for %while3A_53 = %while3A to %while3A_43 step %while3A_44 iter_args(%while3A_54 = %while3A_37) -> (i32)  : i32 {
      %mul3A_55 = arith.constant 16 : i32
      %mul3A_56 = arith.muli %while3A_53, %mul3A_55 : i32
      "tpu.region"() ({
        %run_scoped3A = tpu.sem_alloc : memref<!tpu.dma_semaphore, #tpu.memory_space<semaphore_mem>>
        %dma_start3A_73 = arith.constant 0 : i32
        %dma_start3A_74 = tpu.memref_slice %arg2[%add3A, %mul3A_56, %dma_start3A_73] : memref<32x128x128xi32, #tpu.memory_space<hbm>> -> memref<1x16x128xi32, #tpu.memory_space<hbm>>
        %dma_start3A_75 = tpu.memref_squeeze %dma_start3A_74 : memref<1x16x128xi32, #tpu.memory_space<hbm>> -> memref<16x128xi32, #tpu.memory_space<hbm>>
        %dma_start3A_76 = arith.constant 0 : i32
        %dma_start3A_77 = tpu.memref_slice %arg2[%add3A, %mul3A_56, %dma_start3A_76] : memref<32x128x128xi32, #tpu.memory_space<hbm>> -> memref<1x16x128xi32, #tpu.memory_space<hbm>>
        %dma_start3A_78 = tpu.memref_squeeze %dma_start3A_77 : memref<1x16x128xi32, #tpu.memory_space<hbm>> -> memref<16x128xi32, #tpu.memory_space<hbm>>
        tpu.enqueue_dma source(%dma_start3A_78 : memref<16x128xi32, #tpu.memory_space<hbm>>) target(%arg8 : memref<16x128xi32, #tpu.memory_space<vmem>>) target_semaphore(%run_scoped3A : memref<!tpu.dma_semaphore, #tpu.memory_space<semaphore_mem>>)
        %dma_wait3A = arith.constant 0 : i32
        %dma_wait3A_79 = tpu.memref_slice %arg2[%add3A, %mul3A_56, %dma_wait3A] : memref<32x128x128xi32, #tpu.memory_space<hbm>> -> memref<1x16x128xi32, #tpu.memory_space<hbm>>
        %dma_wait3A_80 = tpu.memref_squeeze %dma_wait3A_79 : memref<1x16x128xi32, #tpu.memory_space<hbm>> -> memref<16x128xi32, #tpu.memory_space<hbm>>
        %dma_wait3A_81 = arith.constant 0 : i32
        %dma_wait3A_82 = tpu.memref_slice %arg2[%add3A, %mul3A_56, %dma_wait3A_81] : memref<32x128x128xi32, #tpu.memory_space<hbm>> -> memref<1x16x128xi32, #tpu.memory_space<hbm>>
        %dma_wait3A_83 = tpu.memref_squeeze %dma_wait3A_82 : memref<1x16x128xi32, #tpu.memory_space<hbm>> -> memref<16x128xi32, #tpu.memory_space<hbm>>
        tpu.wait_dma2 semaphore(%run_scoped3A : memref<!tpu.dma_semaphore, #tpu.memory_space<semaphore_mem>>) src(%dma_wait3A_83 : memref<16x128xi32, #tpu.memory_space<hbm>>) dst(%arg8 : memref<16x128xi32, #tpu.memory_space<vmem>>)
        tpu.yield
      }) : () -> ()
      %mul3A_57 = arith.constant 16 : i32
      %mul3A_58 = arith.muli %while3A_53, %mul3A_57 : i32
      "tpu.region"() ({
        %run_scoped3A = tpu.sem_alloc : memref<!tpu.dma_semaphore, #tpu.memory_space<semaphore_mem>>
        %dma_start3A_73 = arith.constant 0 : i32
        %dma_start3A_74 = tpu.memref_slice %arg3[%add3A, %mul3A_58, %dma_start3A_73] : memref<32x128x128xi32, #tpu.memory_space<hbm>> -> memref<1x16x128xi32, #tpu.memory_space<hbm>>
        %dma_start3A_75 = tpu.memref_squeeze %dma_start3A_74 : memref<1x16x128xi32, #tpu.memory_space<hbm>> -> memref<16x128xi32, #tpu.memory_space<hbm>>
        %dma_start3A_76 = arith.constant 0 : i32
        %dma_start3A_77 = tpu.memref_slice %arg3[%add3A, %mul3A_58, %dma_start3A_76] : memref<32x128x128xi32, #tpu.memory_space<hbm>> -> memref<1x16x128xi32, #tpu.memory_space<hbm>>
        %dma_start3A_78 = tpu.memref_squeeze %dma_start3A_77 : memref<1x16x128xi32, #tpu.memory_space<hbm>> -> memref<16x128xi32, #tpu.memory_space<hbm>>
        tpu.enqueue_dma source(%dma_start3A_78 : memref<16x128xi32, #tpu.memory_space<hbm>>) target(%arg9 : memref<16x128xi32, #tpu.memory_space<vmem>>) target_semaphore(%run_scoped3A : memref<!tpu.dma_semaphore, #tpu.memory_space<semaphore_mem>>)
        %dma_wait3A = arith.constant 0 : i32
        %dma_wait3A_79 = tpu.memref_slice %arg3[%add3A, %mul3A_58, %dma_wait3A] : memref<32x128x128xi32, #tpu.memory_space<hbm>> -> memref<1x16x128xi32, #tpu.memory_space<hbm>>
        %dma_wait3A_80 = tpu.memref_squeeze %dma_wait3A_79 : memref<1x16x128xi32, #tpu.memory_space<hbm>> -> memref<16x128xi32, #tpu.memory_space<hbm>>
        %dma_wait3A_81 = arith.constant 0 : i32
        %dma_wait3A_82 = tpu.memref_slice %arg3[%add3A, %mul3A_58, %dma_wait3A_81] : memref<32x128x128xi32, #tpu.memory_space<hbm>> -> memref<1x16x128xi32, #tpu.memory_space<hbm>>
        %dma_wait3A_83 = tpu.memref_squeeze %dma_wait3A_82 : memref<1x16x128xi32, #tpu.memory_space<hbm>> -> memref<16x128xi32, #tpu.memory_space<hbm>>
        tpu.wait_dma2 semaphore(%run_scoped3A : memref<!tpu.dma_semaphore, #tpu.memory_space<semaphore_mem>>) src(%dma_wait3A_83 : memref<16x128xi32, #tpu.memory_space<hbm>>) dst(%arg9 : memref<16x128xi32, #tpu.memory_space<vmem>>)
        tpu.yield
      }) : () -> ()
      %dma_start3A = arith.constant 0 : i32
      %dma_start3A_59 = arith.constant 0 : i32
      %dma_start3A_60 = tpu.memref_slice %arg8[%dma_start3A, %dma_start3A_59] : memref<16x128xi32, #tpu.memory_space<vmem>> -> memref<1x128xi32, #tpu.memory_space<vmem>>
      %dma_start3A_61 = tpu.memref_squeeze %dma_start3A_60 : memref<1x128xi32, #tpu.memory_space<vmem>> -> memref<128xi32, #tpu.memory_space<vmem>>
      %dma_start3A_62 = arith.constant 0 : i32
      %dma_start3A_63 = arith.constant 0 : i32
      %dma_start3A_64 = tpu.memref_slice %arg4[%dma_start3A_62, %dma_start3A_63] : memref<10000x128xf32, #tpu.memory_space<hbm>> -> memref<10000x128xf32, #tpu.memory_space<hbm>>
      tpu.enqueue_indirect_dma source(%dma_start3A_64 : memref<10000x128xf32, #tpu.memory_space<hbm>>) target(%arg10 : memref<128x128xf32, #tpu.memory_space<vmem>>) offsets(%dma_start3A_61 : memref<128xi32, #tpu.memory_space<vmem>>) semaphore(%arg13 : memref<!tpu.dma_semaphore, #tpu.memory_space<semaphore_mem>>)
      %scan3A_65 = arith.constant 0 : i32
      %scan3A_66 = arith.constant 0 : i32
      %scan3A_67 = arith.constant 8 : i32
      %scan3A_68 = arith.addi %scan3A_66, %scan3A_67 : i32
      %scan3A_69 = arith.constant 1 : i32
      %scan3A_70 = scf.for %scan3A_73 = %scan3A_66 to %scan3A_68 step %scan3A_69 iter_args(%scan3A_74 = %scan3A_65) -> (i32)  : i32 {
        %mul3A_75 = arith.constant 2 : i32
        %mul3A_76 = arith.muli %mul3A_75, %scan3A_73 : i32
        %add3A_77 = arith.constant 1 : i32
        %add3A_78 = arith.addi %mul3A_76, %add3A_77 : i32
        %dma_start3A_79 = arith.constant 0 : i32
        %dma_start3A_80 = tpu.memref_slice %arg8[%add3A_78, %dma_start3A_79] : memref<16x128xi32, #tpu.memory_space<vmem>> -> memref<1x128xi32, #tpu.memory_space<vmem>>
        %dma_start3A_81 = tpu.memref_squeeze %dma_start3A_80 : memref<1x128xi32, #tpu.memory_space<vmem>> -> memref<128xi32, #tpu.memory_space<vmem>>
        %dma_start3A_82 = arith.constant 0 : i32
        %dma_start3A_83 = arith.constant 0 : i32
        %dma_start3A_84 = tpu.memref_slice %arg4[%dma_start3A_82, %dma_start3A_83] : memref<10000x128xf32, #tpu.memory_space<hbm>> -> memref<10000x128xf32, #tpu.memory_space<hbm>>
        tpu.enqueue_indirect_dma source(%dma_start3A_84 : memref<10000x128xf32, #tpu.memory_space<hbm>>) target(%arg11 : memref<128x128xf32, #tpu.memory_space<vmem>>) offsets(%dma_start3A_81 : memref<128xi32, #tpu.memory_space<vmem>>) semaphore(%arg14 : memref<!tpu.dma_semaphore, #tpu.memory_space<semaphore_mem>>)
        %dma_wait3A = arith.constant 0 : i32
        %dma_wait3A_85 = tpu.memref_slice %arg8[%mul3A_76, %dma_wait3A] : memref<16x128xi32, #tpu.memory_space<vmem>> -> memref<1x128xi32, #tpu.memory_space<vmem>>
        %dma_wait3A_86 = tpu.memref_squeeze %dma_wait3A_85 : memref<1x128xi32, #tpu.memory_space<vmem>> -> memref<128xi32, #tpu.memory_space<vmem>>
        %dma_wait3A_87 = arith.constant 0 : i32
        %dma_wait3A_88 = arith.constant 0 : i32
        %dma_wait3A_89 = tpu.memref_slice %arg4[%dma_wait3A_87, %dma_wait3A_88] : memref<10000x128xf32, #tpu.memory_space<hbm>> -> memref<10000x128xf32, #tpu.memory_space<hbm>>
        tpu.wait_indirect_dma semaphore(%arg13 : memref<!tpu.dma_semaphore, #tpu.memory_space<semaphore_mem>>) src(%dma_wait3A_89 : memref<10000x128xf32, #tpu.memory_space<hbm>>) dst(%arg10 : memref<128x128xf32, #tpu.memory_space<vmem>>)
        "tpu.region"() ({
          %run_scoped3A = tpu.sem_alloc : memref<!tpu.dma_semaphore, #tpu.memory_space<semaphore_mem>>
          %dma_start3A_150 = arith.constant 0 : i32
          %dma_start3A_151 = tpu.memref_slice %arg9[%mul3A_76, %dma_start3A_150] : memref<16x128xi32, #tpu.memory_space<vmem>> -> memref<1x128xi32, #tpu.memory_space<vmem>>
          %dma_start3A_152 = tpu.memref_squeeze %dma_start3A_151 : memref<1x128xi32, #tpu.memory_space<vmem>> -> memref<128xi32, #tpu.memory_space<vmem>>
          %dma_start3A_153 = arith.constant 0 : i32
          %dma_start3A_154 = arith.constant 0 : i32
          %dma_start3A_155 = tpu.memref_slice %arg7[%dma_start3A_153, %dma_start3A_154] : memref<10112x128xf32, #tpu.memory_space<vmem_shared>> -> memref<10112x128xf32, #tpu.memory_space<vmem_shared>>
          tpu.enqueue_indirect_dma source(%arg10 : memref<128x128xf32, #tpu.memory_space<vmem>>) target(%dma_start3A_155 : memref<10112x128xf32, #tpu.memory_space<vmem_shared>>) offsets(%dma_start3A_152 : memref<128xi32, #tpu.memory_space<vmem>>) semaphore(%run_scoped3A : memref<!tpu.dma_semaphore, #tpu.memory_space<semaphore_mem>>) {add = true}
          %dma_wait3A_156 = arith.constant 0 : i32
          %dma_wait3A_157 = tpu.memref_slice %arg9[%mul3A_76, %dma_wait3A_156] : memref<16x128xi32, #tpu.memory_space<vmem>> -> memref<1x128xi32, #tpu.memory_space<vmem>>
          %dma_wait3A_158 = tpu.memref_squeeze %dma_wait3A_157 : memref<1x128xi32, #tpu.memory_space<vmem>> -> memref<128xi32, #tpu.memory_space<vmem>>
          %dma_wait3A_159 = arith.constant 0 : i32
          %dma_wait3A_160 = arith.constant 0 : i32
          %dma_wait3A_161 = tpu.memref_slice %arg7[%dma_wait3A_159, %dma_wait3A_160] : memref<10112x128xf32, #tpu.memory_space<vmem_shared>> -> memref<10112x128xf32, #tpu.memory_space<vmem_shared>>
          tpu.wait_indirect_dma semaphore(%run_scoped3A : memref<!tpu.dma_semaphore, #tpu.memory_space<semaphore_mem>>) src(%arg10 : memref<128x128xf32, #tpu.memory_space<vmem>>) dst(%dma_wait3A_161 : memref<10112x128xf32, #tpu.memory_space<vmem_shared>>)
          tpu.yield
        }) : () -> ()
        %get3A = arith.index_cast %mul3A_76 : i32 to index
        %get3A_90 = arith.constant 0 : index
        %get3A_91 = tpu.vector_load %arg9[%get3A, %get3A_90] {strides = array<i32>} : memref<16x128xi32, #tpu.memory_space<vmem>>, vector<16xi32>,
        tpu.vector_store_idx %arg12[%get3A_91], %broadcast_in_dim3A_34 {add = true} : memref<10112xf32, #tpu.memory_space<vmem>>[vector<16xi32>], vector<16xf32>,
        %get3A_92 = arith.index_cast %mul3A_76 : i32 to index
        %get3A_93 = arith.constant 16 : index
        %get3A_94 = tpu.vector_load %arg9[%get3A_92, %get3A_93] {strides = array<i32>} : memref<16x128xi32, #tpu.memory_space<vmem>>, vector<16xi32>,
        tpu.vector_store_idx %arg12[%get3A_94], %broadcast_in_dim3A_34 {add = true} : memref<10112xf32, #tpu.memory_space<vmem>>[vector<16xi32>], vector<16xf32>,
        %get3A_95 = arith.index_cast %mul3A_76 : i32 to index
        %get3A_96 = arith.constant 32 : index
        %get3A_97 = tpu.vector_load %arg9[%get3A_95, %get3A_96] {strides = array<i32>} : memref<16x128xi32, #tpu.memory_space<vmem>>, vector<16xi32>,
        tpu.vector_store_idx %arg12[%get3A_97], %broadcast_in_dim3A_34 {add = true} : memref<10112xf32, #tpu.memory_space<vmem>>[vector<16xi32>], vector<16xf32>,
        %get3A_98 = arith.index_cast %mul3A_76 : i32 to index
        %get3A_99 = arith.constant 48 : index
        %get3A_100 = tpu.vector_load %arg9[%get3A_98, %get3A_99] {strides = array<i32>} : memref<16x128xi32, #tpu.memory_space<vmem>>, vector<16xi32>,
        tpu.vector_store_idx %arg12[%get3A_100], %broadcast_in_dim3A_34 {add = true} : memref<10112xf32, #tpu.memory_space<vmem>>[vector<16xi32>], vector<16xf32>,
        %get3A_101 = arith.index_cast %mul3A_76 : i32 to index
        %get3A_102 = arith.constant 64 : index
        %get3A_103 = tpu.vector_load %arg9[%get3A_101, %get3A_102] {strides = array<i32>} : memref<16x128xi32, #tpu.memory_space<vmem>>, vector<16xi32>,
        tpu.vector_store_idx %arg12[%get3A_103], %broadcast_in_dim3A_34 {add = true} : memref<10112xf32, #tpu.memory_space<vmem>>[vector<16xi32>], vector<16xf32>,
        %get3A_104 = arith.index_cast %mul3A_76 : i32 to index
        %get3A_105 = arith.constant 80 : index
        %get3A_106 = tpu.vector_load %arg9[%get3A_104, %get3A_105] {strides = array<i32>} : memref<16x128xi32, #tpu.memory_space<vmem>>, vector<16xi32>,
        tpu.vector_store_idx %arg12[%get3A_106], %broadcast_in_dim3A_34 {add = true} : memref<10112xf32, #tpu.memory_space<vmem>>[vector<16xi32>], vector<16xf32>,
        %get3A_107 = arith.index_cast %mul3A_76 : i32 to index
        %get3A_108 = arith.constant 96 : index
        %get3A_109 = tpu.vector_load %arg9[%get3A_107, %get3A_108] {strides = array<i32>} : memref<16x128xi32, #tpu.memory_space<vmem>>, vector<16xi32>,
        tpu.vector_store_idx %arg12[%get3A_109], %broadcast_in_dim3A_34 {add = true} : memref<10112xf32, #tpu.memory_space<vmem>>[vector<16xi32>], vector<16xf32>,
        %get3A_110 = arith.index_cast %mul3A_76 : i32 to index
        %get3A_111 = arith.constant 112 : index
        %get3A_112 = tpu.vector_load %arg9[%get3A_110, %get3A_111] {strides = array<i32>} : memref<16x128xi32, #tpu.memory_space<vmem>>, vector<16xi32>,
        tpu.vector_store_idx %arg12[%get3A_112], %broadcast_in_dim3A_34 {add = true} : memref<10112xf32, #tpu.memory_space<vmem>>[vector<16xi32>], vector<16xf32>,
        %lt3A = arith.constant 7 : i32
        %lt3A_113 = arith.cmpi slt, %scan3A_73, %lt3A : i32
        %convert_element_type3A = arith.extui %lt3A_113 : i1 to i32
        %cond3A = arith.constant 0 : i32
        %cond3A_114 = arith.cmpi ne, %convert_element_type3A, %cond3A : i32
        scf.if %cond3A_114 {
          %add3A_150 = arith.constant 2 : i32
          %add3A_151 = arith.addi %mul3A_76, %add3A_150 : i32
          %dma_start3A_152 = arith.constant 0 : i32
          %dma_start3A_153 = tpu.memref_slice %arg8[%add3A_151, %dma_start3A_152] : memref<16x128xi32, #tpu.memory_space<vmem>> -> memref<1x128xi32, #tpu.memory_space<vmem>>
          %dma_start3A_154 = tpu.memref_squeeze %dma_start3A_153 : memref<1x128xi32, #tpu.memory_space<vmem>> -> memref<128xi32, #tpu.memory_space<vmem>>
          %dma_start3A_155 = arith.constant 0 : i32
          %dma_start3A_156 = arith.constant 0 : i32
          %dma_start3A_157 = tpu.memref_slice %arg4[%dma_start3A_155, %dma_start3A_156] : memref<10000x128xf32, #tpu.memory_space<hbm>> -> memref<10000x128xf32, #tpu.memory_space<hbm>>
          tpu.enqueue_indirect_dma source(%dma_start3A_157 : memref<10000x128xf32, #tpu.memory_space<hbm>>) target(%arg10 : memref<128x128xf32, #tpu.memory_space<vmem>>) offsets(%dma_start3A_154 : memref<128xi32, #tpu.memory_space<vmem>>) semaphore(%arg13 : memref<!tpu.dma_semaphore, #tpu.memory_space<semaphore_mem>>)
        } else {
        }
        %add3A_115 = arith.constant 1 : i32
        %add3A_116 = arith.addi %mul3A_76, %add3A_115 : i32
        %dma_wait3A_117 = arith.constant 0 : i32
        %dma_wait3A_118 = tpu.memref_slice %arg8[%add3A_116, %dma_wait3A_117] : memref<16x128xi32, #tpu.memory_space<vmem>> -> memref<1x128xi32, #tpu.memory_space<vmem>>
        %dma_wait3A_119 = tpu.memref_squeeze %dma_wait3A_118 : memref<1x128xi32, #tpu.memory_space<vmem>> -> memref<128xi32, #tpu.memory_space<vmem>>
        %dma_wait3A_120 = arith.constant 0 : i32
        %dma_wait3A_121 = arith.constant 0 : i32
        %dma_wait3A_122 = tpu.memref_slice %arg4[%dma_wait3A_120, %dma_wait3A_121] : memref<10000x128xf32, #tpu.memory_space<hbm>> -> memref<10000x128xf32, #tpu.memory_space<hbm>>
        tpu.wait_indirect_dma semaphore(%arg14 : memref<!tpu.dma_semaphore, #tpu.memory_space<semaphore_mem>>) src(%dma_wait3A_122 : memref<10000x128xf32, #tpu.memory_space<hbm>>) dst(%arg11 : memref<128x128xf32, #tpu.memory_space<vmem>>)
        %add3A_123 = arith.constant 1 : i32
        %add3A_124 = arith.addi %mul3A_76, %add3A_123 : i32
        "tpu.region"() ({
          %run_scoped3A = tpu.sem_alloc : memref<!tpu.dma_semaphore, #tpu.memory_space<semaphore_mem>>
          %dma_start3A_150 = arith.constant 0 : i32
          %dma_start3A_151 = tpu.memref_slice %arg9[%add3A_124, %dma_start3A_150] : memref<16x128xi32, #tpu.memory_space<vmem>> -> memref<1x128xi32, #tpu.memory_space<vmem>>
          %dma_start3A_152 = tpu.memref_squeeze %dma_start3A_151 : memref<1x128xi32, #tpu.memory_space<vmem>> -> memref<128xi32, #tpu.memory_space<vmem>>
          %dma_start3A_153 = arith.constant 0 : i32
          %dma_start3A_154 = arith.constant 0 : i32
          %dma_start3A_155 = tpu.memref_slice %arg7[%dma_start3A_153, %dma_start3A_154] : memref<10112x128xf32, #tpu.memory_space<vmem_shared>> -> memref<10112x128xf32, #tpu.memory_space<vmem_shared>>
          tpu.enqueue_indirect_dma source(%arg11 : memref<128x128xf32, #tpu.memory_space<vmem>>) target(%dma_start3A_155 : memref<10112x128xf32, #tpu.memory_space<vmem_shared>>) offsets(%dma_start3A_152 : memref<128xi32, #tpu.memory_space<vmem>>) semaphore(%run_scoped3A : memref<!tpu.dma_semaphore, #tpu.memory_space<semaphore_mem>>) {add = true}
          %dma_wait3A_156 = arith.constant 0 : i32
          %dma_wait3A_157 = tpu.memref_slice %arg9[%add3A_124, %dma_wait3A_156] : memref<16x128xi32, #tpu.memory_space<vmem>> -> memref<1x128xi32, #tpu.memory_space<vmem>>
          %dma_wait3A_158 = tpu.memref_squeeze %dma_wait3A_157 : memref<1x128xi32, #tpu.memory_space<vmem>> -> memref<128xi32, #tpu.memory_space<vmem>>
          %dma_wait3A_159 = arith.constant 0 : i32
          %dma_wait3A_160 = arith.constant 0 : i32
          %dma_wait3A_161 = tpu.memref_slice %arg7[%dma_wait3A_159, %dma_wait3A_160] : memref<10112x128xf32, #tpu.memory_space<vmem_shared>> -> memref<10112x128xf32, #tpu.memory_space<vmem_shared>>
          tpu.wait_indirect_dma semaphore(%run_scoped3A : memref<!tpu.dma_semaphore, #tpu.memory_space<semaphore_mem>>) src(%arg11 : memref<128x128xf32, #tpu.memory_space<vmem>>) dst(%dma_wait3A_161 : memref<10112x128xf32, #tpu.memory_space<vmem_shared>>)
          tpu.yield
        }) : () -> ()
        %get3A_125 = arith.index_cast %add3A_124 : i32 to index
        %get3A_126 = arith.constant 0 : index
        %get3A_127 = tpu.vector_load %arg9[%get3A_125, %get3A_126] {strides = array<i32>} : memref<16x128xi32, #tpu.memory_space<vmem>>, vector<16xi32>,
        tpu.vector_store_idx %arg12[%get3A_127], %broadcast_in_dim3A_34 {add = true} : memref<10112xf32, #tpu.memory_space<vmem>>[vector<16xi32>], vector<16xf32>,
        %get3A_128 = arith.index_cast %add3A_124 : i32 to index
        %get3A_129 = arith.constant 16 : index
        %get3A_130 = tpu.vector_load %arg9[%get3A_128, %get3A_129] {strides = array<i32>} : memref<16x128xi32, #tpu.memory_space<vmem>>, vector<16xi32>,
        tpu.vector_store_idx %arg12[%get3A_130], %broadcast_in_dim3A_34 {add = true} : memref<10112xf32, #tpu.memory_space<vmem>>[vector<16xi32>], vector<16xf32>,
        %get3A_131 = arith.index_cast %add3A_124 : i32 to index
        %get3A_132 = arith.constant 32 : index
        %get3A_133 = tpu.vector_load %arg9[%get3A_131, %get3A_132] {strides = array<i32>} : memref<16x128xi32, #tpu.memory_space<vmem>>, vector<16xi32>,
        tpu.vector_store_idx %arg12[%get3A_133], %broadcast_in_dim3A_34 {add = true} : memref<10112xf32, #tpu.memory_space<vmem>>[vector<16xi32>], vector<16xf32>,
        %get3A_134 = arith.index_cast %add3A_124 : i32 to index
        %get3A_135 = arith.constant 48 : index
        %get3A_136 = tpu.vector_load %arg9[%get3A_134, %get3A_135] {strides = array<i32>} : memref<16x128xi32, #tpu.memory_space<vmem>>, vector<16xi32>,
        tpu.vector_store_idx %arg12[%get3A_136], %broadcast_in_dim3A_34 {add = true} : memref<10112xf32, #tpu.memory_space<vmem>>[vector<16xi32>], vector<16xf32>,
        %get3A_137 = arith.index_cast %add3A_124 : i32 to index
        %get3A_138 = arith.constant 64 : index
        %get3A_139 = tpu.vector_load %arg9[%get3A_137, %get3A_138] {strides = array<i32>} : memref<16x128xi32, #tpu.memory_space<vmem>>, vector<16xi32>,
        tpu.vector_store_idx %arg12[%get3A_139], %broadcast_in_dim3A_34 {add = true} : memref<10112xf32, #tpu.memory_space<vmem>>[vector<16xi32>], vector<16xf32>,
        %get3A_140 = arith.index_cast %add3A_124 : i32 to index
        %get3A_141 = arith.constant 80 : index
        %get3A_142 = tpu.vector_load %arg9[%get3A_140, %get3A_141] {strides = array<i32>} : memref<16x128xi32, #tpu.memory_space<vmem>>, vector<16xi32>,
        tpu.vector_store_idx %arg12[%get3A_142], %broadcast_in_dim3A_34 {add = true} : memref<10112xf32, #tpu.memory_space<vmem>>[vector<16xi32>], vector<16xf32>,
        %get3A_143 = arith.index_cast %add3A_124 : i32 to index
        %get3A_144 = arith.constant 96 : index
        %get3A_145 = tpu.vector_load %arg9[%get3A_143, %get3A_144] {strides = array<i32>} : memref<16x128xi32, #tpu.memory_space<vmem>>, vector<16xi32>,
        tpu.vector_store_idx %arg12[%get3A_145], %broadcast_in_dim3A_34 {add = true} : memref<10112xf32, #tpu.memory_space<vmem>>[vector<16xi32>], vector<16xf32>,
        %get3A_146 = arith.index_cast %add3A_124 : i32 to index
        %get3A_147 = arith.constant 112 : index
        %get3A_148 = tpu.vector_load %arg9[%get3A_146, %get3A_147] {strides = array<i32>} : memref<16x128xi32, #tpu.memory_space<vmem>>, vector<16xi32>,
        tpu.vector_store_idx %arg12[%get3A_148], %broadcast_in_dim3A_34 {add = true} : memref<10112xf32, #tpu.memory_space<vmem>>[vector<16xi32>], vector<16xf32>,
        %scan3A_149 = arith.constant 0 : i32
        scf.yield %scan3A_149 : i32
      }
      %scan3A_71 = arith.constant 8 : i32
      %while3A_72 = arith.constant 0 : i32
      scf.yield %while3A_72 : i32
    }
    %while3A_46 = arith.constant 1 : i32
    %while3A_47 = scf.for %while3A_53 = %while3A_43 to %while3A_39 step %while3A_46 iter_args(%while3A_54 = %while3A_45) -> (i32)  : i32 {
      %mul3A_55 = arith.constant 16 : i32
      %mul3A_56 = arith.muli %while3A_53, %mul3A_55 : i32
      "tpu.region"() ({
        %run_scoped3A = tpu.sem_alloc : memref<!tpu.dma_semaphore, #tpu.memory_space<semaphore_mem>>
        %dma_start3A_73 = arith.constant 0 : i32
        %dma_start3A_74 = tpu.memref_slice %arg2[%add3A, %mul3A_56, %dma_start3A_73] : memref<32x128x128xi32, #tpu.memory_space<hbm>> -> memref<1x16x128xi32, #tpu.memory_space<hbm>>
        %dma_start3A_75 = tpu.memref_squeeze %dma_start3A_74 : memref<1x16x128xi32, #tpu.memory_space<hbm>> -> memref<16x128xi32, #tpu.memory_space<hbm>>
        %dma_start3A_76 = arith.constant 0 : i32
        %dma_start3A_77 = tpu.memref_slice %arg2[%add3A, %mul3A_56, %dma_start3A_76] : memref<32x128x128xi32, #tpu.memory_space<hbm>> -> memref<1x16x128xi32, #tpu.memory_space<hbm>>
        %dma_start3A_78 = tpu.memref_squeeze %dma_start3A_77 : memref<1x16x128xi32, #tpu.memory_space<hbm>> -> memref<16x128xi32, #tpu.memory_space<hbm>>
        tpu.enqueue_dma source(%dma_start3A_78 : memref<16x128xi32, #tpu.memory_space<hbm>>) target(%arg8 : memref<16x128xi32, #tpu.memory_space<vmem>>) target_semaphore(%run_scoped3A : memref<!tpu.dma_semaphore, #tpu.memory_space<semaphore_mem>>)
        %dma_wait3A = arith.constant 0 : i32
        %dma_wait3A_79 = tpu.memref_slice %arg2[%add3A, %mul3A_56, %dma_wait3A] : memref<32x128x128xi32, #tpu.memory_space<hbm>> -> memref<1x16x128xi32, #tpu.memory_space<hbm>>
        %dma_wait3A_80 = tpu.memref_squeeze %dma_wait3A_79 : memref<1x16x128xi32, #tpu.memory_space<hbm>> -> memref<16x128xi32, #tpu.memory_space<hbm>>
        %dma_wait3A_81 = arith.constant 0 : i32
        %dma_wait3A_82 = tpu.memref_slice %arg2[%add3A, %mul3A_56, %dma_wait3A_81] : memref<32x128x128xi32, #tpu.memory_space<hbm>> -> memref<1x16x128xi32, #tpu.memory_space<hbm>>
        %dma_wait3A_83 = tpu.memref_squeeze %dma_wait3A_82 : memref<1x16x128xi32, #tpu.memory_space<hbm>> -> memref<16x128xi32, #tpu.memory_space<hbm>>
        tpu.wait_dma2 semaphore(%run_scoped3A : memref<!tpu.dma_semaphore, #tpu.memory_space<semaphore_mem>>) src(%dma_wait3A_83 : memref<16x128xi32, #tpu.memory_space<hbm>>) dst(%arg8 : memref<16x128xi32, #tpu.memory_space<vmem>>)
        tpu.yield
      }) : () -> ()
      %mul3A_57 = arith.constant 16 : i32
      %mul3A_58 = arith.muli %while3A_53, %mul3A_57 : i32
      "tpu.region"() ({
        %run_scoped3A = tpu.sem_alloc : memref<!tpu.dma_semaphore, #tpu.memory_space<semaphore_mem>>
        %dma_start3A_73 = arith.constant 0 : i32
        %dma_start3A_74 = tpu.memref_slice %arg3[%add3A, %mul3A_58, %dma_start3A_73] : memref<32x128x128xi32, #tpu.memory_space<hbm>> -> memref<1x16x128xi32, #tpu.memory_space<hbm>>
        %dma_start3A_75 = tpu.memref_squeeze %dma_start3A_74 : memref<1x16x128xi32, #tpu.memory_space<hbm>> -> memref<16x128xi32, #tpu.memory_space<hbm>>
        %dma_start3A_76 = arith.constant 0 : i32
        %dma_start3A_77 = tpu.memref_slice %arg3[%add3A, %mul3A_58, %dma_start3A_76] : memref<32x128x128xi32, #tpu.memory_space<hbm>> -> memref<1x16x128xi32, #tpu.memory_space<hbm>>
        %dma_start3A_78 = tpu.memref_squeeze %dma_start3A_77 : memref<1x16x128xi32, #tpu.memory_space<hbm>> -> memref<16x128xi32, #tpu.memory_space<hbm>>
        tpu.enqueue_dma source(%dma_start3A_78 : memref<16x128xi32, #tpu.memory_space<hbm>>) target(%arg9 : memref<16x128xi32, #tpu.memory_space<vmem>>) target_semaphore(%run_scoped3A : memref<!tpu.dma_semaphore, #tpu.memory_space<semaphore_mem>>)
        %dma_wait3A = arith.constant 0 : i32
        %dma_wait3A_79 = tpu.memref_slice %arg3[%add3A, %mul3A_58, %dma_wait3A] : memref<32x128x128xi32, #tpu.memory_space<hbm>> -> memref<1x16x128xi32, #tpu.memory_space<hbm>>
        %dma_wait3A_80 = tpu.memref_squeeze %dma_wait3A_79 : memref<1x16x128xi32, #tpu.memory_space<hbm>> -> memref<16x128xi32, #tpu.memory_space<hbm>>
        %dma_wait3A_81 = arith.constant 0 : i32
        %dma_wait3A_82 = tpu.memref_slice %arg3[%add3A, %mul3A_58, %dma_wait3A_81] : memref<32x128x128xi32, #tpu.memory_space<hbm>> -> memref<1x16x128xi32, #tpu.memory_space<hbm>>
        %dma_wait3A_83 = tpu.memref_squeeze %dma_wait3A_82 : memref<1x16x128xi32, #tpu.memory_space<hbm>> -> memref<16x128xi32, #tpu.memory_space<hbm>>
        tpu.wait_dma2 semaphore(%run_scoped3A : memref<!tpu.dma_semaphore, #tpu.memory_space<semaphore_mem>>) src(%dma_wait3A_83 : memref<16x128xi32, #tpu.memory_space<hbm>>) dst(%arg9 : memref<16x128xi32, #tpu.memory_space<vmem>>)
        tpu.yield
      }) : () -> ()
      %dma_start3A = arith.constant 0 : i32
      %dma_start3A_59 = arith.constant 0 : i32
      %dma_start3A_60 = tpu.memref_slice %arg8[%dma_start3A, %dma_start3A_59] : memref<16x128xi32, #tpu.memory_space<vmem>> -> memref<1x128xi32, #tpu.memory_space<vmem>>
      %dma_start3A_61 = tpu.memref_squeeze %dma_start3A_60 : memref<1x128xi32, #tpu.memory_space<vmem>> -> memref<128xi32, #tpu.memory_space<vmem>>
      %dma_start3A_62 = arith.constant 0 : i32
      %dma_start3A_63 = arith.constant 0 : i32
      %dma_start3A_64 = tpu.memref_slice %arg4[%dma_start3A_62, %dma_start3A_63] : memref<10000x128xf32, #tpu.memory_space<hbm>> -> memref<10000x128xf32, #tpu.memory_space<hbm>>
      tpu.enqueue_indirect_dma source(%dma_start3A_64 : memref<10000x128xf32, #tpu.memory_space<hbm>>) target(%arg10 : memref<128x128xf32, #tpu.memory_space<vmem>>) offsets(%dma_start3A_61 : memref<128xi32, #tpu.memory_space<vmem>>) semaphore(%arg13 : memref<!tpu.dma_semaphore, #tpu.memory_space<semaphore_mem>>)
      %scan3A_65 = arith.constant 0 : i32
      %scan3A_66 = arith.constant 0 : i32
      %scan3A_67 = arith.constant 8 : i32
      %scan3A_68 = arith.addi %scan3A_66, %scan3A_67 : i32
      %scan3A_69 = arith.constant 1 : i32
      %scan3A_70 = scf.for %scan3A_73 = %scan3A_66 to %scan3A_68 step %scan3A_69 iter_args(%scan3A_74 = %scan3A_65) -> (i32)  : i32 {
        %mul3A_75 = arith.constant 2 : i32
        %mul3A_76 = arith.muli %mul3A_75, %scan3A_73 : i32
        %add3A_77 = arith.constant 1 : i32
        %add3A_78 = arith.addi %mul3A_76, %add3A_77 : i32
        %dma_start3A_79 = arith.constant 0 : i32
        %dma_start3A_80 = tpu.memref_slice %arg8[%add3A_78, %dma_start3A_79] : memref<16x128xi32, #tpu.memory_space<vmem>> -> memref<1x128xi32, #tpu.memory_space<vmem>>
        %dma_start3A_81 = tpu.memref_squeeze %dma_start3A_80 : memref<1x128xi32, #tpu.memory_space<vmem>> -> memref<128xi32, #tpu.memory_space<vmem>>
        %dma_start3A_82 = arith.constant 0 : i32
        %dma_start3A_83 = arith.constant 0 : i32
        %dma_start3A_84 = tpu.memref_slice %arg4[%dma_start3A_82, %dma_start3A_83] : memref<10000x128xf32, #tpu.memory_space<hbm>> -> memref<10000x128xf32, #tpu.memory_space<hbm>>
        tpu.enqueue_indirect_dma source(%dma_start3A_84 : memref<10000x128xf32, #tpu.memory_space<hbm>>) target(%arg11 : memref<128x128xf32, #tpu.memory_space<vmem>>) offsets(%dma_start3A_81 : memref<128xi32, #tpu.memory_space<vmem>>) semaphore(%arg14 : memref<!tpu.dma_semaphore, #tpu.memory_space<semaphore_mem>>)
        %dma_wait3A = arith.constant 0 : i32
        %dma_wait3A_85 = tpu.memref_slice %arg8[%mul3A_76, %dma_wait3A] : memref<16x128xi32, #tpu.memory_space<vmem>> -> memref<1x128xi32, #tpu.memory_space<vmem>>
        %dma_wait3A_86 = tpu.memref_squeeze %dma_wait3A_85 : memref<1x128xi32, #tpu.memory_space<vmem>> -> memref<128xi32, #tpu.memory_space<vmem>>
        %dma_wait3A_87 = arith.constant 0 : i32
        %dma_wait3A_88 = arith.constant 0 : i32
        %dma_wait3A_89 = tpu.memref_slice %arg4[%dma_wait3A_87, %dma_wait3A_88] : memref<10000x128xf32, #tpu.memory_space<hbm>> -> memref<10000x128xf32, #tpu.memory_space<hbm>>
        tpu.wait_indirect_dma semaphore(%arg13 : memref<!tpu.dma_semaphore, #tpu.memory_space<semaphore_mem>>) src(%dma_wait3A_89 : memref<10000x128xf32, #tpu.memory_space<hbm>>) dst(%arg10 : memref<128x128xf32, #tpu.memory_space<vmem>>)
        "tpu.region"() ({
          %run_scoped3A = tpu.sem_alloc : memref<!tpu.dma_semaphore, #tpu.memory_space<semaphore_mem>>
          %dma_start3A_150 = arith.constant 0 : i32
          %dma_start3A_151 = tpu.memref_slice %arg9[%mul3A_76, %dma_start3A_150] : memref<16x128xi32, #tpu.memory_space<vmem>> -> memref<1x128xi32, #tpu.memory_space<vmem>>
          %dma_start3A_152 = tpu.memref_squeeze %dma_start3A_151 : memref<1x128xi32, #tpu.memory_space<vmem>> -> memref<128xi32, #tpu.memory_space<vmem>>
          %dma_start3A_153 = arith.constant 0 : i32
          %dma_start3A_154 = arith.constant 0 : i32
          %dma_start3A_155 = tpu.memref_slice %arg7[%dma_start3A_153, %dma_start3A_154] : memref<10112x128xf32, #tpu.memory_space<vmem_shared>> -> memref<10112x128xf32, #tpu.memory_space<vmem_shared>>
          tpu.enqueue_indirect_dma source(%arg10 : memref<128x128xf32, #tpu.memory_space<vmem>>) target(%dma_start3A_155 : memref<10112x128xf32, #tpu.memory_space<vmem_shared>>) offsets(%dma_start3A_152 : memref<128xi32, #tpu.memory_space<vmem>>) semaphore(%run_scoped3A : memref<!tpu.dma_semaphore, #tpu.memory_space<semaphore_mem>>) {add = true}
          %dma_wait3A_156 = arith.constant 0 : i32
          %dma_wait3A_157 = tpu.memref_slice %arg9[%mul3A_76, %dma_wait3A_156] : memref<16x128xi32, #tpu.memory_space<vmem>> -> memref<1x128xi32, #tpu.memory_space<vmem>>
          %dma_wait3A_158 = tpu.memref_squeeze %dma_wait3A_157 : memref<1x128xi32, #tpu.memory_space<vmem>> -> memref<128xi32, #tpu.memory_space<vmem>>
          %dma_wait3A_159 = arith.constant 0 : i32
          %dma_wait3A_160 = arith.constant 0 : i32
          %dma_wait3A_161 = tpu.memref_slice %arg7[%dma_wait3A_159, %dma_wait3A_160] : memref<10112x128xf32, #tpu.memory_space<vmem_shared>> -> memref<10112x128xf32, #tpu.memory_space<vmem_shared>>
          tpu.wait_indirect_dma semaphore(%run_scoped3A : memref<!tpu.dma_semaphore, #tpu.memory_space<semaphore_mem>>) src(%arg10 : memref<128x128xf32, #tpu.memory_space<vmem>>) dst(%dma_wait3A_161 : memref<10112x128xf32, #tpu.memory_space<vmem_shared>>)
          tpu.yield
        }) : () -> ()
        %get3A = arith.index_cast %mul3A_76 : i32 to index
        %get3A_90 = arith.constant 0 : index
        %get3A_91 = tpu.vector_load %arg9[%get3A, %get3A_90] {strides = array<i32>} : memref<16x128xi32, #tpu.memory_space<vmem>>, vector<16xi32>,
        tpu.vector_store_idx %arg12[%get3A_91], %broadcast_in_dim3A_34 {add = true} : memref<10112xf32, #tpu.memory_space<vmem>>[vector<16xi32>], vector<16xf32>,
        %get3A_92 = arith.index_cast %mul3A_76 : i32 to index
        %get3A_93 = arith.constant 16 : index
        %get3A_94 = tpu.vector_load %arg9[%get3A_92, %get3A_93] {strides = array<i32>} : memref<16x128xi32, #tpu.memory_space<vmem>>, vector<16xi32>,
        tpu.vector_store_idx %arg12[%get3A_94], %broadcast_in_dim3A_34 {add = true} : memref<10112xf32, #tpu.memory_space<vmem>>[vector<16xi32>], vector<16xf32>,
        %get3A_95 = arith.index_cast %mul3A_76 : i32 to index
        %get3A_96 = arith.constant 32 : index
        %get3A_97 = tpu.vector_load %arg9[%get3A_95, %get3A_96] {strides = array<i32>} : memref<16x128xi32, #tpu.memory_space<vmem>>, vector<16xi32>,
        tpu.vector_store_idx %arg12[%get3A_97], %broadcast_in_dim3A_34 {add = true} : memref<10112xf32, #tpu.memory_space<vmem>>[vector<16xi32>], vector<16xf32>,
        %get3A_98 = arith.index_cast %mul3A_76 : i32 to index
        %get3A_99 = arith.constant 48 : index
        %get3A_100 = tpu.vector_load %arg9[%get3A_98, %get3A_99] {strides = array<i32>} : memref<16x128xi32, #tpu.memory_space<vmem>>, vector<16xi32>,
        tpu.vector_store_idx %arg12[%get3A_100], %broadcast_in_dim3A_34 {add = true} : memref<10112xf32, #tpu.memory_space<vmem>>[vector<16xi32>], vector<16xf32>,
        %get3A_101 = arith.index_cast %mul3A_76 : i32 to index
        %get3A_102 = arith.constant 64 : index
        %get3A_103 = tpu.vector_load %arg9[%get3A_101, %get3A_102] {strides = array<i32>} : memref<16x128xi32, #tpu.memory_space<vmem>>, vector<16xi32>,
        tpu.vector_store_idx %arg12[%get3A_103], %broadcast_in_dim3A_34 {add = true} : memref<10112xf32, #tpu.memory_space<vmem>>[vector<16xi32>], vector<16xf32>,
        %get3A_104 = arith.index_cast %mul3A_76 : i32 to index
        %get3A_105 = arith.constant 80 : index
        %get3A_106 = tpu.vector_load %arg9[%get3A_104, %get3A_105] {strides = array<i32>} : memref<16x128xi32, #tpu.memory_space<vmem>>, vector<16xi32>,
        tpu.vector_store_idx %arg12[%get3A_106], %broadcast_in_dim3A_34 {add = true} : memref<10112xf32, #tpu.memory_space<vmem>>[vector<16xi32>], vector<16xf32>,
        %get3A_107 = arith.index_cast %mul3A_76 : i32 to index
        %get3A_108 = arith.constant 96 : index
        %get3A_109 = tpu.vector_load %arg9[%get3A_107, %get3A_108] {strides = array<i32>} : memref<16x128xi32, #tpu.memory_space<vmem>>, vector<16xi32>,
        tpu.vector_store_idx %arg12[%get3A_109], %broadcast_in_dim3A_34 {add = true} : memref<10112xf32, #tpu.memory_space<vmem>>[vector<16xi32>], vector<16xf32>,
        %get3A_110 = arith.index_cast %mul3A_76 : i32 to index
        %get3A_111 = arith.constant 112 : index
        %get3A_112 = tpu.vector_load %arg9[%get3A_110, %get3A_111] {strides = array<i32>} : memref<16x128xi32, #tpu.memory_space<vmem>>, vector<16xi32>,
        tpu.vector_store_idx %arg12[%get3A_112], %broadcast_in_dim3A_34 {add = true} : memref<10112xf32, #tpu.memory_space<vmem>>[vector<16xi32>], vector<16xf32>,
        %lt3A = arith.constant 7 : i32
        %lt3A_113 = arith.cmpi slt, %scan3A_73, %lt3A : i32
        %convert_element_type3A = arith.extui %lt3A_113 : i1 to i32
        %cond3A = arith.constant 0 : i32
        %cond3A_114 = arith.cmpi ne, %convert_element_type3A, %cond3A : i32
        scf.if %cond3A_114 {
          %add3A_150 = arith.constant 2 : i32
          %add3A_151 = arith.addi %mul3A_76, %add3A_150 : i32
          %dma_start3A_152 = arith.constant 0 : i32
          %dma_start3A_153 = tpu.memref_slice %arg8[%add3A_151, %dma_start3A_152] : memref<16x128xi32, #tpu.memory_space<vmem>> -> memref<1x128xi32, #tpu.memory_space<vmem>>
          %dma_start3A_154 = tpu.memref_squeeze %dma_start3A_153 : memref<1x128xi32, #tpu.memory_space<vmem>> -> memref<128xi32, #tpu.memory_space<vmem>>
          %dma_start3A_155 = arith.constant 0 : i32
          %dma_start3A_156 = arith.constant 0 : i32
          %dma_start3A_157 = tpu.memref_slice %arg4[%dma_start3A_155, %dma_start3A_156] : memref<10000x128xf32, #tpu.memory_space<hbm>> -> memref<10000x128xf32, #tpu.memory_space<hbm>>
          tpu.enqueue_indirect_dma source(%dma_start3A_157 : memref<10000x128xf32, #tpu.memory_space<hbm>>) target(%arg10 : memref<128x128xf32, #tpu.memory_space<vmem>>) offsets(%dma_start3A_154 : memref<128xi32, #tpu.memory_space<vmem>>) semaphore(%arg13 : memref<!tpu.dma_semaphore, #tpu.memory_space<semaphore_mem>>)
        } else {
        }
        %add3A_115 = arith.constant 1 : i32
        %add3A_116 = arith.addi %mul3A_76, %add3A_115 : i32
        %dma_wait3A_117 = arith.constant 0 : i32
        %dma_wait3A_118 = tpu.memref_slice %arg8[%add3A_116, %dma_wait3A_117] : memref<16x128xi32, #tpu.memory_space<vmem>> -> memref<1x128xi32, #tpu.memory_space<vmem>>
        %dma_wait3A_119 = tpu.memref_squeeze %dma_wait3A_118 : memref<1x128xi32, #tpu.memory_space<vmem>> -> memref<128xi32, #tpu.memory_space<vmem>>
        %dma_wait3A_120 = arith.constant 0 : i32
        %dma_wait3A_121 = arith.constant 0 : i32
        %dma_wait3A_122 = tpu.memref_slice %arg4[%dma_wait3A_120, %dma_wait3A_121] : memref<10000x128xf32, #tpu.memory_space<hbm>> -> memref<10000x128xf32, #tpu.memory_space<hbm>>
        tpu.wait_indirect_dma semaphore(%arg14 : memref<!tpu.dma_semaphore, #tpu.memory_space<semaphore_mem>>) src(%dma_wait3A_122 : memref<10000x128xf32, #tpu.memory_space<hbm>>) dst(%arg11 : memref<128x128xf32, #tpu.memory_space<vmem>>)
        %add3A_123 = arith.constant 1 : i32
        %add3A_124 = arith.addi %mul3A_76, %add3A_123 : i32
        "tpu.region"() ({
          %run_scoped3A = tpu.sem_alloc : memref<!tpu.dma_semaphore, #tpu.memory_space<semaphore_mem>>
          %dma_start3A_150 = arith.constant 0 : i32
          %dma_start3A_151 = tpu.memref_slice %arg9[%add3A_124, %dma_start3A_150] : memref<16x128xi32, #tpu.memory_space<vmem>> -> memref<1x128xi32, #tpu.memory_space<vmem>>
          %dma_start3A_152 = tpu.memref_squeeze %dma_start3A_151 : memref<1x128xi32, #tpu.memory_space<vmem>> -> memref<128xi32, #tpu.memory_space<vmem>>
          %dma_start3A_153 = arith.constant 0 : i32
          %dma_start3A_154 = arith.constant 0 : i32
          %dma_start3A_155 = tpu.memref_slice %arg7[%dma_start3A_153, %dma_start3A_154] : memref<10112x128xf32, #tpu.memory_space<vmem_shared>> -> memref<10112x128xf32, #tpu.memory_space<vmem_shared>>
          tpu.enqueue_indirect_dma source(%arg11 : memref<128x128xf32, #tpu.memory_space<vmem>>) target(%dma_start3A_155 : memref<10112x128xf32, #tpu.memory_space<vmem_shared>>) offsets(%dma_start3A_152 : memref<128xi32, #tpu.memory_space<vmem>>) semaphore(%run_scoped3A : memref<!tpu.dma_semaphore, #tpu.memory_space<semaphore_mem>>) {add = true}
          %dma_wait3A_156 = arith.constant 0 : i32
          %dma_wait3A_157 = tpu.memref_slice %arg9[%add3A_124, %dma_wait3A_156] : memref<16x128xi32, #tpu.memory_space<vmem>> -> memref<1x128xi32, #tpu.memory_space<vmem>>
          %dma_wait3A_158 = tpu.memref_squeeze %dma_wait3A_157 : memref<1x128xi32, #tpu.memory_space<vmem>> -> memref<128xi32, #tpu.memory_space<vmem>>
          %dma_wait3A_159 = arith.constant 0 : i32
          %dma_wait3A_160 = arith.constant 0 : i32
          %dma_wait3A_161 = tpu.memref_slice %arg7[%dma_wait3A_159, %dma_wait3A_160] : memref<10112x128xf32, #tpu.memory_space<vmem_shared>> -> memref<10112x128xf32, #tpu.memory_space<vmem_shared>>
          tpu.wait_indirect_dma semaphore(%run_scoped3A : memref<!tpu.dma_semaphore, #tpu.memory_space<semaphore_mem>>) src(%arg11 : memref<128x128xf32, #tpu.memory_space<vmem>>) dst(%dma_wait3A_161 : memref<10112x128xf32, #tpu.memory_space<vmem_shared>>)
          tpu.yield
        }) : () -> ()
        %get3A_125 = arith.index_cast %add3A_124 : i32 to index
        %get3A_126 = arith.constant 0 : index
        %get3A_127 = tpu.vector_load %arg9[%get3A_125, %get3A_126] {strides = array<i32>} : memref<16x128xi32, #tpu.memory_space<vmem>>, vector<16xi32>,
        tpu.vector_store_idx %arg12[%get3A_127], %broadcast_in_dim3A_34 {add = true} : memref<10112xf32, #tpu.memory_space<vmem>>[vector<16xi32>], vector<16xf32>,
        %get3A_128 = arith.index_cast %add3A_124 : i32 to index
        %get3A_129 = arith.constant 16 : index
        %get3A_130 = tpu.vector_load %arg9[%get3A_128, %get3A_129] {strides = array<i32>} : memref<16x128xi32, #tpu.memory_space<vmem>>, vector<16xi32>,
        tpu.vector_store_idx %arg12[%get3A_130], %broadcast_in_dim3A_34 {add = true} : memref<10112xf32, #tpu.memory_space<vmem>>[vector<16xi32>], vector<16xf32>,
        %get3A_131 = arith.index_cast %add3A_124 : i32 to index
        %get3A_132 = arith.constant 32 : index
        %get3A_133 = tpu.vector_load %arg9[%get3A_131, %get3A_132] {strides = array<i32>} : memref<16x128xi32, #tpu.memory_space<vmem>>, vector<16xi32>,
        tpu.vector_store_idx %arg12[%get3A_133], %broadcast_in_dim3A_34 {add = true} : memref<10112xf32, #tpu.memory_space<vmem>>[vector<16xi32>], vector<16xf32>,
        %get3A_134 = arith.index_cast %add3A_124 : i32 to index
        %get3A_135 = arith.constant 48 : index
        %get3A_136 = tpu.vector_load %arg9[%get3A_134, %get3A_135] {strides = array<i32>} : memref<16x128xi32, #tpu.memory_space<vmem>>, vector<16xi32>,
        tpu.vector_store_idx %arg12[%get3A_136], %broadcast_in_dim3A_34 {add = true} : memref<10112xf32, #tpu.memory_space<vmem>>[vector<16xi32>], vector<16xf32>,
        %get3A_137 = arith.index_cast %add3A_124 : i32 to index
        %get3A_138 = arith.constant 64 : index
        %get3A_139 = tpu.vector_load %arg9[%get3A_137, %get3A_138] {strides = array<i32>} : memref<16x128xi32, #tpu.memory_space<vmem>>, vector<16xi32>,
        tpu.vector_store_idx %arg12[%get3A_139], %broadcast_in_dim3A_34 {add = true} : memref<10112xf32, #tpu.memory_space<vmem>>[vector<16xi32>], vector<16xf32>,
        %get3A_140 = arith.index_cast %add3A_124 : i32 to index
        %get3A_141 = arith.constant 80 : index
        %get3A_142 = tpu.vector_load %arg9[%get3A_140, %get3A_141] {strides = array<i32>} : memref<16x128xi32, #tpu.memory_space<vmem>>, vector<16xi32>,
        tpu.vector_store_idx %arg12[%get3A_142], %broadcast_in_dim3A_34 {add = true} : memref<10112xf32, #tpu.memory_space<vmem>>[vector<16xi32>], vector<16xf32>,
        %get3A_143 = arith.index_cast %add3A_124 : i32 to index
        %get3A_144 = arith.constant 96 : index
        %get3A_145 = tpu.vector_load %arg9[%get3A_143, %get3A_144] {strides = array<i32>} : memref<16x128xi32, #tpu.memory_space<vmem>>, vector<16xi32>,
        tpu.vector_store_idx %arg12[%get3A_145], %broadcast_in_dim3A_34 {add = true} : memref<10112xf32, #tpu.memory_space<vmem>>[vector<16xi32>], vector<16xf32>,
        %get3A_146 = arith.index_cast %add3A_124 : i32 to index
        %get3A_147 = arith.constant 112 : index
        %get3A_148 = tpu.vector_load %arg9[%get3A_146, %get3A_147] {strides = array<i32>} : memref<16x128xi32, #tpu.memory_space<vmem>>, vector<16xi32>,
        tpu.vector_store_idx %arg12[%get3A_148], %broadcast_in_dim3A_34 {add = true} : memref<10112xf32, #tpu.memory_space<vmem>>[vector<16xi32>], vector<16xf32>,
        %scan3A_149 = arith.constant 0 : i32
        scf.yield %scan3A_149 : i32
      }
      %scan3A_71 = arith.constant 8 : i32
      %while3A_72 = arith.constant 0 : i32
      scf.yield %while3A_72 : i32
    }
    %barrier3A_48 = arith.constant 0 : index
    tpu.barrier barrier_id(%barrier3A_48)
    %mul3A_49 = arith.constant 632 : i32
    %mul3A_50 = arith.muli %arg1, %mul3A_49 : i32
    %mul3A_51 = arith.constant 632 : i32
    %mul3A_52 = arith.muli %arg1, %mul3A_51 : i32
    "tpu.region"() ({
      %run_scoped3A = tpu.sem_alloc : memref<!tpu.dma_semaphore, #tpu.memory_space<semaphore_mem>>
      %dma_start3A = arith.constant 0 : i32
      %dma_start3A_53 = tpu.memref_slice %arg5[%arg0, %mul3A_52, %dma_start3A] : memref<2x10112x128xf32, #tpu.memory_space<hbm>> -> memref<1x632x128xf32, #tpu.memory_space<hbm>>
      %dma_start3A_54 = tpu.memref_squeeze %dma_start3A_53 : memref<1x632x128xf32, #tpu.memory_space<hbm>> -> memref<632x128xf32, #tpu.memory_space<hbm>>
      %dma_start3A_55 = arith.constant 0 : i32
      %dma_start3A_56 = tpu.memref_slice %arg7[%mul3A_50, %dma_start3A_55] : memref<10112x128xf32, #tpu.memory_space<vmem_shared>> -> memref<632x128xf32, #tpu.memory_space<vmem_shared>>
      tpu.enqueue_dma source(%dma_start3A_56 : memref<632x128xf32, #tpu.memory_space<vmem_shared>>) target(%dma_start3A_54 : memref<632x128xf32, #tpu.memory_space<hbm>>) target_semaphore(%run_scoped3A : memref<!tpu.dma_semaphore, #tpu.memory_space<semaphore_mem>>)
      %dma_wait3A = arith.constant 0 : i32
      %dma_wait3A_57 = tpu.memref_slice %arg5[%arg0, %mul3A_52, %dma_wait3A] : memref<2x10112x128xf32, #tpu.memory_space<hbm>> -> memref<1x632x128xf32, #tpu.memory_space<hbm>>
      %dma_wait3A_58 = tpu.memref_squeeze %dma_wait3A_57 : memref<1x632x128xf32, #tpu.memory_space<hbm>> -> memref<632x128xf32, #tpu.memory_space<hbm>>
      %dma_wait3A_59 = arith.constant 0 : i32
      %dma_wait3A_60 = tpu.memref_slice %arg7[%mul3A_50, %dma_wait3A_59] : memref<10112x128xf32, #tpu.memory_space<vmem_shared>> -> memref<632x128xf32, #tpu.memory_space<vmem_shared>>
      tpu.wait_dma2 semaphore(%run_scoped3A : memref<!tpu.dma_semaphore, #tpu.memory_space<semaphore_mem>>) src(%dma_wait3A_60 : memref<632x128xf32, #tpu.memory_space<vmem_shared>>) dst(%dma_wait3A_58 : memref<632x128xf32, #tpu.memory_space<hbm>>)
      tpu.yield
    }) : () -> ()
    "tpu.region"() ({
      %run_scoped3A = tpu.sem_alloc : memref<!tpu.dma_semaphore, #tpu.memory_space<semaphore_mem>>
      %dma_start3A = arith.constant 0 : i32
      %dma_start3A_53 = tpu.memref_slice %arg6[%arg0, %arg1, %dma_start3A] : memref<2x16x10112xf32, #tpu.memory_space<hbm>> -> memref<1x1x10112xf32, #tpu.memory_space<hbm>>
      %dma_start3A_54 = tpu.memref_squeeze %dma_start3A_53 : memref<1x1x10112xf32, #tpu.memory_space<hbm>> -> memref<10112xf32, #tpu.memory_space<hbm>>
      %dma_start3A_55 = arith.constant 0 : i32
      %dma_start3A_56 = tpu.memref_slice %arg6[%arg0, %arg1, %dma_start3A_55] : memref<2x16x10112xf32, #tpu.memory_space<hbm>> -> memref<1x1x10112xf32, #tpu.memory_space<hbm>>
      %dma_start3A_57 = tpu.memref_squeeze %dma_start3A_56 : memref<1x1x10112xf32, #tpu.memory_space<hbm>> -> memref<10112xf32, #tpu.memory_space<hbm>>
      tpu.enqueue_dma source(%arg12 : memref<10112xf32, #tpu.memory_space<vmem>>) target(%dma_start3A_57 : memref<10112xf32, #tpu.memory_space<hbm>>) target_semaphore(%run_scoped3A : memref<!tpu.dma_semaphore, #tpu.memory_space<semaphore_mem>>)
      %dma_wait3A = arith.constant 0 : i32
      %dma_wait3A_58 = tpu.memref_slice %arg6[%arg0, %arg1, %dma_wait3A] : memref<2x16x10112xf32, #tpu.memory_space<hbm>> -> memref<1x1x10112xf32, #tpu.memory_space<hbm>>
      %dma_wait3A_59 = tpu.memref_squeeze %dma_wait3A_58 : memref<1x1x10112xf32, #tpu.memory_space<hbm>> -> memref<10112xf32, #tpu.memory_space<hbm>>
      %dma_wait3A_60 = arith.constant 0 : i32
      %dma_wait3A_61 = tpu.memref_slice %arg6[%arg0, %arg1, %dma_wait3A_60] : memref<2x16x10112xf32, #tpu.memory_space<hbm>> -> memref<1x1x10112xf32, #tpu.memory_space<hbm>>
      %dma_wait3A_62 = tpu.memref_squeeze %dma_wait3A_61 : memref<1x1x10112xf32, #tpu.memory_space<hbm>> -> memref<10112xf32, #tpu.memory_space<hbm>>
      tpu.wait_dma2 semaphore(%run_scoped3A : memref<!tpu.dma_semaphore, #tpu.memory_space<semaphore_mem>>) src(%arg12 : memref<10112xf32, #tpu.memory_space<vmem>>) dst(%dma_wait3A_62 : memref<10112xf32, #tpu.memory_space<hbm>>)
      tpu.yield
    }) : () -> ()
    return
  }
}

#map = affine_map<(d0, d1) -> (0, 0, 0)>
#map1 = affine_map<(d0, d1) -> (0, 0)>
module attributes {stable_mosaic.version = 14 : i64} {
  func.func @_sc_agg_body(%arg0: i32, %arg1: i32, %arg2: memref<32x128x128xi32, #tpu.memory_space<hbm>>, %arg3: memref<32x128x128xi32, #tpu.memory_space<hbm>>, %arg4: memref<10000x128xf32, #tpu.memory_space<hbm>>, %arg5: memref<2x10112x128xf32, #tpu.memory_space<hbm>>, %arg6: memref<10112x128xf32, #tpu.memory_space<vmem_shared>>, %arg7: memref<16x128xi32, #tpu.memory_space<vmem>>, %arg8: memref<16x128xi32, #tpu.memory_space<vmem>>, %arg9: memref<128x128xf32, #tpu.memory_space<vmem>>, %arg10: memref<128x128xf32, #tpu.memory_space<vmem>>, %arg11: memref<!tpu.dma_semaphore, #tpu.memory_space<semaphore_mem>>, %arg12: memref<!tpu.dma_semaphore, #tpu.memory_space<semaphore_mem>>) attributes {dimension_semantics = [#tpu.dimension_semantics<core_parallel>, #tpu.dimension_semantics<subcore_parallel>], iteration_bounds = array<i64: 2, 16>, scalar_prefetch = 0 : i64, scratch_operands = 7 : i64, tpu.core_type = #tpu.core_type<sc_vector_subcore>, window_params = [{transform_indices = #map}, {transform_indices = #map}, {transform_indices = #map1}, {transform_indices = #map}]} {
    %mul3A = arith.constant 2 : i32
    %mul3A_0 = arith.muli %arg1, %mul3A : i32
    %add3A = arith.addi %mul3A_0, %arg0 : i32
    %scan3A = arith.constant 0 : i32
    %scan3A_1 = arith.constant 0 : i32
    %scan3A_2 = arith.constant 128 : i32
    %scan3A_3 = arith.addi %scan3A_1, %scan3A_2 : i32
    %scan3A_4 = arith.constant 1 : i32
    %scan3A_5 = scf.for %scan3A_46 = %scan3A_1 to %scan3A_3 step %scan3A_4 iter_args(%scan3A_47 = %scan3A) -> (i32)  : i32 {
      %broadcast_in_dim3A_48 = arith.constant 0.000000e+00 : f32
      %broadcast_in_dim3A_49 = vector.broadcast %broadcast_in_dim3A_48 : f32 to vector<16xf32>
      %swap3A = arith.index_cast %scan3A_46 : i32 to index
      %swap3A_50 = arith.constant 0 : index
      %swap3A_51 = tpu.vector_load %arg9[%swap3A, %swap3A_50] {strides = array<i32>} : memref<128x128xf32, #tpu.memory_space<vmem>>, vector<16xf32>,
      tpu.vector_store %arg9[%swap3A, %swap3A_50], %broadcast_in_dim3A_49 {strides = array<i32>} : memref<128x128xf32, #tpu.memory_space<vmem>>, vector<16xf32>,
      %broadcast_in_dim3A_52 = arith.constant 0.000000e+00 : f32
      %broadcast_in_dim3A_53 = vector.broadcast %broadcast_in_dim3A_52 : f32 to vector<16xf32>
      %swap3A_54 = arith.index_cast %scan3A_46 : i32 to index
      %swap3A_55 = arith.constant 16 : index
      %swap3A_56 = tpu.vector_load %arg9[%swap3A_54, %swap3A_55] {strides = array<i32>} : memref<128x128xf32, #tpu.memory_space<vmem>>, vector<16xf32>,
      tpu.vector_store %arg9[%swap3A_54, %swap3A_55], %broadcast_in_dim3A_53 {strides = array<i32>} : memref<128x128xf32, #tpu.memory_space<vmem>>, vector<16xf32>,
      %broadcast_in_dim3A_57 = arith.constant 0.000000e+00 : f32
      %broadcast_in_dim3A_58 = vector.broadcast %broadcast_in_dim3A_57 : f32 to vector<16xf32>
      %swap3A_59 = arith.index_cast %scan3A_46 : i32 to index
      %swap3A_60 = arith.constant 32 : index
      %swap3A_61 = tpu.vector_load %arg9[%swap3A_59, %swap3A_60] {strides = array<i32>} : memref<128x128xf32, #tpu.memory_space<vmem>>, vector<16xf32>,
      tpu.vector_store %arg9[%swap3A_59, %swap3A_60], %broadcast_in_dim3A_58 {strides = array<i32>} : memref<128x128xf32, #tpu.memory_space<vmem>>, vector<16xf32>,
      %broadcast_in_dim3A_62 = arith.constant 0.000000e+00 : f32
      %broadcast_in_dim3A_63 = vector.broadcast %broadcast_in_dim3A_62 : f32 to vector<16xf32>
      %swap3A_64 = arith.index_cast %scan3A_46 : i32 to index
      %swap3A_65 = arith.constant 48 : index
      %swap3A_66 = tpu.vector_load %arg9[%swap3A_64, %swap3A_65] {strides = array<i32>} : memref<128x128xf32, #tpu.memory_space<vmem>>, vector<16xf32>,
      tpu.vector_store %arg9[%swap3A_64, %swap3A_65], %broadcast_in_dim3A_63 {strides = array<i32>} : memref<128x128xf32, #tpu.memory_space<vmem>>, vector<16xf32>,
      %broadcast_in_dim3A_67 = arith.constant 0.000000e+00 : f32
      %broadcast_in_dim3A_68 = vector.broadcast %broadcast_in_dim3A_67 : f32 to vector<16xf32>
      %swap3A_69 = arith.index_cast %scan3A_46 : i32 to index
      %swap3A_70 = arith.constant 64 : index
      %swap3A_71 = tpu.vector_load %arg9[%swap3A_69, %swap3A_70] {strides = array<i32>} : memref<128x128xf32, #tpu.memory_space<vmem>>, vector<16xf32>,
      tpu.vector_store %arg9[%swap3A_69, %swap3A_70], %broadcast_in_dim3A_68 {strides = array<i32>} : memref<128x128xf32, #tpu.memory_space<vmem>>, vector<16xf32>,
      %broadcast_in_dim3A_72 = arith.constant 0.000000e+00 : f32
      %broadcast_in_dim3A_73 = vector.broadcast %broadcast_in_dim3A_72 : f32 to vector<16xf32>
      %swap3A_74 = arith.index_cast %scan3A_46 : i32 to index
      %swap3A_75 = arith.constant 80 : index
      %swap3A_76 = tpu.vector_load %arg9[%swap3A_74, %swap3A_75] {strides = array<i32>} : memref<128x128xf32, #tpu.memory_space<vmem>>, vector<16xf32>,
      tpu.vector_store %arg9[%swap3A_74, %swap3A_75], %broadcast_in_dim3A_73 {strides = array<i32>} : memref<128x128xf32, #tpu.memory_space<vmem>>, vector<16xf32>,
      %broadcast_in_dim3A_77 = arith.constant 0.000000e+00 : f32
      %broadcast_in_dim3A_78 = vector.broadcast %broadcast_in_dim3A_77 : f32 to vector<16xf32>
      %swap3A_79 = arith.index_cast %scan3A_46 : i32 to index
      %swap3A_80 = arith.constant 96 : index
      %swap3A_81 = tpu.vector_load %arg9[%swap3A_79, %swap3A_80] {strides = array<i32>} : memref<128x128xf32, #tpu.memory_space<vmem>>, vector<16xf32>,
      tpu.vector_store %arg9[%swap3A_79, %swap3A_80], %broadcast_in_dim3A_78 {strides = array<i32>} : memref<128x128xf32, #tpu.memory_space<vmem>>, vector<16xf32>,
      %broadcast_in_dim3A_82 = arith.constant 0.000000e+00 : f32
      %broadcast_in_dim3A_83 = vector.broadcast %broadcast_in_dim3A_82 : f32 to vector<16xf32>
      %swap3A_84 = arith.index_cast %scan3A_46 : i32 to index
      %swap3A_85 = arith.constant 112 : index
      %swap3A_86 = tpu.vector_load %arg9[%swap3A_84, %swap3A_85] {strides = array<i32>} : memref<128x128xf32, #tpu.memory_space<vmem>>, vector<16xf32>,
      tpu.vector_store %arg9[%swap3A_84, %swap3A_85], %broadcast_in_dim3A_83 {strides = array<i32>} : memref<128x128xf32, #tpu.memory_space<vmem>>, vector<16xf32>,
      %scan3A_87 = arith.constant 0 : i32
      scf.yield %scan3A_87 : i32
    }
    %scan3A_6 = arith.constant 128 : i32
    %mul3A_7 = arith.constant 632 : i32
    %mul3A_8 = arith.muli %arg1, %mul3A_7 : i32
    %add3A_9 = arith.constant 0 : i32
    %add3A_10 = arith.addi %mul3A_8, %add3A_9 : i32
    "tpu.region"() ({
      %run_scoped3A = tpu.sem_alloc : memref<!tpu.dma_semaphore, #tpu.memory_space<semaphore_mem>>
      %dma_start3A = arith.constant 0 : i32
      %dma_start3A_46 = tpu.memref_slice %arg6[%add3A_10, %dma_start3A] : memref<10112x128xf32, #tpu.memory_space<vmem_shared>> -> memref<128x128xf32, #tpu.memory_space<vmem_shared>>
      %dma_start3A_47 = arith.constant 0 : i32
      %dma_start3A_48 = tpu.memref_slice %arg6[%add3A_10, %dma_start3A_47] : memref<10112x128xf32, #tpu.memory_space<vmem_shared>> -> memref<128x128xf32, #tpu.memory_space<vmem_shared>>
      tpu.enqueue_dma source(%arg9 : memref<128x128xf32, #tpu.memory_space<vmem>>) target(%dma_start3A_48 : memref<128x128xf32, #tpu.memory_space<vmem_shared>>) target_semaphore(%run_scoped3A : memref<!tpu.dma_semaphore, #tpu.memory_space<semaphore_mem>>)
      %dma_wait3A = arith.constant 0 : i32
      %dma_wait3A_49 = tpu.memref_slice %arg6[%add3A_10, %dma_wait3A] : memref<10112x128xf32, #tpu.memory_space<vmem_shared>> -> memref<128x128xf32, #tpu.memory_space<vmem_shared>>
      %dma_wait3A_50 = arith.constant 0 : i32
      %dma_wait3A_51 = tpu.memref_slice %arg6[%add3A_10, %dma_wait3A_50] : memref<10112x128xf32, #tpu.memory_space<vmem_shared>> -> memref<128x128xf32, #tpu.memory_space<vmem_shared>>
      tpu.wait_dma2 semaphore(%run_scoped3A : memref<!tpu.dma_semaphore, #tpu.memory_space<semaphore_mem>>) src(%arg9 : memref<128x128xf32, #tpu.memory_space<vmem>>) dst(%dma_wait3A_51 : memref<128x128xf32, #tpu.memory_space<vmem_shared>>)
      tpu.yield
    }) : () -> ()
    %mul3A_11 = arith.constant 632 : i32
    %mul3A_12 = arith.muli %arg1, %mul3A_11 : i32
    %add3A_13 = arith.constant 128 : i32
    %add3A_14 = arith.addi %mul3A_12, %add3A_13 : i32
    "tpu.region"() ({
      %run_scoped3A = tpu.sem_alloc : memref<!tpu.dma_semaphore, #tpu.memory_space<semaphore_mem>>
      %dma_start3A = arith.constant 0 : i32
      %dma_start3A_46 = tpu.memref_slice %arg6[%add3A_14, %dma_start3A] : memref<10112x128xf32, #tpu.memory_space<vmem_shared>> -> memref<128x128xf32, #tpu.memory_space<vmem_shared>>
      %dma_start3A_47 = arith.constant 0 : i32
      %dma_start3A_48 = tpu.memref_slice %arg6[%add3A_14, %dma_start3A_47] : memref<10112x128xf32, #tpu.memory_space<vmem_shared>> -> memref<128x128xf32, #tpu.memory_space<vmem_shared>>
      tpu.enqueue_dma source(%arg9 : memref<128x128xf32, #tpu.memory_space<vmem>>) target(%dma_start3A_48 : memref<128x128xf32, #tpu.memory_space<vmem_shared>>) target_semaphore(%run_scoped3A : memref<!tpu.dma_semaphore, #tpu.memory_space<semaphore_mem>>)
      %dma_wait3A = arith.constant 0 : i32
      %dma_wait3A_49 = tpu.memref_slice %arg6[%add3A_14, %dma_wait3A] : memref<10112x128xf32, #tpu.memory_space<vmem_shared>> -> memref<128x128xf32, #tpu.memory_space<vmem_shared>>
      %dma_wait3A_50 = arith.constant 0 : i32
      %dma_wait3A_51 = tpu.memref_slice %arg6[%add3A_14, %dma_wait3A_50] : memref<10112x128xf32, #tpu.memory_space<vmem_shared>> -> memref<128x128xf32, #tpu.memory_space<vmem_shared>>
      tpu.wait_dma2 semaphore(%run_scoped3A : memref<!tpu.dma_semaphore, #tpu.memory_space<semaphore_mem>>) src(%arg9 : memref<128x128xf32, #tpu.memory_space<vmem>>) dst(%dma_wait3A_51 : memref<128x128xf32, #tpu.memory_space<vmem_shared>>)
      tpu.yield
    }) : () -> ()
    %mul3A_15 = arith.constant 632 : i32
    %mul3A_16 = arith.muli %arg1, %mul3A_15 : i32
    %add3A_17 = arith.constant 256 : i32
    %add3A_18 = arith.addi %mul3A_16, %add3A_17 : i32
    "tpu.region"() ({
      %run_scoped3A = tpu.sem_alloc : memref<!tpu.dma_semaphore, #tpu.memory_space<semaphore_mem>>
      %dma_start3A = arith.constant 0 : i32
      %dma_start3A_46 = tpu.memref_slice %arg6[%add3A_18, %dma_start3A] : memref<10112x128xf32, #tpu.memory_space<vmem_shared>> -> memref<128x128xf32, #tpu.memory_space<vmem_shared>>
      %dma_start3A_47 = arith.constant 0 : i32
      %dma_start3A_48 = tpu.memref_slice %arg6[%add3A_18, %dma_start3A_47] : memref<10112x128xf32, #tpu.memory_space<vmem_shared>> -> memref<128x128xf32, #tpu.memory_space<vmem_shared>>
      tpu.enqueue_dma source(%arg9 : memref<128x128xf32, #tpu.memory_space<vmem>>) target(%dma_start3A_48 : memref<128x128xf32, #tpu.memory_space<vmem_shared>>) target_semaphore(%run_scoped3A : memref<!tpu.dma_semaphore, #tpu.memory_space<semaphore_mem>>)
      %dma_wait3A = arith.constant 0 : i32
      %dma_wait3A_49 = tpu.memref_slice %arg6[%add3A_18, %dma_wait3A] : memref<10112x128xf32, #tpu.memory_space<vmem_shared>> -> memref<128x128xf32, #tpu.memory_space<vmem_shared>>
      %dma_wait3A_50 = arith.constant 0 : i32
      %dma_wait3A_51 = tpu.memref_slice %arg6[%add3A_18, %dma_wait3A_50] : memref<10112x128xf32, #tpu.memory_space<vmem_shared>> -> memref<128x128xf32, #tpu.memory_space<vmem_shared>>
      tpu.wait_dma2 semaphore(%run_scoped3A : memref<!tpu.dma_semaphore, #tpu.memory_space<semaphore_mem>>) src(%arg9 : memref<128x128xf32, #tpu.memory_space<vmem>>) dst(%dma_wait3A_51 : memref<128x128xf32, #tpu.memory_space<vmem_shared>>)
      tpu.yield
    }) : () -> ()
    %mul3A_19 = arith.constant 632 : i32
    %mul3A_20 = arith.muli %arg1, %mul3A_19 : i32
    %add3A_21 = arith.constant 384 : i32
    %add3A_22 = arith.addi %mul3A_20, %add3A_21 : i32
    "tpu.region"() ({
      %run_scoped3A = tpu.sem_alloc : memref<!tpu.dma_semaphore, #tpu.memory_space<semaphore_mem>>
      %dma_start3A = arith.constant 0 : i32
      %dma_start3A_46 = tpu.memref_slice %arg6[%add3A_22, %dma_start3A] : memref<10112x128xf32, #tpu.memory_space<vmem_shared>> -> memref<128x128xf32, #tpu.memory_space<vmem_shared>>
      %dma_start3A_47 = arith.constant 0 : i32
      %dma_start3A_48 = tpu.memref_slice %arg6[%add3A_22, %dma_start3A_47] : memref<10112x128xf32, #tpu.memory_space<vmem_shared>> -> memref<128x128xf32, #tpu.memory_space<vmem_shared>>
      tpu.enqueue_dma source(%arg9 : memref<128x128xf32, #tpu.memory_space<vmem>>) target(%dma_start3A_48 : memref<128x128xf32, #tpu.memory_space<vmem_shared>>) target_semaphore(%run_scoped3A : memref<!tpu.dma_semaphore, #tpu.memory_space<semaphore_mem>>)
      %dma_wait3A = arith.constant 0 : i32
      %dma_wait3A_49 = tpu.memref_slice %arg6[%add3A_22, %dma_wait3A] : memref<10112x128xf32, #tpu.memory_space<vmem_shared>> -> memref<128x128xf32, #tpu.memory_space<vmem_shared>>
      %dma_wait3A_50 = arith.constant 0 : i32
      %dma_wait3A_51 = tpu.memref_slice %arg6[%add3A_22, %dma_wait3A_50] : memref<10112x128xf32, #tpu.memory_space<vmem_shared>> -> memref<128x128xf32, #tpu.memory_space<vmem_shared>>
      tpu.wait_dma2 semaphore(%run_scoped3A : memref<!tpu.dma_semaphore, #tpu.memory_space<semaphore_mem>>) src(%arg9 : memref<128x128xf32, #tpu.memory_space<vmem>>) dst(%dma_wait3A_51 : memref<128x128xf32, #tpu.memory_space<vmem_shared>>)
      tpu.yield
    }) : () -> ()
    %mul3A_23 = arith.constant 632 : i32
    %mul3A_24 = arith.muli %arg1, %mul3A_23 : i32
    %add3A_25 = arith.constant 512 : i32
    %add3A_26 = arith.addi %mul3A_24, %add3A_25 : i32
    "tpu.region"() ({
      %run_scoped3A = tpu.sem_alloc : memref<!tpu.dma_semaphore, #tpu.memory_space<semaphore_mem>>
      %dma_start3A = arith.constant 0 : i32
      %dma_start3A_46 = arith.constant 0 : i32
      %dma_start3A_47 = tpu.memref_slice %arg9[%dma_start3A, %dma_start3A_46] : memref<128x128xf32, #tpu.memory_space<vmem>> -> memref<120x128xf32, #tpu.memory_space<vmem>>
      %dma_start3A_48 = arith.constant 0 : i32
      %dma_start3A_49 = tpu.memref_slice %arg6[%add3A_26, %dma_start3A_48] : memref<10112x128xf32, #tpu.memory_space<vmem_shared>> -> memref<120x128xf32, #tpu.memory_space<vmem_shared>>
      %dma_start3A_50 = arith.constant 0 : i32
      %dma_start3A_51 = tpu.memref_slice %arg6[%add3A_26, %dma_start3A_50] : memref<10112x128xf32, #tpu.memory_space<vmem_shared>> -> memref<120x128xf32, #tpu.memory_space<vmem_shared>>
      %dma_start3A_52 = arith.constant 0 : i32
      %dma_start3A_53 = arith.constant 0 : i32
      %dma_start3A_54 = tpu.memref_slice %arg9[%dma_start3A_52, %dma_start3A_53] : memref<128x128xf32, #tpu.memory_space<vmem>> -> memref<120x128xf32, #tpu.memory_space<vmem>>
      tpu.enqueue_dma source(%dma_start3A_54 : memref<120x128xf32, #tpu.memory_space<vmem>>) target(%dma_start3A_51 : memref<120x128xf32, #tpu.memory_space<vmem_shared>>) target_semaphore(%run_scoped3A : memref<!tpu.dma_semaphore, #tpu.memory_space<semaphore_mem>>)
      %dma_wait3A = arith.constant 0 : i32
      %dma_wait3A_55 = arith.constant 0 : i32
      %dma_wait3A_56 = tpu.memref_slice %arg9[%dma_wait3A, %dma_wait3A_55] : memref<128x128xf32, #tpu.memory_space<vmem>> -> memref<120x128xf32, #tpu.memory_space<vmem>>
      %dma_wait3A_57 = arith.constant 0 : i32
      %dma_wait3A_58 = tpu.memref_slice %arg6[%add3A_26, %dma_wait3A_57] : memref<10112x128xf32, #tpu.memory_space<vmem_shared>> -> memref<120x128xf32, #tpu.memory_space<vmem_shared>>
      %dma_wait3A_59 = arith.constant 0 : i32
      %dma_wait3A_60 = tpu.memref_slice %arg6[%add3A_26, %dma_wait3A_59] : memref<10112x128xf32, #tpu.memory_space<vmem_shared>> -> memref<120x128xf32, #tpu.memory_space<vmem_shared>>
      %dma_wait3A_61 = arith.constant 0 : i32
      %dma_wait3A_62 = arith.constant 0 : i32
      %dma_wait3A_63 = tpu.memref_slice %arg9[%dma_wait3A_61, %dma_wait3A_62] : memref<128x128xf32, #tpu.memory_space<vmem>> -> memref<120x128xf32, #tpu.memory_space<vmem>>
      tpu.wait_dma2 semaphore(%run_scoped3A : memref<!tpu.dma_semaphore, #tpu.memory_space<semaphore_mem>>) src(%dma_wait3A_63 : memref<120x128xf32, #tpu.memory_space<vmem>>) dst(%dma_wait3A_60 : memref<120x128xf32, #tpu.memory_space<vmem_shared>>)
      tpu.yield
    }) : () -> ()
    %barrier3A = arith.constant 0 : index
    tpu.barrier barrier_id(%barrier3A)
    %broadcast_in_dim3A = arith.constant 1.000000e+00 : f32
    %broadcast_in_dim3A_27 = vector.broadcast %broadcast_in_dim3A : f32 to vector<16xf32>
    %eq3A = arith.constant 1 : i32
    %eq3A_28 = arith.cmpi eq, %arg0, %eq3A : i32
    %jit3A = arith.constant 2 : i32
    %jit3A_29 = arith.constant 8 : i32
    %select_n3A = arith.select %eq3A_28, %jit3A, %jit3A_29 : i32
    %while3A = arith.constant 0 : i32
    %while3A_30 = arith.constant 0 : i32
    %while3A_31 = arith.subi %select_n3A, %while3A : i32
    %while3A_32 = arith.addi %while3A, %while3A_31 : i32
    %while3A_33 = arith.constant 1 : i32
    %while3A_34 = arith.divsi %while3A_31, %while3A_33 : i32
    %while3A_35 = arith.muli %while3A_34, %while3A_33 : i32
    %while3A_36 = arith.addi %while3A, %while3A_35 : i32
    %while3A_37 = arith.constant 1 : i32
    %while3A_38 = scf.for %while3A_46 = %while3A to %while3A_36 step %while3A_37 iter_args(%while3A_47 = %while3A_30) -> (i32)  : i32 {
      %mul3A_48 = arith.constant 16 : i32
      %mul3A_49 = arith.muli %while3A_46, %mul3A_48 : i32
      "tpu.region"() ({
        %run_scoped3A = tpu.sem_alloc : memref<!tpu.dma_semaphore, #tpu.memory_space<semaphore_mem>>
        %dma_start3A_66 = arith.constant 0 : i32
        %dma_start3A_67 = tpu.memref_slice %arg2[%add3A, %mul3A_49, %dma_start3A_66] : memref<32x128x128xi32, #tpu.memory_space<hbm>> -> memref<1x16x128xi32, #tpu.memory_space<hbm>>
        %dma_start3A_68 = tpu.memref_squeeze %dma_start3A_67 : memref<1x16x128xi32, #tpu.memory_space<hbm>> -> memref<16x128xi32, #tpu.memory_space<hbm>>
        %dma_start3A_69 = arith.constant 0 : i32
        %dma_start3A_70 = tpu.memref_slice %arg2[%add3A, %mul3A_49, %dma_start3A_69] : memref<32x128x128xi32, #tpu.memory_space<hbm>> -> memref<1x16x128xi32, #tpu.memory_space<hbm>>
        %dma_start3A_71 = tpu.memref_squeeze %dma_start3A_70 : memref<1x16x128xi32, #tpu.memory_space<hbm>> -> memref<16x128xi32, #tpu.memory_space<hbm>>
        tpu.enqueue_dma source(%dma_start3A_71 : memref<16x128xi32, #tpu.memory_space<hbm>>) target(%arg7 : memref<16x128xi32, #tpu.memory_space<vmem>>) target_semaphore(%run_scoped3A : memref<!tpu.dma_semaphore, #tpu.memory_space<semaphore_mem>>)
        %dma_wait3A = arith.constant 0 : i32
        %dma_wait3A_72 = tpu.memref_slice %arg2[%add3A, %mul3A_49, %dma_wait3A] : memref<32x128x128xi32, #tpu.memory_space<hbm>> -> memref<1x16x128xi32, #tpu.memory_space<hbm>>
        %dma_wait3A_73 = tpu.memref_squeeze %dma_wait3A_72 : memref<1x16x128xi32, #tpu.memory_space<hbm>> -> memref<16x128xi32, #tpu.memory_space<hbm>>
        %dma_wait3A_74 = arith.constant 0 : i32
        %dma_wait3A_75 = tpu.memref_slice %arg2[%add3A, %mul3A_49, %dma_wait3A_74] : memref<32x128x128xi32, #tpu.memory_space<hbm>> -> memref<1x16x128xi32, #tpu.memory_space<hbm>>
        %dma_wait3A_76 = tpu.memref_squeeze %dma_wait3A_75 : memref<1x16x128xi32, #tpu.memory_space<hbm>> -> memref<16x128xi32, #tpu.memory_space<hbm>>
        tpu.wait_dma2 semaphore(%run_scoped3A : memref<!tpu.dma_semaphore, #tpu.memory_space<semaphore_mem>>) src(%dma_wait3A_76 : memref<16x128xi32, #tpu.memory_space<hbm>>) dst(%arg7 : memref<16x128xi32, #tpu.memory_space<vmem>>)
        tpu.yield
      }) : () -> ()
      %mul3A_50 = arith.constant 16 : i32
      %mul3A_51 = arith.muli %while3A_46, %mul3A_50 : i32
      "tpu.region"() ({
        %run_scoped3A = tpu.sem_alloc : memref<!tpu.dma_semaphore, #tpu.memory_space<semaphore_mem>>
        %dma_start3A_66 = arith.constant 0 : i32
        %dma_start3A_67 = tpu.memref_slice %arg3[%add3A, %mul3A_51, %dma_start3A_66] : memref<32x128x128xi32, #tpu.memory_space<hbm>> -> memref<1x16x128xi32, #tpu.memory_space<hbm>>
        %dma_start3A_68 = tpu.memref_squeeze %dma_start3A_67 : memref<1x16x128xi32, #tpu.memory_space<hbm>> -> memref<16x128xi32, #tpu.memory_space<hbm>>
        %dma_start3A_69 = arith.constant 0 : i32
        %dma_start3A_70 = tpu.memref_slice %arg3[%add3A, %mul3A_51, %dma_start3A_69] : memref<32x128x128xi32, #tpu.memory_space<hbm>> -> memref<1x16x128xi32, #tpu.memory_space<hbm>>
        %dma_start3A_71 = tpu.memref_squeeze %dma_start3A_70 : memref<1x16x128xi32, #tpu.memory_space<hbm>> -> memref<16x128xi32, #tpu.memory_space<hbm>>
        tpu.enqueue_dma source(%dma_start3A_71 : memref<16x128xi32, #tpu.memory_space<hbm>>) target(%arg8 : memref<16x128xi32, #tpu.memory_space<vmem>>) target_semaphore(%run_scoped3A : memref<!tpu.dma_semaphore, #tpu.memory_space<semaphore_mem>>)
        %dma_wait3A = arith.constant 0 : i32
        %dma_wait3A_72 = tpu.memref_slice %arg3[%add3A, %mul3A_51, %dma_wait3A] : memref<32x128x128xi32, #tpu.memory_space<hbm>> -> memref<1x16x128xi32, #tpu.memory_space<hbm>>
        %dma_wait3A_73 = tpu.memref_squeeze %dma_wait3A_72 : memref<1x16x128xi32, #tpu.memory_space<hbm>> -> memref<16x128xi32, #tpu.memory_space<hbm>>
        %dma_wait3A_74 = arith.constant 0 : i32
        %dma_wait3A_75 = tpu.memref_slice %arg3[%add3A, %mul3A_51, %dma_wait3A_74] : memref<32x128x128xi32, #tpu.memory_space<hbm>> -> memref<1x16x128xi32, #tpu.memory_space<hbm>>
        %dma_wait3A_76 = tpu.memref_squeeze %dma_wait3A_75 : memref<1x16x128xi32, #tpu.memory_space<hbm>> -> memref<16x128xi32, #tpu.memory_space<hbm>>
        tpu.wait_dma2 semaphore(%run_scoped3A : memref<!tpu.dma_semaphore, #tpu.memory_space<semaphore_mem>>) src(%dma_wait3A_76 : memref<16x128xi32, #tpu.memory_space<hbm>>) dst(%arg8 : memref<16x128xi32, #tpu.memory_space<vmem>>)
        tpu.yield
      }) : () -> ()
      %dma_start3A = arith.constant 0 : i32
      %dma_start3A_52 = arith.constant 0 : i32
      %dma_start3A_53 = tpu.memref_slice %arg7[%dma_start3A, %dma_start3A_52] : memref<16x128xi32, #tpu.memory_space<vmem>> -> memref<1x128xi32, #tpu.memory_space<vmem>>
      %dma_start3A_54 = tpu.memref_squeeze %dma_start3A_53 : memref<1x128xi32, #tpu.memory_space<vmem>> -> memref<128xi32, #tpu.memory_space<vmem>>
      %dma_start3A_55 = arith.constant 0 : i32
      %dma_start3A_56 = arith.constant 0 : i32
      %dma_start3A_57 = tpu.memref_slice %arg4[%dma_start3A_55, %dma_start3A_56] : memref<10000x128xf32, #tpu.memory_space<hbm>> -> memref<10000x128xf32, #tpu.memory_space<hbm>>
      tpu.enqueue_indirect_dma source(%dma_start3A_57 : memref<10000x128xf32, #tpu.memory_space<hbm>>) target(%arg9 : memref<128x128xf32, #tpu.memory_space<vmem>>) offsets(%dma_start3A_54 : memref<128xi32, #tpu.memory_space<vmem>>) semaphore(%arg11 : memref<!tpu.dma_semaphore, #tpu.memory_space<semaphore_mem>>)
      %scan3A_58 = arith.constant 0 : i32
      %scan3A_59 = arith.constant 0 : i32
      %scan3A_60 = arith.constant 8 : i32
      %scan3A_61 = arith.addi %scan3A_59, %scan3A_60 : i32
      %scan3A_62 = arith.constant 1 : i32
      %scan3A_63 = scf.for %scan3A_66 = %scan3A_59 to %scan3A_61 step %scan3A_62 iter_args(%scan3A_67 = %scan3A_58) -> (i32)  : i32 {
        %mul3A_68 = arith.constant 2 : i32
        %mul3A_69 = arith.muli %mul3A_68, %scan3A_66 : i32
        %add3A_70 = arith.constant 1 : i32
        %add3A_71 = arith.addi %mul3A_69, %add3A_70 : i32
        %dma_start3A_72 = arith.constant 0 : i32
        %dma_start3A_73 = tpu.memref_slice %arg7[%add3A_71, %dma_start3A_72] : memref<16x128xi32, #tpu.memory_space<vmem>> -> memref<1x128xi32, #tpu.memory_space<vmem>>
        %dma_start3A_74 = tpu.memref_squeeze %dma_start3A_73 : memref<1x128xi32, #tpu.memory_space<vmem>> -> memref<128xi32, #tpu.memory_space<vmem>>
        %dma_start3A_75 = arith.constant 0 : i32
        %dma_start3A_76 = arith.constant 0 : i32
        %dma_start3A_77 = tpu.memref_slice %arg4[%dma_start3A_75, %dma_start3A_76] : memref<10000x128xf32, #tpu.memory_space<hbm>> -> memref<10000x128xf32, #tpu.memory_space<hbm>>
        tpu.enqueue_indirect_dma source(%dma_start3A_77 : memref<10000x128xf32, #tpu.memory_space<hbm>>) target(%arg10 : memref<128x128xf32, #tpu.memory_space<vmem>>) offsets(%dma_start3A_74 : memref<128xi32, #tpu.memory_space<vmem>>) semaphore(%arg12 : memref<!tpu.dma_semaphore, #tpu.memory_space<semaphore_mem>>)
        %dma_wait3A = arith.constant 0 : i32
        %dma_wait3A_78 = tpu.memref_slice %arg7[%mul3A_69, %dma_wait3A] : memref<16x128xi32, #tpu.memory_space<vmem>> -> memref<1x128xi32, #tpu.memory_space<vmem>>
        %dma_wait3A_79 = tpu.memref_squeeze %dma_wait3A_78 : memref<1x128xi32, #tpu.memory_space<vmem>> -> memref<128xi32, #tpu.memory_space<vmem>>
        %dma_wait3A_80 = arith.constant 0 : i32
        %dma_wait3A_81 = arith.constant 0 : i32
        %dma_wait3A_82 = tpu.memref_slice %arg4[%dma_wait3A_80, %dma_wait3A_81] : memref<10000x128xf32, #tpu.memory_space<hbm>> -> memref<10000x128xf32, #tpu.memory_space<hbm>>
        tpu.wait_indirect_dma semaphore(%arg11 : memref<!tpu.dma_semaphore, #tpu.memory_space<semaphore_mem>>) src(%dma_wait3A_82 : memref<10000x128xf32, #tpu.memory_space<hbm>>) dst(%arg9 : memref<128x128xf32, #tpu.memory_space<vmem>>)
        "tpu.region"() ({
          %run_scoped3A = tpu.sem_alloc : memref<!tpu.dma_semaphore, #tpu.memory_space<semaphore_mem>>
          %dma_start3A_96 = arith.constant 0 : i32
          %dma_start3A_97 = tpu.memref_slice %arg8[%mul3A_69, %dma_start3A_96] : memref<16x128xi32, #tpu.memory_space<vmem>> -> memref<1x128xi32, #tpu.memory_space<vmem>>
          %dma_start3A_98 = tpu.memref_squeeze %dma_start3A_97 : memref<1x128xi32, #tpu.memory_space<vmem>> -> memref<128xi32, #tpu.memory_space<vmem>>
          %dma_start3A_99 = arith.constant 0 : i32
          %dma_start3A_100 = arith.constant 0 : i32
          %dma_start3A_101 = tpu.memref_slice %arg6[%dma_start3A_99, %dma_start3A_100] : memref<10112x128xf32, #tpu.memory_space<vmem_shared>> -> memref<10112x128xf32, #tpu.memory_space<vmem_shared>>
          tpu.enqueue_indirect_dma source(%arg9 : memref<128x128xf32, #tpu.memory_space<vmem>>) target(%dma_start3A_101 : memref<10112x128xf32, #tpu.memory_space<vmem_shared>>) offsets(%dma_start3A_98 : memref<128xi32, #tpu.memory_space<vmem>>) semaphore(%run_scoped3A : memref<!tpu.dma_semaphore, #tpu.memory_space<semaphore_mem>>) {add = true}
          %dma_wait3A_102 = arith.constant 0 : i32
          %dma_wait3A_103 = tpu.memref_slice %arg8[%mul3A_69, %dma_wait3A_102] : memref<16x128xi32, #tpu.memory_space<vmem>> -> memref<1x128xi32, #tpu.memory_space<vmem>>
          %dma_wait3A_104 = tpu.memref_squeeze %dma_wait3A_103 : memref<1x128xi32, #tpu.memory_space<vmem>> -> memref<128xi32, #tpu.memory_space<vmem>>
          %dma_wait3A_105 = arith.constant 0 : i32
          %dma_wait3A_106 = arith.constant 0 : i32
          %dma_wait3A_107 = tpu.memref_slice %arg6[%dma_wait3A_105, %dma_wait3A_106] : memref<10112x128xf32, #tpu.memory_space<vmem_shared>> -> memref<10112x128xf32, #tpu.memory_space<vmem_shared>>
          tpu.wait_indirect_dma semaphore(%run_scoped3A : memref<!tpu.dma_semaphore, #tpu.memory_space<semaphore_mem>>) src(%arg9 : memref<128x128xf32, #tpu.memory_space<vmem>>) dst(%dma_wait3A_107 : memref<10112x128xf32, #tpu.memory_space<vmem_shared>>)
          tpu.yield
        }) : () -> ()
        %lt3A = arith.constant 7 : i32
        %lt3A_83 = arith.cmpi slt, %scan3A_66, %lt3A : i32
        %convert_element_type3A = arith.extui %lt3A_83 : i1 to i32
        %cond3A = arith.constant 0 : i32
        %cond3A_84 = arith.cmpi ne, %convert_element_type3A, %cond3A : i32
        scf.if %cond3A_84 {
          %add3A_96 = arith.constant 2 : i32
          %add3A_97 = arith.addi %mul3A_69, %add3A_96 : i32
          %dma_start3A_98 = arith.constant 0 : i32
          %dma_start3A_99 = tpu.memref_slice %arg7[%add3A_97, %dma_start3A_98] : memref<16x128xi32, #tpu.memory_space<vmem>> -> memref<1x128xi32, #tpu.memory_space<vmem>>
          %dma_start3A_100 = tpu.memref_squeeze %dma_start3A_99 : memref<1x128xi32, #tpu.memory_space<vmem>> -> memref<128xi32, #tpu.memory_space<vmem>>
          %dma_start3A_101 = arith.constant 0 : i32
          %dma_start3A_102 = arith.constant 0 : i32
          %dma_start3A_103 = tpu.memref_slice %arg4[%dma_start3A_101, %dma_start3A_102] : memref<10000x128xf32, #tpu.memory_space<hbm>> -> memref<10000x128xf32, #tpu.memory_space<hbm>>
          tpu.enqueue_indirect_dma source(%dma_start3A_103 : memref<10000x128xf32, #tpu.memory_space<hbm>>) target(%arg9 : memref<128x128xf32, #tpu.memory_space<vmem>>) offsets(%dma_start3A_100 : memref<128xi32, #tpu.memory_space<vmem>>) semaphore(%arg11 : memref<!tpu.dma_semaphore, #tpu.memory_space<semaphore_mem>>)
        } else {
        }
        %add3A_85 = arith.constant 1 : i32
        %add3A_86 = arith.addi %mul3A_69, %add3A_85 : i32
        %dma_wait3A_87 = arith.constant 0 : i32
        %dma_wait3A_88 = tpu.memref_slice %arg7[%add3A_86, %dma_wait3A_87] : memref<16x128xi32, #tpu.memory_space<vmem>> -> memref<1x128xi32, #tpu.memory_space<vmem>>
        %dma_wait3A_89 = tpu.memref_squeeze %dma_wait3A_88 : memref<1x128xi32, #tpu.memory_space<vmem>> -> memref<128xi32, #tpu.memory_space<vmem>>
        %dma_wait3A_90 = arith.constant 0 : i32
        %dma_wait3A_91 = arith.constant 0 : i32
        %dma_wait3A_92 = tpu.memref_slice %arg4[%dma_wait3A_90, %dma_wait3A_91] : memref<10000x128xf32, #tpu.memory_space<hbm>> -> memref<10000x128xf32, #tpu.memory_space<hbm>>
        tpu.wait_indirect_dma semaphore(%arg12 : memref<!tpu.dma_semaphore, #tpu.memory_space<semaphore_mem>>) src(%dma_wait3A_92 : memref<10000x128xf32, #tpu.memory_space<hbm>>) dst(%arg10 : memref<128x128xf32, #tpu.memory_space<vmem>>)
        %add3A_93 = arith.constant 1 : i32
        %add3A_94 = arith.addi %mul3A_69, %add3A_93 : i32
        "tpu.region"() ({
          %run_scoped3A = tpu.sem_alloc : memref<!tpu.dma_semaphore, #tpu.memory_space<semaphore_mem>>
          %dma_start3A_96 = arith.constant 0 : i32
          %dma_start3A_97 = tpu.memref_slice %arg8[%add3A_94, %dma_start3A_96] : memref<16x128xi32, #tpu.memory_space<vmem>> -> memref<1x128xi32, #tpu.memory_space<vmem>>
          %dma_start3A_98 = tpu.memref_squeeze %dma_start3A_97 : memref<1x128xi32, #tpu.memory_space<vmem>> -> memref<128xi32, #tpu.memory_space<vmem>>
          %dma_start3A_99 = arith.constant 0 : i32
          %dma_start3A_100 = arith.constant 0 : i32
          %dma_start3A_101 = tpu.memref_slice %arg6[%dma_start3A_99, %dma_start3A_100] : memref<10112x128xf32, #tpu.memory_space<vmem_shared>> -> memref<10112x128xf32, #tpu.memory_space<vmem_shared>>
          tpu.enqueue_indirect_dma source(%arg10 : memref<128x128xf32, #tpu.memory_space<vmem>>) target(%dma_start3A_101 : memref<10112x128xf32, #tpu.memory_space<vmem_shared>>) offsets(%dma_start3A_98 : memref<128xi32, #tpu.memory_space<vmem>>) semaphore(%run_scoped3A : memref<!tpu.dma_semaphore, #tpu.memory_space<semaphore_mem>>) {add = true}
          %dma_wait3A_102 = arith.constant 0 : i32
          %dma_wait3A_103 = tpu.memref_slice %arg8[%add3A_94, %dma_wait3A_102] : memref<16x128xi32, #tpu.memory_space<vmem>> -> memref<1x128xi32, #tpu.memory_space<vmem>>
          %dma_wait3A_104 = tpu.memref_squeeze %dma_wait3A_103 : memref<1x128xi32, #tpu.memory_space<vmem>> -> memref<128xi32, #tpu.memory_space<vmem>>
          %dma_wait3A_105 = arith.constant 0 : i32
          %dma_wait3A_106 = arith.constant 0 : i32
          %dma_wait3A_107 = tpu.memref_slice %arg6[%dma_wait3A_105, %dma_wait3A_106] : memref<10112x128xf32, #tpu.memory_space<vmem_shared>> -> memref<10112x128xf32, #tpu.memory_space<vmem_shared>>
          tpu.wait_indirect_dma semaphore(%run_scoped3A : memref<!tpu.dma_semaphore, #tpu.memory_space<semaphore_mem>>) src(%arg10 : memref<128x128xf32, #tpu.memory_space<vmem>>) dst(%dma_wait3A_107 : memref<10112x128xf32, #tpu.memory_space<vmem_shared>>)
          tpu.yield
        }) : () -> ()
        %scan3A_95 = arith.constant 0 : i32
        scf.yield %scan3A_95 : i32
      }
      %scan3A_64 = arith.constant 8 : i32
      %while3A_65 = arith.constant 0 : i32
      scf.yield %while3A_65 : i32
    }
    %while3A_39 = arith.constant 1 : i32
    %while3A_40 = scf.for %while3A_46 = %while3A_36 to %while3A_32 step %while3A_39 iter_args(%while3A_47 = %while3A_38) -> (i32)  : i32 {
      %mul3A_48 = arith.constant 16 : i32
      %mul3A_49 = arith.muli %while3A_46, %mul3A_48 : i32
      "tpu.region"() ({
        %run_scoped3A = tpu.sem_alloc : memref<!tpu.dma_semaphore, #tpu.memory_space<semaphore_mem>>
        %dma_start3A_66 = arith.constant 0 : i32
        %dma_start3A_67 = tpu.memref_slice %arg2[%add3A, %mul3A_49, %dma_start3A_66] : memref<32x128x128xi32, #tpu.memory_space<hbm>> -> memref<1x16x128xi32, #tpu.memory_space<hbm>>
        %dma_start3A_68 = tpu.memref_squeeze %dma_start3A_67 : memref<1x16x128xi32, #tpu.memory_space<hbm>> -> memref<16x128xi32, #tpu.memory_space<hbm>>
        %dma_start3A_69 = arith.constant 0 : i32
        %dma_start3A_70 = tpu.memref_slice %arg2[%add3A, %mul3A_49, %dma_start3A_69] : memref<32x128x128xi32, #tpu.memory_space<hbm>> -> memref<1x16x128xi32, #tpu.memory_space<hbm>>
        %dma_start3A_71 = tpu.memref_squeeze %dma_start3A_70 : memref<1x16x128xi32, #tpu.memory_space<hbm>> -> memref<16x128xi32, #tpu.memory_space<hbm>>
        tpu.enqueue_dma source(%dma_start3A_71 : memref<16x128xi32, #tpu.memory_space<hbm>>) target(%arg7 : memref<16x128xi32, #tpu.memory_space<vmem>>) target_semaphore(%run_scoped3A : memref<!tpu.dma_semaphore, #tpu.memory_space<semaphore_mem>>)
        %dma_wait3A = arith.constant 0 : i32
        %dma_wait3A_72 = tpu.memref_slice %arg2[%add3A, %mul3A_49, %dma_wait3A] : memref<32x128x128xi32, #tpu.memory_space<hbm>> -> memref<1x16x128xi32, #tpu.memory_space<hbm>>
        %dma_wait3A_73 = tpu.memref_squeeze %dma_wait3A_72 : memref<1x16x128xi32, #tpu.memory_space<hbm>> -> memref<16x128xi32, #tpu.memory_space<hbm>>
        %dma_wait3A_74 = arith.constant 0 : i32
        %dma_wait3A_75 = tpu.memref_slice %arg2[%add3A, %mul3A_49, %dma_wait3A_74] : memref<32x128x128xi32, #tpu.memory_space<hbm>> -> memref<1x16x128xi32, #tpu.memory_space<hbm>>
        %dma_wait3A_76 = tpu.memref_squeeze %dma_wait3A_75 : memref<1x16x128xi32, #tpu.memory_space<hbm>> -> memref<16x128xi32, #tpu.memory_space<hbm>>
        tpu.wait_dma2 semaphore(%run_scoped3A : memref<!tpu.dma_semaphore, #tpu.memory_space<semaphore_mem>>) src(%dma_wait3A_76 : memref<16x128xi32, #tpu.memory_space<hbm>>) dst(%arg7 : memref<16x128xi32, #tpu.memory_space<vmem>>)
        tpu.yield
      }) : () -> ()
      %mul3A_50 = arith.constant 16 : i32
      %mul3A_51 = arith.muli %while3A_46, %mul3A_50 : i32
      "tpu.region"() ({
        %run_scoped3A = tpu.sem_alloc : memref<!tpu.dma_semaphore, #tpu.memory_space<semaphore_mem>>
        %dma_start3A_66 = arith.constant 0 : i32
        %dma_start3A_67 = tpu.memref_slice %arg3[%add3A, %mul3A_51, %dma_start3A_66] : memref<32x128x128xi32, #tpu.memory_space<hbm>> -> memref<1x16x128xi32, #tpu.memory_space<hbm>>
        %dma_start3A_68 = tpu.memref_squeeze %dma_start3A_67 : memref<1x16x128xi32, #tpu.memory_space<hbm>> -> memref<16x128xi32, #tpu.memory_space<hbm>>
        %dma_start3A_69 = arith.constant 0 : i32
        %dma_start3A_70 = tpu.memref_slice %arg3[%add3A, %mul3A_51, %dma_start3A_69] : memref<32x128x128xi32, #tpu.memory_space<hbm>> -> memref<1x16x128xi32, #tpu.memory_space<hbm>>
        %dma_start3A_71 = tpu.memref_squeeze %dma_start3A_70 : memref<1x16x128xi32, #tpu.memory_space<hbm>> -> memref<16x128xi32, #tpu.memory_space<hbm>>
        tpu.enqueue_dma source(%dma_start3A_71 : memref<16x128xi32, #tpu.memory_space<hbm>>) target(%arg8 : memref<16x128xi32, #tpu.memory_space<vmem>>) target_semaphore(%run_scoped3A : memref<!tpu.dma_semaphore, #tpu.memory_space<semaphore_mem>>)
        %dma_wait3A = arith.constant 0 : i32
        %dma_wait3A_72 = tpu.memref_slice %arg3[%add3A, %mul3A_51, %dma_wait3A] : memref<32x128x128xi32, #tpu.memory_space<hbm>> -> memref<1x16x128xi32, #tpu.memory_space<hbm>>
        %dma_wait3A_73 = tpu.memref_squeeze %dma_wait3A_72 : memref<1x16x128xi32, #tpu.memory_space<hbm>> -> memref<16x128xi32, #tpu.memory_space<hbm>>
        %dma_wait3A_74 = arith.constant 0 : i32
        %dma_wait3A_75 = tpu.memref_slice %arg3[%add3A, %mul3A_51, %dma_wait3A_74] : memref<32x128x128xi32, #tpu.memory_space<hbm>> -> memref<1x16x128xi32, #tpu.memory_space<hbm>>
        %dma_wait3A_76 = tpu.memref_squeeze %dma_wait3A_75 : memref<1x16x128xi32, #tpu.memory_space<hbm>> -> memref<16x128xi32, #tpu.memory_space<hbm>>
        tpu.wait_dma2 semaphore(%run_scoped3A : memref<!tpu.dma_semaphore, #tpu.memory_space<semaphore_mem>>) src(%dma_wait3A_76 : memref<16x128xi32, #tpu.memory_space<hbm>>) dst(%arg8 : memref<16x128xi32, #tpu.memory_space<vmem>>)
        tpu.yield
      }) : () -> ()
      %dma_start3A = arith.constant 0 : i32
      %dma_start3A_52 = arith.constant 0 : i32
      %dma_start3A_53 = tpu.memref_slice %arg7[%dma_start3A, %dma_start3A_52] : memref<16x128xi32, #tpu.memory_space<vmem>> -> memref<1x128xi32, #tpu.memory_space<vmem>>
      %dma_start3A_54 = tpu.memref_squeeze %dma_start3A_53 : memref<1x128xi32, #tpu.memory_space<vmem>> -> memref<128xi32, #tpu.memory_space<vmem>>
      %dma_start3A_55 = arith.constant 0 : i32
      %dma_start3A_56 = arith.constant 0 : i32
      %dma_start3A_57 = tpu.memref_slice %arg4[%dma_start3A_55, %dma_start3A_56] : memref<10000x128xf32, #tpu.memory_space<hbm>> -> memref<10000x128xf32, #tpu.memory_space<hbm>>
      tpu.enqueue_indirect_dma source(%dma_start3A_57 : memref<10000x128xf32, #tpu.memory_space<hbm>>) target(%arg9 : memref<128x128xf32, #tpu.memory_space<vmem>>) offsets(%dma_start3A_54 : memref<128xi32, #tpu.memory_space<vmem>>) semaphore(%arg11 : memref<!tpu.dma_semaphore, #tpu.memory_space<semaphore_mem>>)
      %scan3A_58 = arith.constant 0 : i32
      %scan3A_59 = arith.constant 0 : i32
      %scan3A_60 = arith.constant 8 : i32
      %scan3A_61 = arith.addi %scan3A_59, %scan3A_60 : i32
      %scan3A_62 = arith.constant 1 : i32
      %scan3A_63 = scf.for %scan3A_66 = %scan3A_59 to %scan3A_61 step %scan3A_62 iter_args(%scan3A_67 = %scan3A_58) -> (i32)  : i32 {
        %mul3A_68 = arith.constant 2 : i32
        %mul3A_69 = arith.muli %mul3A_68, %scan3A_66 : i32
        %add3A_70 = arith.constant 1 : i32
        %add3A_71 = arith.addi %mul3A_69, %add3A_70 : i32
        %dma_start3A_72 = arith.constant 0 : i32
        %dma_start3A_73 = tpu.memref_slice %arg7[%add3A_71, %dma_start3A_72] : memref<16x128xi32, #tpu.memory_space<vmem>> -> memref<1x128xi32, #tpu.memory_space<vmem>>
        %dma_start3A_74 = tpu.memref_squeeze %dma_start3A_73 : memref<1x128xi32, #tpu.memory_space<vmem>> -> memref<128xi32, #tpu.memory_space<vmem>>
        %dma_start3A_75 = arith.constant 0 : i32
        %dma_start3A_76 = arith.constant 0 : i32
        %dma_start3A_77 = tpu.memref_slice %arg4[%dma_start3A_75, %dma_start3A_76] : memref<10000x128xf32, #tpu.memory_space<hbm>> -> memref<10000x128xf32, #tpu.memory_space<hbm>>
        tpu.enqueue_indirect_dma source(%dma_start3A_77 : memref<10000x128xf32, #tpu.memory_space<hbm>>) target(%arg10 : memref<128x128xf32, #tpu.memory_space<vmem>>) offsets(%dma_start3A_74 : memref<128xi32, #tpu.memory_space<vmem>>) semaphore(%arg12 : memref<!tpu.dma_semaphore, #tpu.memory_space<semaphore_mem>>)
        %dma_wait3A = arith.constant 0 : i32
        %dma_wait3A_78 = tpu.memref_slice %arg7[%mul3A_69, %dma_wait3A] : memref<16x128xi32, #tpu.memory_space<vmem>> -> memref<1x128xi32, #tpu.memory_space<vmem>>
        %dma_wait3A_79 = tpu.memref_squeeze %dma_wait3A_78 : memref<1x128xi32, #tpu.memory_space<vmem>> -> memref<128xi32, #tpu.memory_space<vmem>>
        %dma_wait3A_80 = arith.constant 0 : i32
        %dma_wait3A_81 = arith.constant 0 : i32
        %dma_wait3A_82 = tpu.memref_slice %arg4[%dma_wait3A_80, %dma_wait3A_81] : memref<10000x128xf32, #tpu.memory_space<hbm>> -> memref<10000x128xf32, #tpu.memory_space<hbm>>
        tpu.wait_indirect_dma semaphore(%arg11 : memref<!tpu.dma_semaphore, #tpu.memory_space<semaphore_mem>>) src(%dma_wait3A_82 : memref<10000x128xf32, #tpu.memory_space<hbm>>) dst(%arg9 : memref<128x128xf32, #tpu.memory_space<vmem>>)
        "tpu.region"() ({
          %run_scoped3A = tpu.sem_alloc : memref<!tpu.dma_semaphore, #tpu.memory_space<semaphore_mem>>
          %dma_start3A_96 = arith.constant 0 : i32
          %dma_start3A_97 = tpu.memref_slice %arg8[%mul3A_69, %dma_start3A_96] : memref<16x128xi32, #tpu.memory_space<vmem>> -> memref<1x128xi32, #tpu.memory_space<vmem>>
          %dma_start3A_98 = tpu.memref_squeeze %dma_start3A_97 : memref<1x128xi32, #tpu.memory_space<vmem>> -> memref<128xi32, #tpu.memory_space<vmem>>
          %dma_start3A_99 = arith.constant 0 : i32
          %dma_start3A_100 = arith.constant 0 : i32
          %dma_start3A_101 = tpu.memref_slice %arg6[%dma_start3A_99, %dma_start3A_100] : memref<10112x128xf32, #tpu.memory_space<vmem_shared>> -> memref<10112x128xf32, #tpu.memory_space<vmem_shared>>
          tpu.enqueue_indirect_dma source(%arg9 : memref<128x128xf32, #tpu.memory_space<vmem>>) target(%dma_start3A_101 : memref<10112x128xf32, #tpu.memory_space<vmem_shared>>) offsets(%dma_start3A_98 : memref<128xi32, #tpu.memory_space<vmem>>) semaphore(%run_scoped3A : memref<!tpu.dma_semaphore, #tpu.memory_space<semaphore_mem>>) {add = true}
          %dma_wait3A_102 = arith.constant 0 : i32
          %dma_wait3A_103 = tpu.memref_slice %arg8[%mul3A_69, %dma_wait3A_102] : memref<16x128xi32, #tpu.memory_space<vmem>> -> memref<1x128xi32, #tpu.memory_space<vmem>>
          %dma_wait3A_104 = tpu.memref_squeeze %dma_wait3A_103 : memref<1x128xi32, #tpu.memory_space<vmem>> -> memref<128xi32, #tpu.memory_space<vmem>>
          %dma_wait3A_105 = arith.constant 0 : i32
          %dma_wait3A_106 = arith.constant 0 : i32
          %dma_wait3A_107 = tpu.memref_slice %arg6[%dma_wait3A_105, %dma_wait3A_106] : memref<10112x128xf32, #tpu.memory_space<vmem_shared>> -> memref<10112x128xf32, #tpu.memory_space<vmem_shared>>
          tpu.wait_indirect_dma semaphore(%run_scoped3A : memref<!tpu.dma_semaphore, #tpu.memory_space<semaphore_mem>>) src(%arg9 : memref<128x128xf32, #tpu.memory_space<vmem>>) dst(%dma_wait3A_107 : memref<10112x128xf32, #tpu.memory_space<vmem_shared>>)
          tpu.yield
        }) : () -> ()
        %lt3A = arith.constant 7 : i32
        %lt3A_83 = arith.cmpi slt, %scan3A_66, %lt3A : i32
        %convert_element_type3A = arith.extui %lt3A_83 : i1 to i32
        %cond3A = arith.constant 0 : i32
        %cond3A_84 = arith.cmpi ne, %convert_element_type3A, %cond3A : i32
        scf.if %cond3A_84 {
          %add3A_96 = arith.constant 2 : i32
          %add3A_97 = arith.addi %mul3A_69, %add3A_96 : i32
          %dma_start3A_98 = arith.constant 0 : i32
          %dma_start3A_99 = tpu.memref_slice %arg7[%add3A_97, %dma_start3A_98] : memref<16x128xi32, #tpu.memory_space<vmem>> -> memref<1x128xi32, #tpu.memory_space<vmem>>
          %dma_start3A_100 = tpu.memref_squeeze %dma_start3A_99 : memref<1x128xi32, #tpu.memory_space<vmem>> -> memref<128xi32, #tpu.memory_space<vmem>>
          %dma_start3A_101 = arith.constant 0 : i32
          %dma_start3A_102 = arith.constant 0 : i32
          %dma_start3A_103 = tpu.memref_slice %arg4[%dma_start3A_101, %dma_start3A_102] : memref<10000x128xf32, #tpu.memory_space<hbm>> -> memref<10000x128xf32, #tpu.memory_space<hbm>>
          tpu.enqueue_indirect_dma source(%dma_start3A_103 : memref<10000x128xf32, #tpu.memory_space<hbm>>) target(%arg9 : memref<128x128xf32, #tpu.memory_space<vmem>>) offsets(%dma_start3A_100 : memref<128xi32, #tpu.memory_space<vmem>>) semaphore(%arg11 : memref<!tpu.dma_semaphore, #tpu.memory_space<semaphore_mem>>)
        } else {
        }
        %add3A_85 = arith.constant 1 : i32
        %add3A_86 = arith.addi %mul3A_69, %add3A_85 : i32
        %dma_wait3A_87 = arith.constant 0 : i32
        %dma_wait3A_88 = tpu.memref_slice %arg7[%add3A_86, %dma_wait3A_87] : memref<16x128xi32, #tpu.memory_space<vmem>> -> memref<1x128xi32, #tpu.memory_space<vmem>>
        %dma_wait3A_89 = tpu.memref_squeeze %dma_wait3A_88 : memref<1x128xi32, #tpu.memory_space<vmem>> -> memref<128xi32, #tpu.memory_space<vmem>>
        %dma_wait3A_90 = arith.constant 0 : i32
        %dma_wait3A_91 = arith.constant 0 : i32
        %dma_wait3A_92 = tpu.memref_slice %arg4[%dma_wait3A_90, %dma_wait3A_91] : memref<10000x128xf32, #tpu.memory_space<hbm>> -> memref<10000x128xf32, #tpu.memory_space<hbm>>
        tpu.wait_indirect_dma semaphore(%arg12 : memref<!tpu.dma_semaphore, #tpu.memory_space<semaphore_mem>>) src(%dma_wait3A_92 : memref<10000x128xf32, #tpu.memory_space<hbm>>) dst(%arg10 : memref<128x128xf32, #tpu.memory_space<vmem>>)
        %add3A_93 = arith.constant 1 : i32
        %add3A_94 = arith.addi %mul3A_69, %add3A_93 : i32
        "tpu.region"() ({
          %run_scoped3A = tpu.sem_alloc : memref<!tpu.dma_semaphore, #tpu.memory_space<semaphore_mem>>
          %dma_start3A_96 = arith.constant 0 : i32
          %dma_start3A_97 = tpu.memref_slice %arg8[%add3A_94, %dma_start3A_96] : memref<16x128xi32, #tpu.memory_space<vmem>> -> memref<1x128xi32, #tpu.memory_space<vmem>>
          %dma_start3A_98 = tpu.memref_squeeze %dma_start3A_97 : memref<1x128xi32, #tpu.memory_space<vmem>> -> memref<128xi32, #tpu.memory_space<vmem>>
          %dma_start3A_99 = arith.constant 0 : i32
          %dma_start3A_100 = arith.constant 0 : i32
          %dma_start3A_101 = tpu.memref_slice %arg6[%dma_start3A_99, %dma_start3A_100] : memref<10112x128xf32, #tpu.memory_space<vmem_shared>> -> memref<10112x128xf32, #tpu.memory_space<vmem_shared>>
          tpu.enqueue_indirect_dma source(%arg10 : memref<128x128xf32, #tpu.memory_space<vmem>>) target(%dma_start3A_101 : memref<10112x128xf32, #tpu.memory_space<vmem_shared>>) offsets(%dma_start3A_98 : memref<128xi32, #tpu.memory_space<vmem>>) semaphore(%run_scoped3A : memref<!tpu.dma_semaphore, #tpu.memory_space<semaphore_mem>>) {add = true}
          %dma_wait3A_102 = arith.constant 0 : i32
          %dma_wait3A_103 = tpu.memref_slice %arg8[%add3A_94, %dma_wait3A_102] : memref<16x128xi32, #tpu.memory_space<vmem>> -> memref<1x128xi32, #tpu.memory_space<vmem>>
          %dma_wait3A_104 = tpu.memref_squeeze %dma_wait3A_103 : memref<1x128xi32, #tpu.memory_space<vmem>> -> memref<128xi32, #tpu.memory_space<vmem>>
          %dma_wait3A_105 = arith.constant 0 : i32
          %dma_wait3A_106 = arith.constant 0 : i32
          %dma_wait3A_107 = tpu.memref_slice %arg6[%dma_wait3A_105, %dma_wait3A_106] : memref<10112x128xf32, #tpu.memory_space<vmem_shared>> -> memref<10112x128xf32, #tpu.memory_space<vmem_shared>>
          tpu.wait_indirect_dma semaphore(%run_scoped3A : memref<!tpu.dma_semaphore, #tpu.memory_space<semaphore_mem>>) src(%arg10 : memref<128x128xf32, #tpu.memory_space<vmem>>) dst(%dma_wait3A_107 : memref<10112x128xf32, #tpu.memory_space<vmem_shared>>)
          tpu.yield
        }) : () -> ()
        %scan3A_95 = arith.constant 0 : i32
        scf.yield %scan3A_95 : i32
      }
      %scan3A_64 = arith.constant 8 : i32
      %while3A_65 = arith.constant 0 : i32
      scf.yield %while3A_65 : i32
    }
    %barrier3A_41 = arith.constant 0 : index
    tpu.barrier barrier_id(%barrier3A_41)
    %mul3A_42 = arith.constant 632 : i32
    %mul3A_43 = arith.muli %arg1, %mul3A_42 : i32
    %mul3A_44 = arith.constant 632 : i32
    %mul3A_45 = arith.muli %arg1, %mul3A_44 : i32
    "tpu.region"() ({
      %run_scoped3A = tpu.sem_alloc : memref<!tpu.dma_semaphore, #tpu.memory_space<semaphore_mem>>
      %dma_start3A = arith.constant 0 : i32
      %dma_start3A_46 = tpu.memref_slice %arg5[%arg0, %mul3A_45, %dma_start3A] : memref<2x10112x128xf32, #tpu.memory_space<hbm>> -> memref<1x632x128xf32, #tpu.memory_space<hbm>>
      %dma_start3A_47 = tpu.memref_squeeze %dma_start3A_46 : memref<1x632x128xf32, #tpu.memory_space<hbm>> -> memref<632x128xf32, #tpu.memory_space<hbm>>
      %dma_start3A_48 = arith.constant 0 : i32
      %dma_start3A_49 = tpu.memref_slice %arg6[%mul3A_43, %dma_start3A_48] : memref<10112x128xf32, #tpu.memory_space<vmem_shared>> -> memref<632x128xf32, #tpu.memory_space<vmem_shared>>
      tpu.enqueue_dma source(%dma_start3A_49 : memref<632x128xf32, #tpu.memory_space<vmem_shared>>) target(%dma_start3A_47 : memref<632x128xf32, #tpu.memory_space<hbm>>) target_semaphore(%run_scoped3A : memref<!tpu.dma_semaphore, #tpu.memory_space<semaphore_mem>>)
      %dma_wait3A = arith.constant 0 : i32
      %dma_wait3A_50 = tpu.memref_slice %arg5[%arg0, %mul3A_45, %dma_wait3A] : memref<2x10112x128xf32, #tpu.memory_space<hbm>> -> memref<1x632x128xf32, #tpu.memory_space<hbm>>
      %dma_wait3A_51 = tpu.memref_squeeze %dma_wait3A_50 : memref<1x632x128xf32, #tpu.memory_space<hbm>> -> memref<632x128xf32, #tpu.memory_space<hbm>>
      %dma_wait3A_52 = arith.constant 0 : i32
      %dma_wait3A_53 = tpu.memref_slice %arg6[%mul3A_43, %dma_wait3A_52] : memref<10112x128xf32, #tpu.memory_space<vmem_shared>> -> memref<632x128xf32, #tpu.memory_space<vmem_shared>>
      tpu.wait_dma2 semaphore(%run_scoped3A : memref<!tpu.dma_semaphore, #tpu.memory_space<semaphore_mem>>) src(%dma_wait3A_53 : memref<632x128xf32, #tpu.memory_space<vmem_shared>>) dst(%dma_wait3A_51 : memref<632x128xf32, #tpu.memory_space<hbm>>)
      tpu.yield
    }) : () -> ()
    return
  }
}

module attributes {stable_mosaic.version = 14 : i64} {
  func.func @_dense_body(%arg0: i32, %arg1: memref<2x1024x128xf32, #tpu.memory_space<vmem>>, %arg2: memref<2x16x1024xf32, #tpu.memory_space<vmem>>, %arg3: memref<1024x128xf32, #tpu.memory_space<vmem>>, %arg4: memref<128x128xf32, #tpu.memory_space<vmem>>, %arg5: memref<128x128xf32, #tpu.memory_space<vmem>>, %arg6: memref<1x128xf32, #tpu.memory_space<vmem>>, %arg7: memref<1024x128xf32, #tpu.memory_space<vmem>>) attributes {dimension_semantics = [#tpu.dimension_semantics<arbitrary>], iteration_bounds = array<i64: 10>, scalar_prefetch = 0 : i64, scratch_operands = 0 : i64, tpu.core_type = #tpu.core_type<tc>, window_params = [{transform_indices = @transform_0, window_bounds = array<i64: 2, 1024, 128>}, {transform_indices = @transform_1, window_bounds = array<i64: 2, 16, 1024>}, {transform_indices = @transform_2, window_bounds = array<i64: 1024, 128>}, {pipeline_mode = #tpu.pipeline_mode<synchronous>, transform_indices = @transform_3, window_bounds = array<i64: 128, 128>}, {pipeline_mode = #tpu.pipeline_mode<synchronous>, transform_indices = @transform_4, window_bounds = array<i64: 128, 128>}, {pipeline_mode = #tpu.pipeline_mode<synchronous>, transform_indices = @transform_5, window_bounds = array<i64: 1, 128>}, {transform_indices = @transform_6, window_bounds = array<i64: 1024, 128>}]} {
    %get3A = arith.constant 0 : index
    %get3A_0 = arith.constant 0 : index
    %get3A_1 = arith.constant 0 : index
    %get3A_2 = vector.load %arg1[%get3A, %get3A_0, %get3A_1] : memref<2x1024x128xf32, #tpu.memory_space<vmem>>, vector<1x1024x128xf32>
    %get3A_3 = vector.shape_cast %get3A_2 : vector<1x1024x128xf32> to vector<1024x128xf32>
    %get3A_4 = arith.constant 1 : index
    %get3A_5 = arith.constant 0 : index
    %get3A_6 = arith.constant 0 : index
    %get3A_7 = vector.load %arg1[%get3A_4, %get3A_5, %get3A_6] : memref<2x1024x128xf32, #tpu.memory_space<vmem>>, vector<1x1024x128xf32>
    %get3A_8 = vector.shape_cast %get3A_7 : vector<1x1024x128xf32> to vector<1024x128xf32>
    %add3A = arith.addf %get3A_3, %get3A_8 : vector<1024x128xf32>
    %get3A_9 = arith.constant 0 : index
    %get3A_10 = arith.constant 0 : index
    %get3A_11 = arith.constant 0 : index
    %get3A_12 = vector.load %arg2[%get3A_9, %get3A_10, %get3A_11] : memref<2x16x1024xf32, #tpu.memory_space<vmem>>, vector<2x16x1024xf32>
    %reduce_sum3A = arith.constant dense<0.000000e+00> : vector<1024xf32>
    %reduce_sum3A_13 = vector.multi_reduction <add>, %get3A_12, %reduce_sum3A [0, 1] : vector<2x16x1024xf32> to vector<1024xf32>
    %broadcast_in_dim3A = vector.shape_cast %reduce_sum3A_13 : vector<1024xf32> to vector<1024x1xf32>
    %max3A = arith.constant 1.000000e+00 : f32
    %max3A_14 = vector.broadcast %max3A : f32 to vector<1024x1xf32>
    %max3A_15 = arith.maximumf %broadcast_in_dim3A, %max3A_14 : vector<1024x1xf32>
    %div3A = vector.broadcast %max3A_15 : vector<1024x1xf32> to vector<1024x128xf32>
    %div3A_16 = arith.divf %add3A, %div3A : vector<1024x128xf32>
    %get3A_17 = arith.constant 0 : index
    %get3A_18 = arith.constant 0 : index
    %get3A_19 = vector.load %arg4[%get3A_17, %get3A_18] : memref<128x128xf32, #tpu.memory_space<vmem>>, vector<128x128xf32>
    %dot_general3A = arith.constant dense<0.000000e+00> : vector<1024x128xf32>
    %dot_general3A_20 = tpu.matmul %div3A_16, %get3A_19, %dot_general3A {dimension_numbers = #tpu.dot_dimension_numbers<[1], [0], [0], [1], [0, 0, 1, 1], [], []>, transpose_lhs_hint = false} : vector<1024x128xf32>, vector<128x128xf32>, vector<1024x128xf32> -> vector<1024x128xf32>
    %get3A_21 = arith.constant 0 : index
    %get3A_22 = arith.constant 0 : index
    %get3A_23 = vector.load %arg3[%get3A_21, %get3A_22] : memref<1024x128xf32, #tpu.memory_space<vmem>>, vector<1024x128xf32>
    %get3A_24 = arith.constant 0 : index
    %get3A_25 = arith.constant 0 : index
    %get3A_26 = vector.load %arg5[%get3A_24, %get3A_25] : memref<128x128xf32, #tpu.memory_space<vmem>>, vector<128x128xf32>
    %dot_general3A_27 = arith.constant dense<0.000000e+00> : vector<1024x128xf32>
    %dot_general3A_28 = tpu.matmul %get3A_23, %get3A_26, %dot_general3A_27 {dimension_numbers = #tpu.dot_dimension_numbers<[1], [0], [0], [1], [0, 0, 1, 1], [], []>, transpose_lhs_hint = false} : vector<1024x128xf32>, vector<128x128xf32>, vector<1024x128xf32> -> vector<1024x128xf32>
    %add3A_29 = arith.addf %dot_general3A_20, %dot_general3A_28 : vector<1024x128xf32>
    %get3A_30 = arith.constant 0 : index
    %get3A_31 = arith.constant 0 : index
    %get3A_32 = vector.load %arg6[%get3A_30, %get3A_31] : memref<1x128xf32, #tpu.memory_space<vmem>>, vector<1x128xf32>
    %add3A_33 = vector.broadcast %get3A_32 : vector<1x128xf32> to vector<1024x128xf32>
    %add3A_34 = arith.addf %add3A_29, %add3A_33 : vector<1024x128xf32>
    %max3A_35 = arith.constant 0.000000e+00 : f32
    %max3A_36 = vector.broadcast %max3A_35 : f32 to vector<1024x128xf32>
    %max3A_37 = arith.maximumf %add3A_34, %max3A_36 : vector<1024x128xf32>
    %swap3A = arith.constant 0 : index
    %swap3A_38 = arith.constant 0 : index
    %swap3A_39 = vector.load %arg7[%swap3A, %swap3A_38] : memref<1024x128xf32, #tpu.memory_space<vmem>>, vector<1024x128xf32>
    tpu.vector_store %arg7[%swap3A, %swap3A_38], %max3A_37 {strides = array<i32>} : memref<1024x128xf32, #tpu.memory_space<vmem>>, vector<1024x128xf32>,
    return
  }
  func.func @transform_0(%arg0: i32) -> (i32, i32, i32) {
    %c0_i32 = arith.constant 0 : i32
    %c0_i32_0 = arith.constant 0 : i32
    %c0_i32_1 = arith.constant 0 : i32
    return %c0_i32, %arg0, %c0_i32_0 : i32, i32, i32
  }
  func.func @transform_1(%arg0: i32) -> (i32, i32, i32) {
    %c0_i32 = arith.constant 0 : i32
    %c0_i32_0 = arith.constant 0 : i32
    %c0_i32_1 = arith.constant 0 : i32
    return %c0_i32, %c0_i32_0, %arg0 : i32, i32, i32
  }
  func.func @transform_2(%arg0: i32) -> (i32, i32) {
    %c0_i32 = arith.constant 0 : i32
    %c0_i32_0 = arith.constant 0 : i32
    return %arg0, %c0_i32 : i32, i32
  }
  func.func @transform_3(%arg0: i32) -> (i32, i32) {
    %c0_i32 = arith.constant 0 : i32
    %c0_i32_0 = arith.constant 0 : i32
    %c0_i32_1 = arith.constant 0 : i32
    return %c0_i32, %c0_i32_0 : i32, i32
  }
  func.func @transform_4(%arg0: i32) -> (i32, i32) {
    %c0_i32 = arith.constant 0 : i32
    %c0_i32_0 = arith.constant 0 : i32
    %c0_i32_1 = arith.constant 0 : i32
    return %c0_i32, %c0_i32_0 : i32, i32
  }
  func.func @transform_5(%arg0: i32) -> (i32, i32) {
    %c0_i32 = arith.constant 0 : i32
    %c0_i32_0 = arith.constant 0 : i32
    %c0_i32_1 = arith.constant 0 : i32
    return %c0_i32, %c0_i32_0 : i32, i32
  }
  func.func @transform_6(%arg0: i32) -> (i32, i32) {
    %c0_i32 = arith.constant 0 : i32
    %c0_i32_0 = arith.constant 0 : i32
    return %arg0, %c0_i32 : i32, i32
  }
}

module attributes {stable_mosaic.version = 14 : i64} {
  func.func @_dense_body(%arg0: i32, %arg1: memref<2x1024x128xf32, #tpu.memory_space<vmem>>, %arg2: memref<2x16x1024xf32, #tpu.memory_space<vmem>>, %arg3: memref<1024x128xf32, #tpu.memory_space<vmem>>, %arg4: memref<128x128xf32, #tpu.memory_space<vmem>>, %arg5: memref<128x128xf32, #tpu.memory_space<vmem>>, %arg6: memref<1x128xf32, #tpu.memory_space<vmem>>, %arg7: memref<1024x128xf32, #tpu.memory_space<vmem>>) attributes {dimension_semantics = [#tpu.dimension_semantics<arbitrary>], iteration_bounds = array<i64: 10>, scalar_prefetch = 0 : i64, scratch_operands = 0 : i64, tpu.core_type = #tpu.core_type<tc>, window_params = [{transform_indices = @transform_0, window_bounds = array<i64: 2, 1024, 128>}, {transform_indices = @transform_1, window_bounds = array<i64: 2, 16, 1024>}, {transform_indices = @transform_2, window_bounds = array<i64: 1024, 128>}, {pipeline_mode = #tpu.pipeline_mode<synchronous>, transform_indices = @transform_3, window_bounds = array<i64: 128, 128>}, {pipeline_mode = #tpu.pipeline_mode<synchronous>, transform_indices = @transform_4, window_bounds = array<i64: 128, 128>}, {pipeline_mode = #tpu.pipeline_mode<synchronous>, transform_indices = @transform_5, window_bounds = array<i64: 1, 128>}, {transform_indices = @transform_6, window_bounds = array<i64: 1024, 128>}]} {
    %get3A = arith.constant 0 : index
    %get3A_0 = arith.constant 0 : index
    %get3A_1 = arith.constant 0 : index
    %get3A_2 = vector.load %arg1[%get3A, %get3A_0, %get3A_1] : memref<2x1024x128xf32, #tpu.memory_space<vmem>>, vector<1x1024x128xf32>
    %get3A_3 = vector.shape_cast %get3A_2 : vector<1x1024x128xf32> to vector<1024x128xf32>
    %get3A_4 = arith.constant 1 : index
    %get3A_5 = arith.constant 0 : index
    %get3A_6 = arith.constant 0 : index
    %get3A_7 = vector.load %arg1[%get3A_4, %get3A_5, %get3A_6] : memref<2x1024x128xf32, #tpu.memory_space<vmem>>, vector<1x1024x128xf32>
    %get3A_8 = vector.shape_cast %get3A_7 : vector<1x1024x128xf32> to vector<1024x128xf32>
    %add3A = arith.addf %get3A_3, %get3A_8 : vector<1024x128xf32>
    %get3A_9 = arith.constant 0 : index
    %get3A_10 = arith.constant 0 : index
    %get3A_11 = arith.constant 0 : index
    %get3A_12 = vector.load %arg2[%get3A_9, %get3A_10, %get3A_11] : memref<2x16x1024xf32, #tpu.memory_space<vmem>>, vector<2x16x1024xf32>
    %reduce_sum3A = arith.constant dense<0.000000e+00> : vector<1024xf32>
    %reduce_sum3A_13 = vector.multi_reduction <add>, %get3A_12, %reduce_sum3A [0, 1] : vector<2x16x1024xf32> to vector<1024xf32>
    %broadcast_in_dim3A = vector.shape_cast %reduce_sum3A_13 : vector<1024xf32> to vector<1024x1xf32>
    %max3A = arith.constant 1.000000e+00 : f32
    %max3A_14 = vector.broadcast %max3A : f32 to vector<1024x1xf32>
    %max3A_15 = arith.maximumf %broadcast_in_dim3A, %max3A_14 : vector<1024x1xf32>
    %div3A = vector.broadcast %max3A_15 : vector<1024x1xf32> to vector<1024x128xf32>
    %div3A_16 = arith.divf %add3A, %div3A : vector<1024x128xf32>
    %get3A_17 = arith.constant 0 : index
    %get3A_18 = arith.constant 0 : index
    %get3A_19 = vector.load %arg4[%get3A_17, %get3A_18] : memref<128x128xf32, #tpu.memory_space<vmem>>, vector<128x128xf32>
    %dot_general3A = arith.constant dense<0.000000e+00> : vector<1024x128xf32>
    %dot_general3A_20 = tpu.matmul %div3A_16, %get3A_19, %dot_general3A {dimension_numbers = #tpu.dot_dimension_numbers<[1], [0], [0], [1], [0, 0, 1, 1], [], []>, transpose_lhs_hint = false} : vector<1024x128xf32>, vector<128x128xf32>, vector<1024x128xf32> -> vector<1024x128xf32>
    %get3A_21 = arith.constant 0 : index
    %get3A_22 = arith.constant 0 : index
    %get3A_23 = vector.load %arg3[%get3A_21, %get3A_22] : memref<1024x128xf32, #tpu.memory_space<vmem>>, vector<1024x128xf32>
    %get3A_24 = arith.constant 0 : index
    %get3A_25 = arith.constant 0 : index
    %get3A_26 = vector.load %arg5[%get3A_24, %get3A_25] : memref<128x128xf32, #tpu.memory_space<vmem>>, vector<128x128xf32>
    %dot_general3A_27 = arith.constant dense<0.000000e+00> : vector<1024x128xf32>
    %dot_general3A_28 = tpu.matmul %get3A_23, %get3A_26, %dot_general3A_27 {dimension_numbers = #tpu.dot_dimension_numbers<[1], [0], [0], [1], [0, 0, 1, 1], [], []>, transpose_lhs_hint = false} : vector<1024x128xf32>, vector<128x128xf32>, vector<1024x128xf32> -> vector<1024x128xf32>
    %add3A_29 = arith.addf %dot_general3A_20, %dot_general3A_28 : vector<1024x128xf32>
    %get3A_30 = arith.constant 0 : index
    %get3A_31 = arith.constant 0 : index
    %get3A_32 = vector.load %arg6[%get3A_30, %get3A_31] : memref<1x128xf32, #tpu.memory_space<vmem>>, vector<1x128xf32>
    %add3A_33 = vector.broadcast %get3A_32 : vector<1x128xf32> to vector<1024x128xf32>
    %add3A_34 = arith.addf %add3A_29, %add3A_33 : vector<1024x128xf32>
    %swap3A = arith.constant 0 : index
    %swap3A_35 = arith.constant 0 : index
    %swap3A_36 = vector.load %arg7[%swap3A, %swap3A_35] : memref<1024x128xf32, #tpu.memory_space<vmem>>, vector<1024x128xf32>
    tpu.vector_store %arg7[%swap3A, %swap3A_35], %add3A_34 {strides = array<i32>} : memref<1024x128xf32, #tpu.memory_space<vmem>>, vector<1024x128xf32>,
    return
  }
  func.func @transform_0(%arg0: i32) -> (i32, i32, i32) {
    %c0_i32 = arith.constant 0 : i32
    %c0_i32_0 = arith.constant 0 : i32
    %c0_i32_1 = arith.constant 0 : i32
    return %c0_i32, %arg0, %c0_i32_0 : i32, i32, i32
  }
  func.func @transform_1(%arg0: i32) -> (i32, i32, i32) {
    %c0_i32 = arith.constant 0 : i32
    %c0_i32_0 = arith.constant 0 : i32
    %c0_i32_1 = arith.constant 0 : i32
    return %c0_i32, %c0_i32_0, %arg0 : i32, i32, i32
  }
  func.func @transform_2(%arg0: i32) -> (i32, i32) {
    %c0_i32 = arith.constant 0 : i32
    %c0_i32_0 = arith.constant 0 : i32
    return %arg0, %c0_i32 : i32, i32
  }
  func.func @transform_3(%arg0: i32) -> (i32, i32) {
    %c0_i32 = arith.constant 0 : i32
    %c0_i32_0 = arith.constant 0 : i32
    %c0_i32_1 = arith.constant 0 : i32
    return %c0_i32, %c0_i32_0 : i32, i32
  }
  func.func @transform_4(%arg0: i32) -> (i32, i32) {
    %c0_i32 = arith.constant 0 : i32
    %c0_i32_0 = arith.constant 0 : i32
    %c0_i32_1 = arith.constant 0 : i32
    return %c0_i32, %c0_i32_0 : i32, i32
  }
  func.func @transform_5(%arg0: i32) -> (i32, i32) {
    %c0_i32 = arith.constant 0 : i32
    %c0_i32_0 = arith.constant 0 : i32
    %c0_i32_1 = arith.constant 0 : i32
    return %c0_i32, %c0_i32_0 : i32, i32
  }
  func.func @transform_6(%arg0: i32) -> (i32, i32) {
    %c0_i32 = arith.constant 0 : i32
    %c0_i32_0 = arith.constant 0 : i32
    return %arg0, %c0_i32 : i32, i32
  }
}

</mosaic_0001>

<sc_bundles>
// kernel: kernel.6.cloned.1.call-start
scs
__scs_entry_jumppad:
0x0: {  	(pc) =	sbr.rel $0x88, $3  }
0x1: {  	(tag) =	ssettag $0x0;
	lr =	simm.s32 $0x1  }
0x2: {  	[smem:$0x3F99] =	sst lr;
	_ =	strace $0xD0000000  }
0x3: {  	_ = 	snop  }
0x4: {  	_ = 	snop  }
0x5: {  	_ = 	snop  }
0x6: {  	_ = 	snop  }
0x7: {  	_ = 	snop  }
__scs_overlays_trampoline_lowered:
0x8: {  	[smem:$0x3FA8] =	sst s0  }
0x9: {  	[smem:$0x3FA9] =	sst s1  }
0xa: {  	[smem:$0x3FAA] =	sst s2  }
0xb: {  	[smem:$0x3FAB] =	sst s3  }
0xc: {  	[smem:$0x3FAC] =	sst s4  }
0xd: {  	[smem:$0x3FAD] =	sst s5  }
0xe: {  	[smem:$0x3FAE] =	sst s6  }
0xf: {  	[smem:$0x3FAF] =	sst s7  }
0x10: {  	[smem:$0x3FB0] =	sst s8  }
0x11: {  	[smem:$0x3FB1] =	sst s9;
	s0 =	simm.s32 @!p0 $0x0  }
0x12: {  	s1 =	sld [smem:$0x3F97];
	s0 =	simm.s32 @p0 $0x1  }
0x13: {  	[smem:$0x3FB2] =	sst s0;
	s0 =	simm.s32 @!p1 $0x0  }
0x14: {  	s2 =	sld [smem:$0x3F96];
	s0 =	simm.s32 @p1 $0x1  }
0x15: {  	[smem:$0x3FB3] =	sst s0;
	s0 =	simm.s32 @!p2 $0x0  }
0x16: {  	s3 =	sld [smem:$0x3FDB];
	s0 =	simm.s32 @p2 $0x1  }
0x17: {  	s4 =	simm.s32 $0x1BF5;
	[smem:$0x3FB5] =	sst s0  }
0x18: {  	s0 =	sld [smem:$0x3F98];
	_ =	swait.ge [sflag:s4], $0x0  }
0x19: {  	s7 =	sld [smem:$0x3F99]  }
0x1a: {  	s8 =	sadd.s32 $0xFFFFE003, lr  }
0x1b: {  	s9 =	sadd.s32 $0xFFFFFEF7, lr;
	s5 =	simm.s32 $0xFFFFFFFF;
	p2 =	slt.u32 s8, $0xFFFFF086  }
0x1c: {  	p1 =	slt.u32 s9, $0xF7A;
	s5 =	simm.s32 @!p2 $0x0  }
0x1d: {  	s5 =	simm.s32 @p1 $0x1;
	p0 =	seq.s32 s7, s2  }
0x1e: {  	s7 =	smul.u32 @!p0 $0xF7A, s2;
	p2 =	seq.s32 @!p0 s5, $0x0  }
0x1f: {  	s9 =	smul.u32 $0xF7A, s1;
	s8 =	simm.s32 @!p0 $0x1BF5;
	p2 =	por !p2, p0  }
0x20: {  	[sflag:s8] =	ssyncset.s32 @!p0 $0xFFFFF086;
	s6 =	sadd.s32 @!p0 s3, s7;
	s7 =	simm.s32 @!p0 $0x108  }
0x21: {  	s3 =	sadd.s32 s3, s9;
	s6 =	sadd.s32 @!p0 $0x88, s6;
	s7 =	simm.s32 @p2 $0x1082  }
0x22: {  	[simem:s7], [sflag:s8] =	dma.local @!p0 [hbm:s6], $0xF7A  }
0x23: {  	s9 =	sor.u32 $0xD0000000, s2;
	s6 =	simm.s32 $0x108;
	_ =	swait.ge @!p0 [sflag:s8], $0x0  }
0x24: {  	s3 =	sadd.s32 $0x88, s3;
	s6 =	simm.s32 @!p1 $0x1082;
	[sflag:s4] =	ssyncset.s32 $0xFFFFF086  }
0x25: {  	[simem:s6], [sflag:s4] =	dma.local [hbm:s3], $0xF7A  }
0x26: {  	[smem:$0x3F99] =	sst s1;
	(tag) =	ssettag s2;
	_ =	strace s9  }
0x27: {  	s1 =	sld [smem:$0x3FA9]  }
0x28: {  	s2 =	sld [smem:$0x3FAA]  }
0x29: {  	s4 =	sld [smem:$0x3FAC]  }
0x2a: {  	p0 =	seq.s32 s5, $0x0;
	s5 =	sld [smem:$0x3FAD]  }
0x2b: {  	s6 =	sld [smem:$0x3FAE]  }
0x2c: {  	s7 =	sld [smem:$0x3FAF]  }
0x2d: {  	s3 =	simm.s32 $0x108;
	s8 =	sld [smem:$0x3FB0]  }
0x2e: {  	s3 =	simm.s32 @!p0 $0x1082;
	s9 =	sld [smem:$0x3FB1]  }
0x2f: {  	lr =	sadd.s32 s0, s3;
	s0 =	sld [smem:$0x3FA8]  }
0x30: {  	s3 =	sld [smem:$0x3FAB]  }
0x31: {  	[smem:$0x3FB4] =	sst s10  }
0x32: {  	s10 =	sld [smem:$0x3FB2];
	_ =	sdelay $0x3  }
0x33: {  	p0 =	seq.s32 s10, $0x1;
	s10 =	sld [smem:$0x3FB4];
	_ =	sdelay $0x3  }
0x34: {  	[smem:$0x3FB4] =	sst s10  }
0x35: {  	s10 =	sld [smem:$0x3FB3];
	_ =	sdelay $0x3  }
0x36: {  	p1 =	seq.s32 s10, $0x1;
	s10 =	sld [smem:$0x3FB4];
	_ =	sdelay $0x3  }
0x37: {  	[smem:$0x3FB4] =	sst s10  }
0x38: {  	s10 =	sld [smem:$0x3FB5]  }
0x39: {  	_ = 	snop;
	(pc) =	sbr.ind lr, $3  }
0x3a: {  	_ = 	snop  }
0x3b: {  	_ = 	snop  }
0x3c: {  	p2 =	seq.s32 s10, $0x1;
	s10 =	sld [smem:$0x3FB4]  }
0x3d: {  	_ =	shalt  }
0x3e: {  	_ =	shalt  }
0x3f: {  	_ =	shalt  }
0x40: {  	_ =	shalt  }
0x41: {  	_ =	shalt  }
0x42: {  	_ =	shalt  }
0x43: {  	_ =	shalt  }
0x44: {  	_ =	shalt  }
0x45: {  	_ =	shalt  }
0x46: {  	_ =	shalt  }
0x47: {  	_ =	shalt  }
0x48: {  	_ =	shalt  }
0x49: {  	_ =	shalt  }
0x4a: {  	_ =	shalt  }
0x4b: {  	_ =	shalt  }
0x4c: {  	_ =	shalt  }
0x4d: {  	_ =	shalt  }
0x4e: {  	_ =	shalt  }
0x4f: {  	_ =	shalt  }
0x50: {  	_ =	shalt  }
0x51: {  	_ =	shalt  }
0x52: {  	_ =	shalt  }
0x53: {  	_ =	shalt  }
0x54: {  	_ =	shalt  }
0x55: {  	_ =	shalt  }
0x56: {  	_ =	shalt  }
0x57: {  	_ =	shalt  }
0x58: {  	_ =	shalt  }
0x59: {  	_ =	shalt  }
0x5a: {  	_ =	shalt  }
0x5b: {  	_ =	shalt  }
0x5c: {  	_ =	shalt  }
0x5d: {  	_ =	shalt  }
0x5e: {  	_ =	shalt  }
0x5f: {  	_ =	shalt  }
0x60: {  	_ =	shalt  }
0x61: {  	_ =	shalt  }
0x62: {  	_ =	shalt  }
0x63: {  	_ =	shalt  }
0x64: {  	_ =	shalt  }
0x65: {  	_ =	shalt  }
0x66: {  	_ =	shalt  }
0x67: {  	_ =	shalt  }
0x68: {  	_ =	shalt  }
0x69: {  	_ =	shalt  }
0x6a: {  	_ =	shalt  }
0x6b: {  	_ =	shalt  }
0x6c: {  	_ =	shalt  }
0x6d: {  	_ =	shalt  }
0x6e: {  	_ =	shalt  }
0x6f: {  	_ =	shalt  }
0x70: {  	_ =	shalt  }
0x71: {  	_ =	shalt  }
0x72: {  	_ =	shalt  }
0x73: {  	_ =	shalt  }
0x74: {  	_ =	shalt  }
0x75: {  	_ =	shalt  }
0x76: {  	_ =	shalt  }
0x77: {  	_ =	shalt  }
0x78: {  	_ =	shalt  }
0x79: {  	_ =	shalt  }
0x7a: {  	_ =	shalt  }
0x7b: {  	_ =	shalt  }
0x7c: {  	_ =	shalt  }
0x7d: {  	_ =	shalt  }
0x7e: {  	_ =	shalt  }
0x7f: {  	_ =	shalt  }
0x80: {  	_ =	shalt  }
0x81: {  	_ =	shalt  }
0x82: {  	_ =	shalt  }
0x83: {  	_ =	shalt  }
0x84: {  	_ =	shalt  }
0x85: {  	_ =	shalt  }
0x86: {  	_ =	shalt  }
0x87: {  	_ =	shalt  }
.Lfunc_end0:
.L_simem_size_0:
called_computation_lowered:
.L_overlay_start_0:
0x88: {  	s2 =	sld [smem:$0x3FD9]  }
0x89: {  	s3 =	sld [smem:$0x3FFE];
	_ =	sdelay $0x1  }
0x8a: {  	s1 =	srdreg.scid  }
0x8b: {  	s0 =	sand.u32 $0x1, s1  }
0x8c: {  	s17 =	sshll.u32 s0, $0xA;
	s2 =	sadd.s32 s3, s2  }
0x8d: {  	s2 =	sadd.s32 s2, s17  }
0x8e: {  	[smem:$0x3FC0] =	sst s2  }
0x8f: {  	_ = 	snop  }
0x90: {  	s2 =	sld [smem:$0x3FC9];
	(tm) =	ssettm $0x1  }
0x91: {  	s18 =	sld [smem:$0x3FFB];
	_ =	sdelay $0x3  }
0x92: {  	_ =	strace s18  }
0x93: {  	s3 =	sld [smem:$0x3FFC];
	_ =	sdelay $0x3  }
0x94: {  	_ =	strace s3  }
0x95: {  	s3 =	sld [smem:$0x3FFD];
	_ =	sdelay $0x3  }
0x96: {  	_ =	strace s3  }
0x97: {  	_ =	strace $0x8FFFFFFF  }
0x98: {  	s19 =	sld [smem:$0x3FDB];
	_ =	sdelay $0x1  }
0x99: {  	s4 =	simm.s32 $_scs_section_size  }
0x9a: {  	s5 =	simm.s32 $_size__tile_overlayer_lowered;
	s6 =	simm.s32 $_tile_overlayer_lowered  }
0x9b: {  	s22 =	simm.s32 $0x1BFF;
	s21 =	sshll.u32 s6, $0x1;
	s3 =	sadd.s32 s4, s19  }
0x9c: {  	s7 =	simm.s32 $0x0;
	s20 =	sshll.u32 s5, $0x1;
	s5 =	sadd.s32 s21, s3  }
0x9d: {  	[timem:s7], [sflag:s22] =	dma.local [hbm:s5], s20  }
0x9e: {  	_ =	swait.ge [sflag:s22], s20  }
0x9f: {  	s4 =	ssub.s32 $0x0, s20;
	[sflag:s22] =	ssyncset.done $0x0  }
0xa0: {  	[sflag:s22] =	ssyncadd.s32 s4;
	_ =	sdelay $0x1  }
0xa1: {  	s23 =	simm.s32 $0x1B8B  }
0xa2: {  	_ =	swait.ge [sflag:s23], $0x1  }
0xa3: {  	[sflag:s23] =	ssyncset.done $0x0  }
0xa4: {  	s25 =	simm.s32 $0x1B8E;
	s24 =	sld [smem:$0x3FFE];
	[sflag:s23] =	ssyncadd.s32 $0xFFFFFFFF  }
0xa5: {  	s26 =	simm.s32 $execute0_lowered;
	[smem:$0x3FD2] =	sst s25  }
0xa6: {  	s5 =	sshll.u32 s26, $0x1;
	_ =	strace $0x80000046;
	[dreg:$0x1] =	wrdreg $0xFFFFFFFF  }
0xa7: {  	s28 =	simm.s32 $_size_execute0_lowered;
	s3 =	sadd.s32 s3, s5;
	[dreg:$0x0] =	wrdreg $0x0  }
0xa8: {  	s5 =	sshll.u32 s28, $0x1;
	[dreg:$0x2] =	wrdreg s3  }
0xa9: {  	[dreg:$0x3] =	wrdreg s5  }
0xaa: {  	[dreg:$0x4] =	wrdreg $0xC0  }
0xab: {  	_ =	task [dreg:s7], $0x5FFFF  }
0xac: {  	[dreg:$0x1] =	wrdreg $0xFFFFFFFF  }
0xad: {  	[dreg:$0x0] =	wrdreg $0x60  }
0xae: {  	[dreg:$0x2] =	wrdreg s24  }
0xaf: {  	[dreg:$0x3] =	wrdreg s2  }
0xb0: {  	[dreg:$0x4] =	wrdreg $0x0  }
0xb1: {  	[dreg:$0x5] =	wrdreg $0x9  }
0xb2: {  	_ =	task.clear_ibuf [dreg:s7], $0x6FFFF;
	_ =	strace $0x90000046  }
0xb3: {  	s29 =	simm.s32 $0x9;
	_ =	strace $0x80000048  }
0xb4: {  	_ =	swait.ge [sflag:s29], $0x1  }
0xb5: {  	[sflag:s29] =	ssyncadd.s32 $0xFFFFFFFF  }
0xb6: {  	_ =	strace $0x90000048  }
0xb7: {  	_ =	sfence  }
0xb8: {  	s30 =	sld [smem:$0x0];
	_ =	sdelay $0x2  }
0xb9: {  	s31 =	sshll.u32 s1, $0xD;
	s1 =	sshrl.u32 s1, $0x2  }
0xba: {  	s3 =	sand.u32 $0x4000, s31;
	s1 =	sadd.s32 s1, s30  }
0xbb: {  	s0 =	sor.u32 s3, s0;
	s1 =	sshll.u32 s1, $0x11  }
0xbc: {  	s0 =	sor.u32 s1, s0  }
0xbd: {  	s0 =	sadd.s32 $0x8F2B, s0  }
0xbe: {  	[sflag:s0] =	ssyncadd.remote.s32 $0x1  }
0xbf: {  	_ =	sfence.sel $0xFFFF  }
0xc0: {  	[dreg:$0x0] =	wrdreg $0xFFFFFFFF;
	(pc) =	sbr.abs _section_cstart, $3  }
0xc1: {  	[dreg:$0x1] =	wrdreg $0xFFFFFFFF  }
0xc2: {  	_ =	task.clear_ibuf [dreg:s7], $0x2FFFF;
	_ =	strace $0x9FFFFFFF  }
0xc3: {  	(tm) =	ssettm $0x7FFFFFFF  }
tec
execute0_lowered:
.L_overlay_start_1:
0x0: {  	(tag) =	ssettag $0x1  }
0x1: {  	s0 =	rddreg [dreg:$0x0]  }
0x2: {  	s2 =	rddreg [dreg:$0x1]  }
0x3: {  	s1 =	srdreg.scid;
	s3 =	rddreg [dreg:$0x2]  }
0x4: {  	s13 =	stileid.u32;
	s4 =	simm.s32 $0x0;
	s12 =	simm.s32 $0x8  }
0x5: {  	s17 =	simm.s32 $0x14C00;
	s18 =	simm.s32 $0x3;
	s19 =	simm.s32 $0x13C00  }
0x6: {  	s20 =	simm.s32 $0x14400;
	s21 =	simm.s32 $0x80;
	s28 =	simm.s32 $0x14B00  }
0x7: {  	s29 =	simm.s32 $0x14B80;
	s31 =	simm.s32 $0x0;
	s6 =	smul.u32 $0x13C00, s13  }
0x8: {  	s1 =	sand.u32 $0x1, s1;
	[smem:$0x7FF] =	sst s4;
	s10 =	smul.u32 $0x4F000, s13  }
0x9: {  	s8 =	sshrl.u32 s13, $0x3;
	s22 =	sshll.u32 s13, $0x7;
	s5 =	smul.u32 $0x13C000, s1  }
0xa: {  	s13 =	sshll.u32 s13, $0xF;
	s7 =	smul.u32 $0x27800, s1;
	_ =	strace $0x80000047  }
0xb: {  	s8 =	smul.u32 $0x13C00, s8;
	s23 =	sand.u32 $0x380, s22;
	s24 =	ssub.s32 $0x2, s1  }
0xc: {  	p0 =	seq.s32 s1, $0x0;
	s1 =	sshll.u32 s1, $0xE;
	s22 =	simm.s32 $0x18C00  }
0xd: {  	s25 =	sshrl.u32 s10, $0x2;
	s26 =	sshrl.u32 s24, $0x1;
	s12 =	simm.s32 @!p0 $0x2  }
0xe: {  	s13 =	sor.u32 s1, s13;
	s6 =	sadd.s32 s6, s5;
	s5 =	sadd.s32 $0x3000, s0  }
0xf: {  	s7 =	sadd.s32 s7, s8;
	s16 =	ssub.s32 s24, s26;
	s24 =	simm.s32 $0x1CC00  }
0x10: {  	s26 =	simm.s32 $0x14380;
	s9 =	sshrl.u32 s6, $0x3;
	s7 =	sor.u32 s23, s7  }
0x11: {  	s6 =	sadd.s32 $0x13000, s0;
	s16 =	smax.u32 s16, $0x1;
	s7 =	sshrl.u32 s7, $0x3  }
0x12: {  	s23 =	simm.s32 $0x1;
	s14 =	sadd.s32 s9, s0;
	s0 =	sadd.s32 s7, s0  }
0x13: {  	s7 =	sadd.s32 s25, s3;
	s14 =	sadd.s32 $0x23000, s14;
	s25 =	simm.s32 $0x2  }
0x14: {  	s30 =	sadd.s32 $0x4000, s7;
	s9 =	sadd.s32 $0x8000, s7;
	s10 =	sadd.s32 $0xC000, s7  }
0x15: {  	v0 =	vimm.f32 $0.0e+00;
	v1 =	vimm.f32 $1.000000000e+00;
	s11 =	sadd.s32 $0x10000, s7;
	s15 =	sadd.s32 $0x72000, s0;
	[dreg:$0x4] =	wrdreg s30  }
.LBB2_1:
0x16: {  	s0 =	simm.s32 $0x0;
	s1 =	simm.s32 $0x200  }
.LBB2_2:
0x17: {  	p0 =	sne.s32 s1, $0xFE00;
	[tilespmem:s0+$0x14C70] =	vst v0  }
0x18: {  	[tilespmem:s0+$0x14C00] =	vst v0  }
0x19: {  	[tilespmem:s0+$0x14C10] =	vst v0  }
.Ltmp0:
0x1a: {  	[tilespmem:s0+$0x14C20] =	vst v0;
	(pc) =	sbr.rel @p0 .LBB2_2-.Ltmp0, $4  }
0x1b: {  	[tilespmem:s0+$0x14C30] =	vst v0  }
0x1c: {  	[tilespmem:s0+$0x14C40] =	vst v0  }
0x1d: {  	[tilespmem:s0+$0x14C50] =	vst v0  }
0x1e: {  	[tilespmem:s0+$0x14C60] =	vst v0;
	s0 =	sshra.s32 s1, $0x2;
	s1 =	sadd.s32 $0x200, s1  }
0x1f: {  	[tilespmem:s0+$0x14C70] =	vst v0  }
0x20: {  	[tilespmem:s0+$0x14C00] =	vst v0  }
0x21: {  	[tilespmem:s0+$0x14C10] =	vst v0  }
0x22: {  	[tilespmem:s0+$0x14C20] =	vst v0  }
0x23: {  	[tilespmem:s0+$0x14C30] =	vst v0  }
0x24: {  	[tilespmem:s0+$0x14C40] =	vst v0  }
0x25: {  	[tilespmem:s0+$0x14C50] =	vst v0  }
0x26: {  	[tilespmem:s0+$0x14C60] =	vst v0  }
0x27: {  	[spmem:s7] =	stream.linear.scatter [tilespmem:s17], [sflag:$0x3], $0x4000, $0x38;
	[tilespmem:$0x1F380] =	vst v63  }
0x28: {  	_ =	swait.ge [sflag:s18], $0x4000  }
0x29: {  	[sflag:s18] =	ssyncset.done $0x0  }
0x2a: {  	s30 =	rddreg [dreg:$0x4];
	[sflag:s18] =	ssyncadd.s32 $0xFFFFC000  }
0x2b: {  	[spmem:s30] =	stream.linear.scatter [tilespmem:s17], [sflag:$0x3], $0x4000, $0x38;
	[tilespmem:$0x1F380] =	vst v63  }
0x2c: {  	_ =	swait.ge [sflag:s18], $0x4000  }
0x2d: {  	[sflag:s18] =	ssyncset.done $0x0  }
0x2e: {  	[sflag:s18] =	ssyncadd.s32 $0xFFFFC000  }
0x2f: {  	[spmem:s9] =	stream.linear.scatter [tilespmem:s17], [sflag:$0x3], $0x4000, $0x38;
	[tilespmem:$0x1F380] =	vst v63  }
0x30: {  	_ =	swait.ge [sflag:s18], $0x4000  }
0x31: {  	[sflag:s18] =	ssyncset.done $0x0  }
0x32: {  	[sflag:s18] =	ssyncadd.s32 $0xFFFFC000  }
0x33: {  	[spmem:s10] =	stream.linear.scatter [tilespmem:s17], [sflag:$0x3], $0x4000, $0x38;
	[tilespmem:$0x1F380] =	vst v63  }
0x34: {  	_ =	swait.ge [sflag:s18], $0x4000  }
0x35: {  	[sflag:s18] =	ssyncset.done $0x0  }
0x36: {  	[sflag:s18] =	ssyncadd.s32 $0xFFFFC000  }
0x37: {  	[spmem:s11] =	stream.linear.scatter [tilespmem:s17], [sflag:$0x3], $0x3C00, $0x38;
	[tilespmem:$0x1F380] =	vst v63  }
0x38: {  	_ =	swait.ge [sflag:s18], $0x3C00  }
0x39: {  	[sflag:s18] =	ssyncset.done $0x0  }
0x3a: {  	s0 =	simm.s32 $0x40;
	s1 =	simm.s32 $0x0;
	[sflag:s18] =	ssyncadd.s32 $0xFFFFC400  }
.LBB2_4:
0x3b: {  	p0 =	sne.s32 s0, $0x9DC0;
	[tilespmem:s1+$0x1CC00] =	vst v0;
	s1 =	smov.u32 s0;
	s0 =	sadd.s32 $0x40, s0  }
.Ltmp1:
0x3c: {  	(pc) =	sbr.rel @p0 .LBB2_4-.Ltmp1, $2  }
0x3d: {  	_ =	sdelay $0x2  }
0x3e: {  	s1 =	sshra.s32 s1, $0x2  }
0x3f: {  	[tilespmem:s1+$0x1CC00] =	vst v0  }
0x40: {  	s0 =	simm.s32 $0x0;
	[bflag:$0x0] =	sbarrier.arrive $0xFFFF  }
.LBB2_6:
0x41: {  	s1 =	sshll.u32 s0, $0xB  }
0x42: {  	s1 =	sadd.s32 s1, s13  }
0x43: {  	s1 =	sshrl.u32 s1, $0x3  }
0x44: {  	s30 =	sadd.s32 s5, s1  }
0x45: {  	[tilespmem:s19], [sflag:$0x3] =	stream.linear.gather [hbm4b:s30+s31], $0x800, $0x38;
	[tilespmem:$0x1F380] =	vst v63  }
0x46: {  	_ =	swait.ge [sflag:s18], $0x800  }
0x47: {  	[sflag:s18] =	ssyncset.done $0x0  }
0x48: {  	s1 =	sadd.s32 s6, s1;
	[sflag:s18] =	ssyncadd.s32 $0xFFFFF800  }
0x49: {  	[tilespmem:s20], [sflag:$0x3] =	stream.linear.gather [hbm4b:s1+s31], $0x800, $0x38;
	[tilespmem:$0x1F380] =	vst v63  }
0x4a: {  	_ =	swait.ge [sflag:s18], $0x800  }
0x4b: {  	[sflag:s18] =	ssyncset.done $0x0  }
0x4c: {  	s1 =	simm.s32 $0x0;
	[sflag:s18] =	ssyncadd.s32 $0xFFFFF800  }
0x4d: {  	[tilespmem:s17], [sflag:$0x1] =	stream.indirect.gather [hbm4b:s2+s21], $0x80, s19, s21, $0xb8;
	[tilespmem:$0x1F380] =	vst v63  }
.LBB2_7:
0x4e: {  	s30 =	sshra.s32 s1, $0x2  }
0x4f: {  	s8 =	sadd.s32 $0x13C80, s30  }
0x50: {  	[tilespmem:s22], [sflag:$0x2] =	stream.indirect.gather [hbm4b:s2+s21], $0x80, s8, s21, $0xb8;
	[tilespmem:$0x1F380] =	vst v63  }
0x51: {  	_ =	swait.ge [sflag:s23], $0x4000  }
0x52: {  	[sflag:s23] =	ssyncset.done $0x0  }
0x53: {  	s8 =	sadd.s32 $0x14400, s30;
	[sflag:s23] =	ssyncadd.s32 $0xFFFFC000  }
0x54: {  	[spmem:s3] =	stream.indirect.scatter.add.f32 [tilespmem:s17], [sflag:$0x3], $0x80, s8, s21, $0xb8;
	[tilespmem:$0x1F380] =	vst v63  }
0x55: {  	_ =	swait.ge [sflag:s18], $0x4000  }
0x56: {  	[sflag:s18] =	ssyncset.done $0x0  }
0x57: {  	[sflag:s18] =	ssyncadd.s32 $0xFFFFC000  }
0x58: {  	v2 =	vld [tilespmem:s30+$0x14400];
	_ =	sdelay $0x7  }
0x59: {  	[tilespmem:v2+s24+$0x0] =	vst.idx.add.f32.msk $0xffff, v1  }
0x5a: {  	v2 =	vld [tilespmem:s30+$0x14410];
	_ =	sdelay $0x7  }
0x5b: {  	[tilespmem:v2+s24+$0x0] =	vst.idx.add.f32.msk $0xffff, v1  }
0x5c: {  	v2 =	vld [tilespmem:s30+$0x14420];
	_ =	sdelay $0x7  }
0x5d: {  	[tilespmem:v2+s24+$0x0] =	vst.idx.add.f32.msk $0xffff, v1  }
0x5e: {  	v2 =	vld [tilespmem:s30+$0x14430];
	_ =	sdelay $0x7  }
0x5f: {  	[tilespmem:v2+s24+$0x0] =	vst.idx.add.f32.msk $0xffff, v1  }
0x60: {  	v2 =	vld [tilespmem:s30+$0x14440];
	_ =	sdelay $0x7  }
0x61: {  	[tilespmem:v2+s24+$0x0] =	vst.idx.add.f32.msk $0xffff, v1  }
0x62: {  	v2 =	vld [tilespmem:s30+$0x14450];
	_ =	sdelay $0x7  }
0x63: {  	[tilespmem:v2+s24+$0x0] =	vst.idx.add.f32.msk $0xffff, v1  }
0x64: {  	v2 =	vld [tilespmem:s30+$0x14460];
	_ =	sdelay $0x7  }
0x65: {  	[tilespmem:v2+s24+$0x0] =	vst.idx.add.f32.msk $0xffff, v1  }
0x66: {  	v2 =	vld [tilespmem:s30+$0x14470];
	_ =	sdelay $0x7  }
0x67: {  	s8 =	sadd.s32 $0x13D00, s30;
	[tilespmem:v2+s24+$0x0] =	vst.idx.add.f32.msk $0xffff, v1  }
0x68: {  	[tilespmem:s17], [sflag:$0x1] =	stream.indirect.gather [hbm4b:s2+s21], $0x80, s8, s21, $0xb8;
	[tilespmem:$0x1F380] =	vst v63  }
0x69: {  	_ =	swait.ge [sflag:s25], $0x4000  }
0x6a: {  	[sflag:s25] =	ssyncset.done $0x0  }
0x6b: {  	s8 =	sadd.s32 $0x14480, s30;
	[sflag:s25] =	ssyncadd.s32 $0xFFFFC000  }
0x6c: {  	[spmem:s3] =	stream.indirect.scatter.add.f32 [tilespmem:s22], [sflag:$0x3], $0x80, s8, s21, $0xb8;
	[tilespmem:$0x1F380] =	vst v63  }
0x6d: {  	_ =	swait.ge [sflag:s18], $0x4000  }
0x6e: {  	[sflag:s18] =	ssyncset.done $0x0  }
0x6f: {  	[sflag:s18] =	ssyncadd.s32 $0xFFFFC000  }
0x70: {  	v2 =	vld [tilespmem:s30+$0x14480];
	_ =	sdelay $0x7  }
0x71: {  	[tilespmem:v2+s24+$0x0] =	vst.idx.add.f32.msk $0xffff, v1  }
0x72: {  	v2 =	vld [tilespmem:s30+$0x14490];
	_ =	sdelay $0x7  }
0x73: {  	[tilespmem:v2+s24+$0x0] =	vst.idx.add.f32.msk $0xffff, v1  }
0x74: {  	v2 =	vld [tilespmem:s30+$0x144A0];
	_ =	sdelay $0x7  }
0x75: {  	[tilespmem:v2+s24+$0x0] =	vst.idx.add.f32.msk $0xffff, v1  }
0x76: {  	v2 =	vld [tilespmem:s30+$0x144B0];
	_ =	sdelay $0x7  }
0x77: {  	[tilespmem:v2+s24+$0x0] =	vst.idx.add.f32.msk $0xffff, v1  }
0x78: {  	v2 =	vld [tilespmem:s30+$0x144C0];
	_ =	sdelay $0x7  }
0x79: {  	[tilespmem:v2+s24+$0x0] =	vst.idx.add.f32.msk $0xffff, v1  }
0x7a: {  	v2 =	vld [tilespmem:s30+$0x144D0];
	_ =	sdelay $0x7  }
0x7b: {  	[tilespmem:v2+s24+$0x0] =	vst.idx.add.f32.msk $0xffff, v1  }
0x7c: {  	v2 =	vld [tilespmem:s30+$0x144E0];
	_ =	sdelay $0x7  }
0x7d: {  	[tilespmem:v2+s24+$0x0] =	vst.idx.add.f32.msk $0xffff, v1  }
0x7e: {  	v2 =	vld [tilespmem:s30+$0x144F0];
	_ =	sdelay $0x2  }
0x7f: {  	p0 =	sne.s32 s1, $0x1800  }
.Ltmp2:
0x80: {  	_ = 	snop;
	(pc) =	sbr.rel @p0 .LBB2_7-.Ltmp2, $2  }
0x81: {  	_ =	sdelay $0x2  }
0x82: {  	s1 =	sadd.s32 $0x400, s1;
	[tilespmem:v2+s24+$0x0] =	vst.idx.add.f32.msk $0xffff, v1  }
0x83: {  	[tilespmem:s22], [sflag:$0x2] =	stream.indirect.gather [hbm4b:s2+s21], $0x80, s26, s21, $0xb8;
	[tilespmem:$0x1F380] =	vst v63  }
0x84: {  	_ =	swait.ge [sflag:s23], $0x4000  }
0x85: {  	[sflag:s23] =	ssyncset.done $0x0  }
0x86: {  	[sflag:s23] =	ssyncadd.s32 $0xFFFFC000  }
0x87: {  	[spmem:s3] =	stream.indirect.scatter.add.f32 [tilespmem:s17], [sflag:$0x3], $0x80, s28, s21, $0xb8;
	[tilespmem:$0x1F380] =	vst v63  }
0x88: {  	_ =	swait.ge [sflag:s18], $0x4000  }
0x89: {  	[sflag:s18] =	ssyncset.done $0x0  }
0x8a: {  	[sflag:s18] =	ssyncadd.s32 $0xFFFFC000  }
0x8b: {  	v2 =	vld [tilespmem:$0x14B00];
	_ =	sdelay $0x7  }
0x8c: {  	[tilespmem:v2+s24+$0x0] =	vst.idx.add.f32.msk $0xffff, v1  }
0x8d: {  	v2 =	vld [tilespmem:$0x14B10];
	_ =	sdelay $0x7  }
0x8e: {  	[tilespmem:v2+s24+$0x0] =	vst.idx.add.f32.msk $0xffff, v1  }
0x8f: {  	v2 =	vld [tilespmem:$0x14B20];
	_ =	sdelay $0x7  }
0x90: {  	[tilespmem:v2+s24+$0x0] =	vst.idx.add.f32.msk $0xffff, v1  }
0x91: {  	v2 =	vld [tilespmem:$0x14B30];
	_ =	sdelay $0x7  }
0x92: {  	[tilespmem:v2+s24+$0x0] =	vst.idx.add.f32.msk $0xffff, v1  }
0x93: {  	v2 =	vld [tilespmem:$0x14B40];
	_ =	sdelay $0x7  }
0x94: {  	[tilespmem:v2+s24+$0x0] =	vst.idx.add.f32.msk $0xffff, v1  }
0x95: {  	v2 =	vld [tilespmem:$0x14B50];
	_ =	sdelay $0x7  }
0x96: {  	[tilespmem:v2+s24+$0x0] =	vst.idx.add.f32.msk $0xffff, v1  }
0x97: {  	v2 =	vld [tilespmem:$0x14B60];
	_ =	sdelay $0x7  }
0x98: {  	[tilespmem:v2+s24+$0x0] =	vst.idx.add.f32.msk $0xffff, v1  }
0x99: {  	v2 =	vld [tilespmem:$0x14B70];
	_ =	sdelay $0x7  }
0x9a: {  	[tilespmem:v2+s24+$0x0] =	vst.idx.add.f32.msk $0xffff, v1  }
0x9b: {  	_ =	swait.ge [sflag:s25], $0x4000  }
0x9c: {  	[sflag:s25] =	ssyncset.done $0x0  }
0x9d: {  	[sflag:s25] =	ssyncadd.s32 $0xFFFFC000  }
0x9e: {  	[spmem:s3] =	stream.indirect.scatter.add.f32 [tilespmem:s22], [sflag:$0x3], $0x80, s29, s21, $0xb8;
	[tilespmem:$0x1F380] =	vst v63  }
0x9f: {  	_ =	swait.ge [sflag:s18], $0x4000  }
0xa0: {  	[sflag:s18] =	ssyncset.done $0x0  }
0xa1: {  	[sflag:s18] =	ssyncadd.s32 $0xFFFFC000  }
0xa2: {  	v2 =	vld [tilespmem:$0x14B80];
	_ =	sdelay $0x7  }
0xa3: {  	[tilespmem:v2+s24+$0x0] =	vst.idx.add.f32.msk $0xffff, v1  }
0xa4: {  	v2 =	vld [tilespmem:$0x14B90];
	_ =	sdelay $0x7  }
0xa5: {  	[tilespmem:v2+s24+$0x0] =	vst.idx.add.f32.msk $0xffff, v1  }
0xa6: {  	v2 =	vld [tilespmem:$0x14BA0];
	_ =	sdelay $0x7  }
0xa7: {  	[tilespmem:v2+s24+$0x0] =	vst.idx.add.f32.msk $0xffff, v1  }
0xa8: {  	v2 =	vld [tilespmem:$0x14BB0];
	_ =	sdelay $0x7  }
0xa9: {  	[tilespmem:v2+s24+$0x0] =	vst.idx.add.f32.msk $0xffff, v1  }
0xaa: {  	v2 =	vld [tilespmem:$0x14BC0];
	_ =	sdelay $0x7  }
0xab: {  	[tilespmem:v2+s24+$0x0] =	vst.idx.add.f32.msk $0xffff, v1  }
0xac: {  	v2 =	vld [tilespmem:$0x14BD0];
	_ =	sdelay $0x7  }
0xad: {  	[tilespmem:v2+s24+$0x0] =	vst.idx.add.f32.msk $0xffff, v1  }
0xae: {  	v2 =	vld [tilespmem:$0x14BE0];
	_ =	sdelay $0x7  }
0xaf: {  	[tilespmem:v2+s24+$0x0] =	vst.idx.add.f32.msk $0xffff, v1  }
0xb0: {  	v2 =	vld [tilespmem:$0x14BF0];
	_ =	sdelay $0x1  }
0xb1: {  	s0 =	sadd.s32 $0x1, s0  }
0xb2: {  	p0 =	sne.s32 s0, s12  }
.Ltmp3:
0xb3: {  	_ = 	snop;
	(pc) =	sbr.rel @p0 .LBB2_6-.Ltmp3, $2  }
0xb4: {  	_ =	sdelay $0x2  }
0xb5: {  	[tilespmem:v2+s24+$0x0] =	vst.idx.add.f32.msk $0xffff, v1  }
0xb6: {  	s0 =	stileid.u32  }
0xb7: {  	s0 =	sshll.u32 s0, $0x6  }
0xb8: {  	[bflag:$0x0] =	sbarrier.arrive $0xFFFF;
	s1 =	sshrl.u32 s7, $0x3;
	s0 =	sor.u32 $0x1C03, s0  }
0xb9: {  	[hbm:s14], [sflag:s0] =	dma.local [spmem:s1], $0x2780  }
0xba: {  	s4 =	sadd.s32 $0x1, s4;
	_ =	swait.ge [sflag:s18], $0x2780  }
0xbb: {  	p0 =	sne.s32 s4, s16;
	[sflag:s18] =	ssyncset.done $0x0  }
.Ltmp4:
0xbc: {  	s30 =	simm.s32 $0x400;
	[sflag:s18] =	ssyncadd.s32 $0xFFFFD880;
	(pc) =	sbr.rel @p0 .LBB2_1-.Ltmp4, $4  }
0xbd: {  	[hbm4b:s15+s21] =	stream.strided.scatter [tilespmem:s24], [sflag:$0x3], $0x2780, s30, s21, $0x38;
	[tilespmem:$0x1F380] =	vst v63  }
0xbe: {  	_ =	swait.ge [sflag:s18], $0x2780  }
0xbf: {  	[sflag:s18] =	ssyncset.done $0x0  }
0xc0: {  	[sflag:s18] =	ssyncadd.s32 $0xFFFFD880  }
0xc1: {  	_ =	sfence.sel $0x180000  }
0xc2: {  	[bflag:$0x0] =	sbarrier.arrive $0xFFFF  }
0xc3: {  	_ =	strace $0x90000047  }
0xc4: {  	s0 =	stileid.u32;
	[bflag:$0x2] =	sbarrier.arrive $0xFFFF  }
0xc5: {  	p0 =	sne.s32 s0, $0x0;
	s0 =	rddreg [dreg:$0x3]  }
0xc6: {  	s0 =	sadd.s32 @!p0 $0x100000, s0  }
0xc7: {  	[sflag:s0] =	ssyncadd.tile.s32 @!p0 $0x1;
	_ =	shalt  }
.Lfunc_end2:
_tile_overlayer_lowered:
.L_overlay_start_2:
0xc8: {  	(tag) =	ssettag $0x2  }
0xc9: {  	s0 =	rddreg [dreg:$0x0];
	s2 =	stileid.u32  }
0xca: {  	s1 =	rddreg [dreg:$0x1];
	p0 =	sne.s32 s2, $0x0  }
0xcb: {  	s3 =	rddreg [dreg:$0x2];
	[bflag:$0x3] =	sbarrier.arrive $0xFFFF;
	s2 =	simm.s32 @!p0 $0x1C03  }
0xcc: {  	[timem:s3], [sflag:s2] =	dma.local @!p0 [hbm:s0], s1  }
0xcd: {  	s0 =	simm.s32 @!p0 $0x3  }
0xce: {  	_ =	swait.ge @!p0 [sflag:s0], s1  }
0xcf: {  	s1 =	ssub.s32 @!p0 $0x0, s1;
	[sflag:s0] =	ssyncset.done @!p0 $0x0  }
0xd0: {  	[sflag:s0] =	ssyncadd.s32 @!p0 s1  }
0xd1: {  	[bflag:$0x3] =	sbarrier.arrive $0xFFFF  }
0xd2: {  	_ =	shalt  }

// kernel: kernel.9.cloned.1.call-start
scs
__scs_entry_jumppad:
0x0: {  	(pc) =	sbr.rel $0x88, $3  }
0x1: {  	(tag) =	ssettag $0x0;
	lr =	simm.s32 $0x1  }
0x2: {  	[smem:$0x3F99] =	sst lr;
	_ =	strace $0xD0000000  }
0x3: {  	_ = 	snop  }
0x4: {  	_ = 	snop  }
0x5: {  	_ = 	snop  }
0x6: {  	_ = 	snop  }
0x7: {  	_ = 	snop  }
__scs_overlays_trampoline_lowered:
0x8: {  	[smem:$0x3FA8] =	sst s0  }
0x9: {  	[smem:$0x3FA9] =	sst s1  }
0xa: {  	[smem:$0x3FAA] =	sst s2  }
0xb: {  	[smem:$0x3FAB] =	sst s3  }
0xc: {  	[smem:$0x3FAC] =	sst s4  }
0xd: {  	[smem:$0x3FAD] =	sst s5  }
0xe: {  	[smem:$0x3FAE] =	sst s6  }
0xf: {  	[smem:$0x3FAF] =	sst s7  }
0x10: {  	[smem:$0x3FB0] =	sst s8  }
0x11: {  	[smem:$0x3FB1] =	sst s9;
	s0 =	simm.s32 @!p0 $0x0  }
0x12: {  	s1 =	sld [smem:$0x3F97];
	s0 =	simm.s32 @p0 $0x1  }
0x13: {  	[smem:$0x3FB2] =	sst s0;
	s0 =	simm.s32 @!p1 $0x0  }
0x14: {  	s2 =	sld [smem:$0x3F96];
	s0 =	simm.s32 @p1 $0x1  }
0x15: {  	[smem:$0x3FB3] =	sst s0;
	s0 =	simm.s32 @!p2 $0x0  }
0x16: {  	s3 =	sld [smem:$0x3FDB];
	s0 =	simm.s32 @p2 $0x1  }
0x17: {  	s4 =	simm.s32 $0x1BF5;
	[smem:$0x3FB5] =	sst s0  }
0x18: {  	s0 =	sld [smem:$0x3F98];
	_ =	swait.ge [sflag:s4], $0x0  }
0x19: {  	s7 =	sld [smem:$0x3F99]  }
0x1a: {  	s8 =	sadd.s32 $0xFFFFE003, lr  }
0x1b: {  	s9 =	sadd.s32 $0xFFFFFEF7, lr;
	s5 =	simm.s32 $0xFFFFFFFF;
	p2 =	slt.u32 s8, $0xFFFFF086  }
0x1c: {  	p1 =	slt.u32 s9, $0xF7A;
	s5 =	simm.s32 @!p2 $0x0  }
0x1d: {  	s5 =	simm.s32 @p1 $0x1;
	p0 =	seq.s32 s7, s2  }
0x1e: {  	s7 =	smul.u32 @!p0 $0xF7A, s2;
	p2 =	seq.s32 @!p0 s5, $0x0  }
0x1f: {  	s9 =	smul.u32 $0xF7A, s1;
	s8 =	simm.s32 @!p0 $0x1BF5;
	p2 =	por !p2, p0  }
0x20: {  	[sflag:s8] =	ssyncset.s32 @!p0 $0xFFFFF086;
	s6 =	sadd.s32 @!p0 s3, s7;
	s7 =	simm.s32 @!p0 $0x108  }
0x21: {  	s3 =	sadd.s32 s3, s9;
	s6 =	sadd.s32 @!p0 $0x88, s6;
	s7 =	simm.s32 @p2 $0x1082  }
0x22: {  	[simem:s7], [sflag:s8] =	dma.local @!p0 [hbm:s6], $0xF7A  }
0x23: {  	s9 =	sor.u32 $0xD0000000, s2;
	s6 =	simm.s32 $0x108;
	_ =	swait.ge @!p0 [sflag:s8], $0x0  }
0x24: {  	s3 =	sadd.s32 $0x88, s3;
	s6 =	simm.s32 @!p1 $0x1082;
	[sflag:s4] =	ssyncset.s32 $0xFFFFF086  }
0x25: {  	[simem:s6], [sflag:s4] =	dma.local [hbm:s3], $0xF7A  }
0x26: {  	[smem:$0x3F99] =	sst s1;
	(tag) =	ssettag s2;
	_ =	strace s9  }
0x27: {  	s1 =	sld [smem:$0x3FA9]  }
0x28: {  	s2 =	sld [smem:$0x3FAA]  }
0x29: {  	s4 =	sld [smem:$0x3FAC]  }
0x2a: {  	p0 =	seq.s32 s5, $0x0;
	s5 =	sld [smem:$0x3FAD]  }
0x2b: {  	s6 =	sld [smem:$0x3FAE]  }
0x2c: {  	s7 =	sld [smem:$0x3FAF]  }
0x2d: {  	s3 =	simm.s32 $0x108;
	s8 =	sld [smem:$0x3FB0]  }
0x2e: {  	s3 =	simm.s32 @!p0 $0x1082;
	s9 =	sld [smem:$0x3FB1]  }
0x2f: {  	lr =	sadd.s32 s0, s3;
	s0 =	sld [smem:$0x3FA8]  }
0x30: {  	s3 =	sld [smem:$0x3FAB]  }
0x31: {  	[smem:$0x3FB4] =	sst s10  }
0x32: {  	s10 =	sld [smem:$0x3FB2];
	_ =	sdelay $0x3  }
0x33: {  	p0 =	seq.s32 s10, $0x1;
	s10 =	sld [smem:$0x3FB4];
	_ =	sdelay $0x3  }
0x34: {  	[smem:$0x3FB4] =	sst s10  }
0x35: {  	s10 =	sld [smem:$0x3FB3];
	_ =	sdelay $0x3  }
0x36: {  	p1 =	seq.s32 s10, $0x1;
	s10 =	sld [smem:$0x3FB4];
	_ =	sdelay $0x3  }
0x37: {  	[smem:$0x3FB4] =	sst s10  }
0x38: {  	s10 =	sld [smem:$0x3FB5]  }
0x39: {  	_ = 	snop;
	(pc) =	sbr.ind lr, $3  }
0x3a: {  	_ = 	snop  }
0x3b: {  	_ = 	snop  }
0x3c: {  	p2 =	seq.s32 s10, $0x1;
	s10 =	sld [smem:$0x3FB4]  }
0x3d: {  	_ =	shalt  }
0x3e: {  	_ =	shalt  }
0x3f: {  	_ =	shalt  }
0x40: {  	_ =	shalt  }
0x41: {  	_ =	shalt  }
0x42: {  	_ =	shalt  }
0x43: {  	_ =	shalt  }
0x44: {  	_ =	shalt  }
0x45: {  	_ =	shalt  }
0x46: {  	_ =	shalt  }
0x47: {  	_ =	shalt  }
0x48: {  	_ =	shalt  }
0x49: {  	_ =	shalt  }
0x4a: {  	_ =	shalt  }
0x4b: {  	_ =	shalt  }
0x4c: {  	_ =	shalt  }
0x4d: {  	_ =	shalt  }
0x4e: {  	_ =	shalt  }
0x4f: {  	_ =	shalt  }
0x50: {  	_ =	shalt  }
0x51: {  	_ =	shalt  }
0x52: {  	_ =	shalt  }
0x53: {  	_ =	shalt  }
0x54: {  	_ =	shalt  }
0x55: {  	_ =	shalt  }
0x56: {  	_ =	shalt  }
0x57: {  	_ =	shalt  }
0x58: {  	_ =	shalt  }
0x59: {  	_ =	shalt  }
0x5a: {  	_ =	shalt  }
0x5b: {  	_ =	shalt  }
0x5c: {  	_ =	shalt  }
0x5d: {  	_ =	shalt  }
0x5e: {  	_ =	shalt  }
0x5f: {  	_ =	shalt  }
0x60: {  	_ =	shalt  }
0x61: {  	_ =	shalt  }
0x62: {  	_ =	shalt  }
0x63: {  	_ =	shalt  }
0x64: {  	_ =	shalt  }
0x65: {  	_ =	shalt  }
0x66: {  	_ =	shalt  }
0x67: {  	_ =	shalt  }
0x68: {  	_ =	shalt  }
0x69: {  	_ =	shalt  }
0x6a: {  	_ =	shalt  }
0x6b: {  	_ =	shalt  }
0x6c: {  	_ =	shalt  }
0x6d: {  	_ =	shalt  }
0x6e: {  	_ =	shalt  }
0x6f: {  	_ =	shalt  }
0x70: {  	_ =	shalt  }
0x71: {  	_ =	shalt  }
0x72: {  	_ =	shalt  }
0x73: {  	_ =	shalt  }
0x74: {  	_ =	shalt  }
0x75: {  	_ =	shalt  }
0x76: {  	_ =	shalt  }
0x77: {  	_ =	shalt  }
0x78: {  	_ =	shalt  }
0x79: {  	_ =	shalt  }
0x7a: {  	_ =	shalt  }
0x7b: {  	_ =	shalt  }
0x7c: {  	_ =	shalt  }
0x7d: {  	_ =	shalt  }
0x7e: {  	_ =	shalt  }
0x7f: {  	_ =	shalt  }
0x80: {  	_ =	shalt  }
0x81: {  	_ =	shalt  }
0x82: {  	_ =	shalt  }
0x83: {  	_ =	shalt  }
0x84: {  	_ =	shalt  }
0x85: {  	_ =	shalt  }
0x86: {  	_ =	shalt  }
0x87: {  	_ =	shalt  }
.Lfunc_end0:
.L_simem_size_0:
called_computation.1_lowered:
.L_overlay_start_0:
0x88: {  	s2 =	sld [smem:$0x3FD9]  }
0x89: {  	s3 =	sld [smem:$0x3FFE];
	_ =	sdelay $0x1  }
0x8a: {  	s1 =	srdreg.scid  }
0x8b: {  	s0 =	sand.u32 $0x1, s1  }
0x8c: {  	s17 =	sshll.u32 s0, $0xA;
	s2 =	sadd.s32 s3, s2  }
0x8d: {  	s2 =	sadd.s32 s2, s17  }
0x8e: {  	[smem:$0x3FC0] =	sst s2  }
0x8f: {  	_ = 	snop  }
0x90: {  	s2 =	sld [smem:$0x3FD0];
	(tm) =	ssettm $0x1  }
0x91: {  	s18 =	sld [smem:$0x3FFB];
	_ =	sdelay $0x3  }
0x92: {  	_ =	strace s18  }
0x93: {  	s3 =	sld [smem:$0x3FFC];
	_ =	sdelay $0x3  }
0x94: {  	_ =	strace s3  }
0x95: {  	s3 =	sld [smem:$0x3FFD];
	_ =	sdelay $0x3  }
0x96: {  	_ =	strace s3  }
0x97: {  	_ =	strace $0x8FFFFFFF  }
0x98: {  	s19 =	sld [smem:$0x3FDB];
	_ =	sdelay $0x1  }
0x99: {  	s4 =	simm.s32 $_scs_section_size  }
0x9a: {  	s5 =	simm.s32 $_size__tile_overlayer_lowered;
	s6 =	simm.s32 $_tile_overlayer_lowered  }
0x9b: {  	s22 =	simm.s32 $0x1BFF;
	s21 =	sshll.u32 s6, $0x1;
	s3 =	sadd.s32 s4, s19  }
0x9c: {  	s7 =	simm.s32 $0x0;
	s20 =	sshll.u32 s5, $0x1;
	s5 =	sadd.s32 s21, s3  }
0x9d: {  	[timem:s7], [sflag:s22] =	dma.local [hbm:s5], s20  }
0x9e: {  	_ =	swait.ge [sflag:s22], s20  }
0x9f: {  	s4 =	ssub.s32 $0x0, s20;
	[sflag:s22] =	ssyncset.done $0x0  }
0xa0: {  	[sflag:s22] =	ssyncadd.s32 s4;
	_ =	sdelay $0x1  }
0xa1: {  	s23 =	simm.s32 $0x1B8B  }
0xa2: {  	_ =	swait.ge [sflag:s23], $0x1  }
0xa3: {  	[sflag:s23] =	ssyncset.done $0x0  }
0xa4: {  	s25 =	simm.s32 $0x1B8E;
	s24 =	sld [smem:$0x3FFE];
	[sflag:s23] =	ssyncadd.s32 $0xFFFFFFFF  }
0xa5: {  	s26 =	simm.s32 $execute0_lowered;
	[smem:$0x3FD2] =	sst s25  }
0xa6: {  	s5 =	sshll.u32 s26, $0x1;
	_ =	strace $0x80000049;
	[dreg:$0x1] =	wrdreg $0xFFFFFFFF  }
0xa7: {  	s28 =	simm.s32 $_size_execute0_lowered;
	s3 =	sadd.s32 s3, s5;
	[dreg:$0x0] =	wrdreg $0x0  }
0xa8: {  	s5 =	sshll.u32 s28, $0x1;
	[dreg:$0x2] =	wrdreg s3  }
0xa9: {  	[dreg:$0x3] =	wrdreg s5  }
0xaa: {  	[dreg:$0x4] =	wrdreg $0xC0  }
0xab: {  	_ =	task [dreg:s7], $0x5FFFF  }
0xac: {  	[dreg:$0x1] =	wrdreg $0xFFFFFFFF  }
0xad: {  	[dreg:$0x0] =	wrdreg $0x60  }
0xae: {  	[dreg:$0x2] =	wrdreg s24  }
0xaf: {  	[dreg:$0x3] =	wrdreg s2  }
0xb0: {  	[dreg:$0x4] =	wrdreg $0x0  }
0xb1: {  	[dreg:$0x5] =	wrdreg $0x9  }
0xb2: {  	_ =	task.clear_ibuf [dreg:s7], $0x6FFFF;
	_ =	strace $0x90000049  }
0xb3: {  	s29 =	simm.s32 $0x9;
	_ =	strace $0x8000004B  }
0xb4: {  	_ =	swait.ge [sflag:s29], $0x1  }
0xb5: {  	[sflag:s29] =	ssyncadd.s32 $0xFFFFFFFF  }
0xb6: {  	_ =	strace $0x9000004B  }
0xb7: {  	_ =	sfence  }
0xb8: {  	s30 =	sld [smem:$0x0];
	_ =	sdelay $0x2  }
0xb9: {  	s31 =	sshll.u32 s1, $0xD;
	s1 =	sshrl.u32 s1, $0x2  }
0xba: {  	s3 =	sand.u32 $0x4000, s31;
	s1 =	sadd.s32 s1, s30  }
0xbb: {  	s0 =	sor.u32 s3, s0;
	s1 =	sshll.u32 s1, $0x11  }
0xbc: {  	s0 =	sor.u32 s1, s0  }
0xbd: {  	s0 =	sadd.s32 $0x8F2B, s0  }
0xbe: {  	[sflag:s0] =	ssyncadd.remote.s32 $0x1  }
0xbf: {  	_ =	sfence.sel $0xFFFF  }
0xc0: {  	[dreg:$0x0] =	wrdreg $0xFFFFFFFF;
	(pc) =	sbr.abs _section_cstart, $3  }
0xc1: {  	[dreg:$0x1] =	wrdreg $0xFFFFFFFF  }
0xc2: {  	_ =	task.clear_ibuf [dreg:s7], $0x2FFFF;
	_ =	strace $0x9FFFFFFF  }
0xc3: {  	(tm) =	ssettm $0x7FFFFFFF  }
tec
execute0_lowered:
.L_overlay_start_1:
0x0: {  	(tag) =	ssettag $0x1  }
0x1: {  	s0 =	rddreg [dreg:$0x0]  }
0x2: {  	s1 =	rddreg [dreg:$0x1]  }
0x3: {  	s2 =	rddreg [dreg:$0x2]  }
0x4: {  	s4 =	simm.s32 $0x0;
	s3 =	srdreg.scid;
	s9 =	stileid.u32  }
0x5: {  	s10 =	simm.s32 $0x13D00;
	s11 =	simm.s32 $0x14480;
	s12 =	simm.s32 $0x13D80  }
0x6: {  	s14 =	simm.s32 $0x14500;
	[smem:$0x7FF] =	sst s4;
	s6 =	sadd.s32 $0x3000, s0  }
0x7: {  	s20 =	sadd.s32 $0x13000, s0;
	_ =	strace $0x8000004A;
	[dreg:$0x4] =	wrdreg s6  }
0x8: {  	s15 =	simm.s32 $0x13E00;
	s16 =	simm.s32 $0x14580;
	[dreg:$0x5] =	wrdreg s20  }
0x9: {  	s17 =	simm.s32 $0x13E80;
	s18 =	simm.s32 $0x14600;
	[dreg:$0x7] =	wrdreg s10  }
0xa: {  	s19 =	simm.s32 $0x13F00;
	s28 =	simm.s32 $0x14980;
	[dreg:$0x8] =	wrdreg s11  }
0xb: {  	s29 =	simm.s32 $0x14280;
	s30 =	simm.s32 $0x14A00;
	[dreg:$0x9] =	wrdreg s12  }
0xc: {  	s31 =	simm.s32 $0x14300;
	s7 =	smul.u32 $0x13C00, s9;
	[dreg:$0xa] =	wrdreg s14  }
0xd: {  	s3 =	sand.u32 $0x1, s3;
	s8 =	smul.u32 $0x4F000, s9;
	[dreg:$0xb] =	wrdreg s15  }
0xe: {  	s13 =	sshll.u32 s9, $0xF;
	s5 =	smul.u32 $0x13C000, s3;
	[dreg:$0xc] =	wrdreg s16  }
0xf: {  	s21 =	ssub.s32 $0x2, s3;
	p0 =	seq.s32 s3, $0x0;
	[dreg:$0xd] =	wrdreg s17  }
0x10: {  	s3 =	sshll.u32 s3, $0xE;
	s14 =	simm.s32 $0x14C00;
	[dreg:$0xe] =	wrdreg s18  }
0x11: {  	s15 =	simm.s32 $0x3;
	[dreg:$0xf] =	wrdreg s19;
	s20 =	simm.s32 $0x14680  }
0x12: {  	s16 =	simm.s32 $0x13C00;
	s17 =	simm.s32 $0x14400;
	s18 =	simm.s32 $0x80  }
0x13: {  	s19 =	simm.s32 $0x18C00;
	s22 =	sshrl.u32 s8, $0x2;
	s23 =	sshrl.u32 s21, $0x1  }
0x14: {  	s8 =	simm.s32 $0x13C80;
	[dreg:$0x10] =	wrdreg s20;
	s5 =	sadd.s32 s7, s5  }
0x15: {  	s6 =	ssub.s32 s21, s23;
	[dreg:$0x6] =	wrdreg s8;
	s21 =	simm.s32 $0x13F80  }
0x16: {  	s8 =	simm.s32 $0x8;
	s23 =	simm.s32 $0x14000;
	[dreg:$0x11] =	wrdreg s21  }
0x17: {  	s5 =	sshrl.u32 s5, $0x3;
	s8 =	simm.s32 @!p0 $0x2;
	[dreg:$0x13] =	wrdreg s23  }
0x18: {  	s6 =	smax.u32 s6, $0x1;
	s0 =	sadd.s32 s5, s0;
	[dreg:$0x1b] =	wrdreg s8  }
0x19: {  	s5 =	sadd.s32 s22, s2;
	[dreg:$0x1d] =	wrdreg s6;
	s22 =	simm.s32 $0x14700  }
0x1a: {  	s9 =	sor.u32 s3, s13;
	s7 =	sadd.s32 $0x4000, s5;
	[dreg:$0x12] =	wrdreg s22  }
0x1b: {  	s20 =	simm.s32 $0x1;
	s24 =	sadd.s32 $0x8000, s5;
	[dreg:$0x17] =	wrdreg s7  }
0x1c: {  	s3 =	simm.s32 $0x14380;
	s25 =	sadd.s32 $0xC000, s5;
	[dreg:$0x18] =	wrdreg s24  }
0x1d: {  	s21 =	simm.s32 $0x2;
	s26 =	sadd.s32 $0x10000, s5;
	[dreg:$0x19] =	wrdreg s25  }
0x1e: {  	s23 =	simm.s32 $0x14880;
	s0 =	sadd.s32 $0x23000, s0;
	[dreg:$0x1a] =	wrdreg s26  }
0x1f: {  	s6 =	simm.s32 $0x14B00;
	[dreg:$0x1c] =	wrdreg s0;
	s24 =	simm.s32 $0x14780  }
0x20: {  	s8 =	simm.s32 $0x0;
	s25 =	simm.s32 $0x14080;
	[dreg:$0x14] =	wrdreg s24  }
0x21: {  	s22 =	simm.s32 $0x14100;
	s26 =	simm.s32 $0x14800;
	[dreg:$0x15] =	wrdreg s25  }
0x22: {  	s0 =	simm.s32 $0x14A80;
	s7 =	simm.s32 $0x14B80;
	[dreg:$0x16] =	wrdreg s26  }
0x23: {  	v0 =	vimm.f32 $0.0e+00;
	s24 =	simm.s32 $0x14180;
	s25 =	simm.s32 $0x14900;
	s26 =	simm.s32 $0x14200  }
.LBB2_1:
0x24: {  	s11 =	simm.s32 $0x0;
	s12 =	simm.s32 $0x200  }
.LBB2_2:
0x25: {  	p0 =	sne.s32 s12, $0xFE00;
	[tilespmem:s11+$0x14C70] =	vst v0  }
0x26: {  	[tilespmem:s11+$0x14C00] =	vst v0  }
0x27: {  	[tilespmem:s11+$0x14C10] =	vst v0  }
.Ltmp0:
0x28: {  	[tilespmem:s11+$0x14C20] =	vst v0;
	(pc) =	sbr.rel @p0 .LBB2_2-.Ltmp0, $4  }
0x29: {  	[tilespmem:s11+$0x14C30] =	vst v0  }
0x2a: {  	[tilespmem:s11+$0x14C40] =	vst v0  }
0x2b: {  	[tilespmem:s11+$0x14C50] =	vst v0  }
0x2c: {  	[tilespmem:s11+$0x14C60] =	vst v0;
	s11 =	sshra.s32 s12, $0x2;
	s12 =	sadd.s32 $0x200, s12  }
0x2d: {  	[tilespmem:s11+$0x14C70] =	vst v0  }
0x2e: {  	[tilespmem:s11+$0x14C00] =	vst v0  }
0x2f: {  	[tilespmem:s11+$0x14C10] =	vst v0  }
0x30: {  	[tilespmem:s11+$0x14C20] =	vst v0  }
0x31: {  	[tilespmem:s11+$0x14C30] =	vst v0  }
0x32: {  	[tilespmem:s11+$0x14C40] =	vst v0  }
0x33: {  	[tilespmem:s11+$0x14C50] =	vst v0  }
0x34: {  	[tilespmem:s11+$0x14C60] =	vst v0  }
0x35: {  	[spmem:s5] =	stream.linear.scatter [tilespmem:s14], [sflag:$0x3], $0x4000, $0x38;
	[tilespmem:$0x1CC00] =	vst v63  }
0x36: {  	_ =	swait.ge [sflag:s15], $0x4000  }
0x37: {  	[sflag:s15] =	ssyncset.done $0x0  }
0x38: {  	s10 =	rddreg [dreg:$0x17];
	[sflag:s15] =	ssyncadd.s32 $0xFFFFC000  }
0x39: {  	[spmem:s10] =	stream.linear.scatter [tilespmem:s14], [sflag:$0x3], $0x4000, $0x38;
	[tilespmem:$0x1CC00] =	vst v63  }
0x3a: {  	_ =	swait.ge [sflag:s15], $0x4000  }
0x3b: {  	[sflag:s15] =	ssyncset.done $0x0  }
0x3c: {  	s13 =	rddreg [dreg:$0x18];
	[sflag:s15] =	ssyncadd.s32 $0xFFFFC000  }
0x3d: {  	[spmem:s13] =	stream.linear.scatter [tilespmem:s14], [sflag:$0x3], $0x4000, $0x38;
	[tilespmem:$0x1CC00] =	vst v63  }
0x3e: {  	_ =	swait.ge [sflag:s15], $0x4000  }
0x3f: {  	[sflag:s15] =	ssyncset.done $0x0  }
0x40: {  	s11 =	rddreg [dreg:$0x19];
	[sflag:s15] =	ssyncadd.s32 $0xFFFFC000  }
0x41: {  	[spmem:s11] =	stream.linear.scatter [tilespmem:s14], [sflag:$0x3], $0x4000, $0x38;
	[tilespmem:$0x1CC00] =	vst v63  }
0x42: {  	_ =	swait.ge [sflag:s15], $0x4000  }
0x43: {  	[sflag:s15] =	ssyncset.done $0x0  }
0x44: {  	s12 =	rddreg [dreg:$0x1a];
	[sflag:s15] =	ssyncadd.s32 $0xFFFFC000  }
0x45: {  	[spmem:s12] =	stream.linear.scatter [tilespmem:s14], [sflag:$0x3], $0x3C00, $0x38;
	[tilespmem:$0x1CC00] =	vst v63  }
0x46: {  	_ =	swait.ge [sflag:s15], $0x3C00  }
0x47: {  	[sflag:s15] =	ssyncset.done $0x0  }
0x48: {  	[sflag:s15] =	ssyncadd.s32 $0xFFFFC400  }
0x49: {  	[bflag:$0x0] =	sbarrier.arrive $0xFFFF  }
0x4a: {  	s13 =	rddreg [dreg:$0x1b]  }
0x4b: {  	p1 =	sne.s32 s13, $0x1  }
.Ltmp1:
0x4c: {  	_ = 	snop;
	(pc) =	sbr.rel @!p1 .LBB2_4-.Ltmp1, $2  }
0x4d: {  	_ =	sdelay $0x2  }
0x4e: {  	p0 =	por $0x0, $0x0;
	s12 =	rddreg [dreg:$0x4];
	s11 =	sadd.s32 $0xFFFFFFFF, s13  }
0x4f: {  	s13 =	sshrl.u32 s9, $0x3  }
0x50: {  	s12 =	sadd.s32 s12, s13  }
0x51: {  	[tilespmem:s16], [sflag:$0x3] =	stream.linear.gather [hbm4b:s12+s4], $0x800, $0x38;
	[tilespmem:$0x1CC00] =	vst v63  }
0x52: {  	_ =	swait.ge [sflag:s15], $0x800  }
0x53: {  	s10 =	rddreg [dreg:$0x5];
	[sflag:s15] =	ssyncset.done $0x0  }
0x54: {  	[sflag:s15] =	ssyncadd.s32 $0xFFFFF800;
	s12 =	sadd.s32 s10, s13  }
0x55: {  	[tilespmem:s17], [sflag:$0x3] =	stream.linear.gather [hbm4b:s12+s4], $0x800, $0x38;
	[tilespmem:$0x1CC00] =	vst v63  }
0x56: {  	_ =	swait.ge [sflag:s15], $0x800  }
0x57: {  	[sflag:s15] =	ssyncset.done $0x0  }
0x58: {  	[sflag:s15] =	ssyncadd.s32 $0xFFFFF800  }
0x59: {  	[tilespmem:s14], [sflag:$0x1] =	stream.indirect.gather [hbm4b:s1+s18], $0x80, s16, s18, $0xb8;
	[tilespmem:$0x1CC00] =	vst v63  }
0x5a: {  	s13 =	rddreg [dreg:$0x6]  }
0x5b: {  	[tilespmem:s19], [sflag:$0x2] =	stream.indirect.gather [hbm4b:s1+s18], $0x80, s13, s18, $0xb8;
	[tilespmem:$0x1CC00] =	vst v63  }
0x5c: {  	_ =	swait.ge [sflag:s20], $0x4000  }
0x5d: {  	[sflag:s20] =	ssyncset.done $0x0  }
0x5e: {  	[sflag:s20] =	ssyncadd.s32 $0xFFFFC000  }
0x5f: {  	[spmem:s2] =	stream.indirect.scatter.add.f32 [tilespmem:s14], [sflag:$0x3], $0x80, s17, s18, $0xb8;
	[tilespmem:$0x1CC00] =	vst v63  }
0x60: {  	_ =	swait.ge [sflag:s15], $0x4000  }
0x61: {  	[sflag:s15] =	ssyncset.done $0x0  }
0x62: {  	s10 =	rddreg [dreg:$0x7];
	[sflag:s15] =	ssyncadd.s32 $0xFFFFC000  }
0x63: {  	[tilespmem:s14], [sflag:$0x1] =	stream.indirect.gather [hbm4b:s1+s18], $0x80, s10, s18, $0xb8;
	[tilespmem:$0x1CC00] =	vst v63  }
0x64: {  	_ =	swait.ge [sflag:s21], $0x4000  }
0x65: {  	[sflag:s21] =	ssyncset.done $0x0  }
0x66: {  	s13 =	rddreg [dreg:$0x8];
	[sflag:s21] =	ssyncadd.s32 $0xFFFFC000  }
0x67: {  	[spmem:s2] =	stream.indirect.scatter.add.f32 [tilespmem:s19], [sflag:$0x3], $0x80, s13, s18, $0xb8;
	[tilespmem:$0x1CC00] =	vst v63  }
0x68: {  	_ =	swait.ge [sflag:s15], $0x4000  }
0x69: {  	[sflag:s15] =	ssyncset.done $0x0  }
0x6a: {  	s10 =	rddreg [dreg:$0x9];
	[sflag:s15] =	ssyncadd.s32 $0xFFFFC000  }
0x6b: {  	[tilespmem:s19], [sflag:$0x2] =	stream.indirect.gather [hbm4b:s1+s18], $0x80, s10, s18, $0xb8;
	[tilespmem:$0x1CC00] =	vst v63  }
0x6c: {  	_ =	swait.ge [sflag:s20], $0x4000  }
0x6d: {  	[sflag:s20] =	ssyncset.done $0x0  }
0x6e: {  	s13 =	rddreg [dreg:$0xa];
	[sflag:s20] =	ssyncadd.s32 $0xFFFFC000  }
0x6f: {  	[spmem:s2] =	stream.indirect.scatter.add.f32 [tilespmem:s14], [sflag:$0x3], $0x80, s13, s18, $0xb8;
	[tilespmem:$0x1CC00] =	vst v63  }
0x70: {  	_ =	swait.ge [sflag:s15], $0x4000  }
0x71: {  	[sflag:s15] =	ssyncset.done $0x0  }
0x72: {  	s10 =	rddreg [dreg:$0xb];
	[sflag:s15] =	ssyncadd.s32 $0xFFFFC000  }
0x73: {  	[tilespmem:s14], [sflag:$0x1] =	stream.indirect.gather [hbm4b:s1+s18], $0x80, s10, s18, $0xb8;
	[tilespmem:$0x1CC00] =	vst v63  }
0x74: {  	_ =	swait.ge [sflag:s21], $0x4000  }
0x75: {  	[sflag:s21] =	ssyncset.done $0x0  }
0x76: {  	s13 =	rddreg [dreg:$0xc];
	[sflag:s21] =	ssyncadd.s32 $0xFFFFC000  }
0x77: {  	[spmem:s2] =	stream.indirect.scatter.add.f32 [tilespmem:s19], [sflag:$0x3], $0x80, s13, s18, $0xb8;
	[tilespmem:$0x1CC00] =	vst v63  }
0x78: {  	_ =	swait.ge [sflag:s15], $0x4000  }
0x79: {  	[sflag:s15] =	ssyncset.done $0x0  }
0x7a: {  	s10 =	rddreg [dreg:$0xd];
	[sflag:s15] =	ssyncadd.s32 $0xFFFFC000  }
0x7b: {  	[tilespmem:s19], [sflag:$0x2] =	stream.indirect.gather [hbm4b:s1+s18], $0x80, s10, s18, $0xb8;
	[tilespmem:$0x1CC00] =	vst v63  }
0x7c: {  	_ =	swait.ge [sflag:s20], $0x4000  }
0x7d: {  	[sflag:s20] =	ssyncset.done $0x0  }
0x7e: {  	s13 =	rddreg [dreg:$0xe];
	[sflag:s20] =	ssyncadd.s32 $0xFFFFC000  }
0x7f: {  	[spmem:s2] =	stream.indirect.scatter.add.f32 [tilespmem:s14], [sflag:$0x3], $0x80, s13, s18, $0xb8;
	[tilespmem:$0x1CC00] =	vst v63  }
0x80: {  	_ =	swait.ge [sflag:s15], $0x4000  }
0x81: {  	[sflag:s15] =	ssyncset.done $0x0  }
0x82: {  	s10 =	rddreg [dreg:$0xf];
	[sflag:s15] =	ssyncadd.s32 $0xFFFFC000  }
0x83: {  	[tilespmem:s14], [sflag:$0x1] =	stream.indirect.gather [hbm4b:s1+s18], $0x80, s10, s18, $0xb8;
	[tilespmem:$0x1CC00] =	vst v63  }
0x84: {  	_ =	swait.ge [sflag:s21], $0x4000  }
0x85: {  	[sflag:s21] =	ssyncset.done $0x0  }
0x86: {  	s13 =	rddreg [dreg:$0x10];
	[sflag:s21] =	ssyncadd.s32 $0xFFFFC000  }
0x87: {  	[spmem:s2] =	stream.indirect.scatter.add.f32 [tilespmem:s19], [sflag:$0x3], $0x80, s13, s18, $0xb8;
	[tilespmem:$0x1CC00] =	vst v63  }
0x88: {  	_ =	swait.ge [sflag:s15], $0x4000  }
0x89: {  	[sflag:s15] =	ssyncset.done $0x0  }
0x8a: {  	s10 =	rddreg [dreg:$0x11];
	[sflag:s15] =	ssyncadd.s32 $0xFFFFC000  }
0x8b: {  	[tilespmem:s19], [sflag:$0x2] =	stream.indirect.gather [hbm4b:s1+s18], $0x80, s10, s18, $0xb8;
	[tilespmem:$0x1CC00] =	vst v63  }
0x8c: {  	_ =	swait.ge [sflag:s20], $0x4000  }
0x8d: {  	[sflag:s20] =	ssyncset.done $0x0  }
0x8e: {  	s13 =	rddreg [dreg:$0x12];
	[sflag:s20] =	ssyncadd.s32 $0xFFFFC000  }
0x8f: {  	[spmem:s2] =	stream.indirect.scatter.add.f32 [tilespmem:s14], [sflag:$0x3], $0x80, s13, s18, $0xb8;
	[tilespmem:$0x1CC00] =	vst v63  }
0x90: {  	_ =	swait.ge [sflag:s15], $0x4000  }
0x91: {  	[sflag:s15] =	ssyncset.done $0x0  }
0x92: {  	s10 =	rddreg [dreg:$0x13];
	[sflag:s15] =	ssyncadd.s32 $0xFFFFC000  }
0x93: {  	[tilespmem:s14], [sflag:$0x1] =	stream.indirect.gather [hbm4b:s1+s18], $0x80, s10, s18, $0xb8;
	[tilespmem:$0x1CC00] =	vst v63  }
0x94: {  	_ =	swait.ge [sflag:s21], $0x4000  }
0x95: {  	[sflag:s21] =	ssyncset.done $0x0  }
0x96: {  	s13 =	rddreg [dreg:$0x14];
	[sflag:s21] =	ssyncadd.s32 $0xFFFFC000  }
0x97: {  	[spmem:s2] =	stream.indirect.scatter.add.f32 [tilespmem:s19], [sflag:$0x3], $0x80, s13, s18, $0xb8;
	[tilespmem:$0x1CC00] =	vst v63  }
0x98: {  	_ =	swait.ge [sflag:s15], $0x4000  }
0x99: {  	[sflag:s15] =	ssyncset.done $0x0  }
0x9a: {  	s10 =	rddreg [dreg:$0x15];
	[sflag:s15] =	ssyncadd.s32 $0xFFFFC000  }
0x9b: {  	[tilespmem:s19], [sflag:$0x2] =	stream.indirect.gather [hbm4b:s1+s18], $0x80, s10, s18, $0xb8;
	[tilespmem:$0x1CC00] =	vst v63  }
0x9c: {  	_ =	swait.ge [sflag:s20], $0x4000  }
0x9d: {  	[sflag:s20] =	ssyncset.done $0x0  }
0x9e: {  	s13 =	rddreg [dreg:$0x16];
	[sflag:s20] =	ssyncadd.s32 $0xFFFFC000  }
0x9f: {  	[spmem:s2] =	stream.indirect.scatter.add.f32 [tilespmem:s14], [sflag:$0x3], $0x80, s13, s18, $0xb8;
	[tilespmem:$0x1CC00] =	vst v63  }
0xa0: {  	_ =	swait.ge [sflag:s15], $0x4000  }
0xa1: {  	[sflag:s15] =	ssyncset.done $0x0  }
0xa2: {  	[sflag:s15] =	ssyncadd.s32 $0xFFFFC000  }
0xa3: {  	[tilespmem:s14], [sflag:$0x1] =	stream.indirect.gather [hbm4b:s1+s18], $0x80, s22, s18, $0xb8;
	[tilespmem:$0x1CC00] =	vst v63  }
0xa4: {  	_ =	swait.ge [sflag:s21], $0x4000  }
0xa5: {  	[sflag:s21] =	ssyncset.done $0x0  }
0xa6: {  	[sflag:s21] =	ssyncadd.s32 $0xFFFFC000  }
0xa7: {  	[spmem:s2] =	stream.indirect.scatter.add.f32 [tilespmem:s19], [sflag:$0x3], $0x80, s23, s18, $0xb8;
	[tilespmem:$0x1CC00] =	vst v63  }
0xa8: {  	_ =	swait.ge [sflag:s15], $0x4000  }
0xa9: {  	[sflag:s15] =	ssyncset.done $0x0  }
0xaa: {  	[sflag:s15] =	ssyncadd.s32 $0xFFFFC000  }
0xab: {  	[tilespmem:s19], [sflag:$0x2] =	stream.indirect.gather [hbm4b:s1+s18], $0x80, s24, s18, $0xb8;
	[tilespmem:$0x1CC00] =	vst v63  }
0xac: {  	_ =	swait.ge [sflag:s20], $0x4000  }
0xad: {  	[sflag:s20] =	ssyncset.done $0x0  }
0xae: {  	[sflag:s20] =	ssyncadd.s32 $0xFFFFC000  }
0xaf: {  	[spmem:s2] =	stream.indirect.scatter.add.f32 [tilespmem:s14], [sflag:$0x3], $0x80, s25, s18, $0xb8;
	[tilespmem:$0x1CC00] =	vst v63  }
0xb0: {  	_ =	swait.ge [sflag:s15], $0x4000  }
0xb1: {  	[sflag:s15] =	ssyncset.done $0x0  }
0xb2: {  	[sflag:s15] =	ssyncadd.s32 $0xFFFFC000  }
0xb3: {  	[tilespmem:s14], [sflag:$0x1] =	stream.indirect.gather [hbm4b:s1+s18], $0x80, s26, s18, $0xb8;
	[tilespmem:$0x1CC00] =	vst v63  }
0xb4: {  	_ =	swait.ge [sflag:s21], $0x4000  }
0xb5: {  	[sflag:s21] =	ssyncset.done $0x0  }
0xb6: {  	[sflag:s21] =	ssyncadd.s32 $0xFFFFC000  }
0xb7: {  	[spmem:s2] =	stream.indirect.scatter.add.f32 [tilespmem:s19], [sflag:$0x3], $0x80, s28, s18, $0xb8;
	[tilespmem:$0x1CC00] =	vst v63  }
0xb8: {  	_ =	swait.ge [sflag:s15], $0x4000  }
0xb9: {  	[sflag:s15] =	ssyncset.done $0x0  }
0xba: {  	[sflag:s15] =	ssyncadd.s32 $0xFFFFC000  }
0xbb: {  	[tilespmem:s19], [sflag:$0x2] =	stream.indirect.gather [hbm4b:s1+s18], $0x80, s29, s18, $0xb8;
	[tilespmem:$0x1CC00] =	vst v63  }
0xbc: {  	_ =	swait.ge [sflag:s20], $0x4000  }
0xbd: {  	[sflag:s20] =	ssyncset.done $0x0  }
0xbe: {  	[sflag:s20] =	ssyncadd.s32 $0xFFFFC000  }
0xbf: {  	[spmem:s2] =	stream.indirect.scatter.add.f32 [tilespmem:s14], [sflag:$0x3], $0x80, s30, s18, $0xb8;
	[tilespmem:$0x1CC00] =	vst v63  }
0xc0: {  	_ =	swait.ge [sflag:s15], $0x4000  }
0xc1: {  	[sflag:s15] =	ssyncset.done $0x0  }
0xc2: {  	[sflag:s15] =	ssyncadd.s32 $0xFFFFC000  }
0xc3: {  	[tilespmem:s14], [sflag:$0x1] =	stream.indirect.gather [hbm4b:s1+s18], $0x80, s31, s18, $0xb8;
	[tilespmem:$0x1CC00] =	vst v63  }
0xc4: {  	_ =	swait.ge [sflag:s21], $0x4000  }
0xc5: {  	[sflag:s21] =	ssyncset.done $0x0  }
0xc6: {  	[sflag:s21] =	ssyncadd.s32 $0xFFFFC000  }
0xc7: {  	[spmem:s2] =	stream.indirect.scatter.add.f32 [tilespmem:s19], [sflag:$0x3], $0x80, s0, s18, $0xb8;
	[tilespmem:$0x1CC00] =	vst v63  }
0xc8: {  	_ =	swait.ge [sflag:s15], $0x4000  }
0xc9: {  	[sflag:s15] =	ssyncset.done $0x0  }
0xca: {  	[sflag:s15] =	ssyncadd.s32 $0xFFFFC000  }
0xcb: {  	[tilespmem:s19], [sflag:$0x2] =	stream.indirect.gather [hbm4b:s1+s18], $0x80, s3, s18, $0xb8;
	[tilespmem:$0x1CC00] =	vst v63  }
0xcc: {  	_ =	swait.ge [sflag:s20], $0x4000  }
0xcd: {  	[sflag:s20] =	ssyncset.done $0x0  }
0xce: {  	[sflag:s20] =	ssyncadd.s32 $0xFFFFC000  }
0xcf: {  	[spmem:s2] =	stream.indirect.scatter.add.f32 [tilespmem:s14], [sflag:$0x3], $0x80, s6, s18, $0xb8;
	[tilespmem:$0x1CC00] =	vst v63  }
0xd0: {  	_ =	swait.ge [sflag:s15], $0x4000  }
0xd1: {  	[sflag:s15] =	ssyncset.done $0x0  }
0xd2: {  	[sflag:s15] =	ssyncadd.s32 $0xFFFFC000  }
0xd3: {  	p1 =	sne.s32 s11, $0x1;
	_ =	swait.ge [sflag:s21], $0x4000  }
.Ltmp2:
0xd4: {  	[sflag:s21] =	ssyncset.done $0x0;
	(pc) =	sbr.rel @!p1 .LBB2_6-.Ltmp2, $4  }
0xd5: {  	[sflag:s21] =	ssyncadd.s32 $0xFFFFC000  }
0xd6: {  	[spmem:s2] =	stream.indirect.scatter.add.f32 [tilespmem:s19], [sflag:$0x3], $0x80, s7, s18, $0xb8;
	[tilespmem:$0x1CC00] =	vst v63  }
0xd7: {  	s11 =	sadd.s32 $0xFFFFFFFF, s11;
	p0 =	por $0x1, $0x1;
	_ =	swait.ge [sflag:s15], $0x4000  }
0xd8: {  	s13 =	smov.u32 s9;
	s12 =	rddreg [dreg:$0x4];
	[sflag:s15] =	ssyncset.done $0x0  }
.LBB2_7:
0xd9: {  	s13 =	sadd.s32 $0x800, s13  }
0xda: {  	s10 =	sshrl.u32 s13, $0x3  }
0xdb: {  	[sflag:s15] =	ssyncadd.s32 $0xFFFFC000;
	s12 =	sadd.s32 s12, s10  }
0xdc: {  	[tilespmem:s16], [sflag:$0x3] =	stream.linear.gather [hbm4b:s12+s4], $0x800, $0x38;
	[tilespmem:$0x1CC00] =	vst v63  }
0xdd: {  	_ =	swait.ge [sflag:s15], $0x800  }
0xde: {  	s12 =	rddreg [dreg:$0x5];
	[sflag:s15] =	ssyncset.done $0x0  }
0xdf: {  	[sflag:s15] =	ssyncadd.s32 $0xFFFFF800;
	s10 =	sadd.s32 s12, s10  }
0xe0: {  	[tilespmem:s17], [sflag:$0x3] =	stream.linear.gather [hbm4b:s10+s4], $0x800, $0x38;
	[tilespmem:$0x1CC00] =	vst v63  }
0xe1: {  	_ =	swait.ge [sflag:s15], $0x800  }
0xe2: {  	[sflag:s15] =	ssyncset.done $0x0  }
0xe3: {  	[sflag:s15] =	ssyncadd.s32 $0xFFFFF800  }
0xe4: {  	[tilespmem:s14], [sflag:$0x1] =	stream.indirect.gather [hbm4b:s1+s18], $0x80, s16, s18, $0xb8;
	[tilespmem:$0x1CC00] =	vst v63  }
0xe5: {  	s12 =	rddreg [dreg:$0x6]  }
0xe6: {  	[tilespmem:s19], [sflag:$0x2] =	stream.indirect.gather [hbm4b:s1+s18], $0x80, s12, s18, $0xb8;
	[tilespmem:$0x1CC00] =	vst v63  }
0xe7: {  	_ =	swait.ge [sflag:s20], $0x4000  }
0xe8: {  	[sflag:s20] =	ssyncset.done $0x0  }
0xe9: {  	[sflag:s20] =	ssyncadd.s32 $0xFFFFC000  }
0xea: {  	[spmem:s2] =	stream.indirect.scatter.add.f32 [tilespmem:s14], [sflag:$0x3], $0x80, s17, s18, $0xb8;
	[tilespmem:$0x1CC00] =	vst v63  }
0xeb: {  	_ =	swait.ge [sflag:s15], $0x4000  }
0xec: {  	[sflag:s15] =	ssyncset.done $0x0  }
0xed: {  	s12 =	rddreg [dreg:$0x7];
	[sflag:s15] =	ssyncadd.s32 $0xFFFFC000  }
0xee: {  	[tilespmem:s14], [sflag:$0x1] =	stream.indirect.gather [hbm4b:s1+s18], $0x80, s12, s18, $0xb8;
	[tilespmem:$0x1CC00] =	vst v63  }
0xef: {  	_ =	swait.ge [sflag:s21], $0x4000  }
0xf0: {  	[sflag:s21] =	ssyncset.done $0x0  }
0xf1: {  	s12 =	rddreg [dreg:$0x8];
	[sflag:s21] =	ssyncadd.s32 $0xFFFFC000  }
0xf2: {  	[spmem:s2] =	stream.indirect.scatter.add.f32 [tilespmem:s19], [sflag:$0x3], $0x80, s12, s18, $0xb8;
	[tilespmem:$0x1CC00] =	vst v63  }
0xf3: {  	_ =	swait.ge [sflag:s15], $0x4000  }
0xf4: {  	[sflag:s15] =	ssyncset.done $0x0  }
0xf5: {  	s12 =	rddreg [dreg:$0x9];
	[sflag:s15] =	ssyncadd.s32 $0xFFFFC000  }
0xf6: {  	[tilespmem:s19], [sflag:$0x2] =	stream.indirect.gather [hbm4b:s1+s18], $0x80, s12, s18, $0xb8;
	[tilespmem:$0x1CC00] =	vst v63  }
0xf7: {  	_ =	swait.ge [sflag:s20], $0x4000  }
0xf8: {  	[sflag:s20] =	ssyncset.done $0x0  }
0xf9: {  	s12 =	rddreg [dreg:$0xa];
	[sflag:s20] =	ssyncadd.s32 $0xFFFFC000  }
0xfa: {  	[spmem:s2] =	stream.indirect.scatter.add.f32 [tilespmem:s14], [sflag:$0x3], $0x80, s12, s18, $0xb8;
	[tilespmem:$0x1CC00] =	vst v63  }
0xfb: {  	_ =	swait.ge [sflag:s15], $0x4000  }
0xfc: {  	[sflag:s15] =	ssyncset.done $0x0  }
0xfd: {  	s12 =	rddreg [dreg:$0xb];
	[sflag:s15] =	ssyncadd.s32 $0xFFFFC000  }
0xfe: {  	[tilespmem:s14], [sflag:$0x1] =	stream.indirect.gather [hbm4b:s1+s18], $0x80, s12, s18, $0xb8;
	[tilespmem:$0x1CC00] =	vst v63  }
0xff: {  	_ =	swait.ge [sflag:s21], $0x4000  }
0x100: {  	[sflag:s21] =	ssyncset.done $0x0  }
0x101: {  	s12 =	rddreg [dreg:$0xc];
	[sflag:s21] =	ssyncadd.s32 $0xFFFFC000  }
0x102: {  	[spmem:s2] =	stream.indirect.scatter.add.f32 [tilespmem:s19], [sflag:$0x3], $0x80, s12, s18, $0xb8;
	[tilespmem:$0x1CC00] =	vst v63  }
0x103: {  	_ =	swait.ge [sflag:s15], $0x4000  }
0x104: {  	[sflag:s15] =	ssyncset.done $0x0  }
0x105: {  	s12 =	rddreg [dreg:$0xd];
	[sflag:s15] =	ssyncadd.s32 $0xFFFFC000  }
0x106: {  	[tilespmem:s19], [sflag:$0x2] =	stream.indirect.gather [hbm4b:s1+s18], $0x80, s12, s18, $0xb8;
	[tilespmem:$0x1CC00] =	vst v63  }
0x107: {  	_ =	swait.ge [sflag:s20], $0x4000  }
0x108: {  	[sflag:s20] =	ssyncset.done $0x0  }
0x109: {  	s12 =	rddreg [dreg:$0xe];
	[sflag:s20] =	ssyncadd.s32 $0xFFFFC000  }
0x10a: {  	[spmem:s2] =	stream.indirect.scatter.add.f32 [tilespmem:s14], [sflag:$0x3], $0x80, s12, s18, $0xb8;
	[tilespmem:$0x1CC00] =	vst v63  }
0x10b: {  	_ =	swait.ge [sflag:s15], $0x4000  }
0x10c: {  	[sflag:s15] =	ssyncset.done $0x0  }
0x10d: {  	s12 =	rddreg [dreg:$0xf];
	[sflag:s15] =	ssyncadd.s32 $0xFFFFC000  }
0x10e: {  	[tilespmem:s14], [sflag:$0x1] =	stream.indirect.gather [hbm4b:s1+s18], $0x80, s12, s18, $0xb8;
	[tilespmem:$0x1CC00] =	vst v63  }
0x10f: {  	_ =	swait.ge [sflag:s21], $0x4000  }
0x110: {  	[sflag:s21] =	ssyncset.done $0x0  }
0x111: {  	s12 =	rddreg [dreg:$0x10];
	[sflag:s21] =	ssyncadd.s32 $0xFFFFC000  }
0x112: {  	[spmem:s2] =	stream.indirect.scatter.add.f32 [tilespmem:s19], [sflag:$0x3], $0x80, s12, s18, $0xb8;
	[tilespmem:$0x1CC00] =	vst v63  }
0x113: {  	_ =	swait.ge [sflag:s15], $0x4000  }
0x114: {  	[sflag:s15] =	ssyncset.done $0x0  }
0x115: {  	s12 =	rddreg [dreg:$0x11];
	[sflag:s15] =	ssyncadd.s32 $0xFFFFC000  }
0x116: {  	[tilespmem:s19], [sflag:$0x2] =	stream.indirect.gather [hbm4b:s1+s18], $0x80, s12, s18, $0xb8;
	[tilespmem:$0x1CC00] =	vst v63  }
0x117: {  	_ =	swait.ge [sflag:s20], $0x4000  }
0x118: {  	[sflag:s20] =	ssyncset.done $0x0  }
0x119: {  	s12 =	rddreg [dreg:$0x12];
	[sflag:s20] =	ssyncadd.s32 $0xFFFFC000  }
0x11a: {  	[spmem:s2] =	stream.indirect.scatter.add.f32 [tilespmem:s14], [sflag:$0x3], $0x80, s12, s18, $0xb8;
	[tilespmem:$0x1CC00] =	vst v63  }
0x11b: {  	_ =	swait.ge [sflag:s15], $0x4000  }
0x11c: {  	[sflag:s15] =	ssyncset.done $0x0  }
0x11d: {  	s12 =	rddreg [dreg:$0x13];
	[sflag:s15] =	ssyncadd.s32 $0xFFFFC000  }
0x11e: {  	[tilespmem:s14], [sflag:$0x1] =	stream.indirect.gather [hbm4b:s1+s18], $0x80, s12, s18, $0xb8;
	[tilespmem:$0x1CC00] =	vst v63  }
0x11f: {  	_ =	swait.ge [sflag:s21], $0x4000  }
0x120: {  	[sflag:s21] =	ssyncset.done $0x0  }
0x121: {  	s12 =	rddreg [dreg:$0x14];
	[sflag:s21] =	ssyncadd.s32 $0xFFFFC000  }
0x122: {  	[spmem:s2] =	stream.indirect.scatter.add.f32 [tilespmem:s19], [sflag:$0x3], $0x80, s12, s18, $0xb8;
	[tilespmem:$0x1CC00] =	vst v63  }
0x123: {  	_ =	swait.ge [sflag:s15], $0x4000  }
0x124: {  	[sflag:s15] =	ssyncset.done $0x0  }
0x125: {  	s12 =	rddreg [dreg:$0x15];
	[sflag:s15] =	ssyncadd.s32 $0xFFFFC000  }
0x126: {  	[tilespmem:s19], [sflag:$0x2] =	stream.indirect.gather [hbm4b:s1+s18], $0x80, s12, s18, $0xb8;
	[tilespmem:$0x1CC00] =	vst v63  }
0x127: {  	_ =	swait.ge [sflag:s20], $0x4000  }
0x128: {  	[sflag:s20] =	ssyncset.done $0x0  }
0x129: {  	s12 =	rddreg [dreg:$0x16];
	[sflag:s20] =	ssyncadd.s32 $0xFFFFC000  }
0x12a: {  	[spmem:s2] =	stream.indirect.scatter.add.f32 [tilespmem:s14], [sflag:$0x3], $0x80, s12, s18, $0xb8;
	[tilespmem:$0x1CC00] =	vst v63  }
0x12b: {  	_ =	swait.ge [sflag:s15], $0x4000  }
0x12c: {  	[sflag:s15] =	ssyncset.done $0x0  }
0x12d: {  	[sflag:s15] =	ssyncadd.s32 $0xFFFFC000  }
0x12e: {  	[tilespmem:s14], [sflag:$0x1] =	stream.indirect.gather [hbm4b:s1+s18], $0x80, s22, s18, $0xb8;
	[tilespmem:$0x1CC00] =	vst v63  }
0x12f: {  	_ =	swait.ge [sflag:s21], $0x4000  }
0x130: {  	[sflag:s21] =	ssyncset.done $0x0  }
0x131: {  	[sflag:s21] =	ssyncadd.s32 $0xFFFFC000  }
0x132: {  	[spmem:s2] =	stream.indirect.scatter.add.f32 [tilespmem:s19], [sflag:$0x3], $0x80, s23, s18, $0xb8;
	[tilespmem:$0x1CC00] =	vst v63  }
0x133: {  	_ =	swait.ge [sflag:s15], $0x4000  }
0x134: {  	[sflag:s15] =	ssyncset.done $0x0  }
0x135: {  	[sflag:s15] =	ssyncadd.s32 $0xFFFFC000  }
0x136: {  	[tilespmem:s19], [sflag:$0x2] =	stream.indirect.gather [hbm4b:s1+s18], $0x80, s24, s18, $0xb8;
	[tilespmem:$0x1CC00] =	vst v63  }
0x137: {  	_ =	swait.ge [sflag:s20], $0x4000  }
0x138: {  	[sflag:s20] =	ssyncset.done $0x0  }
0x139: {  	[sflag:s20] =	ssyncadd.s32 $0xFFFFC000  }
0x13a: {  	[spmem:s2] =	stream.indirect.scatter.add.f32 [tilespmem:s14], [sflag:$0x3], $0x80, s25, s18, $0xb8;
	[tilespmem:$0x1CC00] =	vst v63  }
0x13b: {  	_ =	swait.ge [sflag:s15], $0x4000  }
0x13c: {  	[sflag:s15] =	ssyncset.done $0x0  }
0x13d: {  	[sflag:s15] =	ssyncadd.s32 $0xFFFFC000  }
0x13e: {  	[tilespmem:s14], [sflag:$0x1] =	stream.indirect.gather [hbm4b:s1+s18], $0x80, s26, s18, $0xb8;
	[tilespmem:$0x1CC00] =	vst v63  }
0x13f: {  	_ =	swait.ge [sflag:s21], $0x4000  }
0x140: {  	[sflag:s21] =	ssyncset.done $0x0  }
0x141: {  	[sflag:s21] =	ssyncadd.s32 $0xFFFFC000  }
0x142: {  	[spmem:s2] =	stream.indirect.scatter.add.f32 [tilespmem:s19], [sflag:$0x3], $0x80, s28, s18, $0xb8;
	[tilespmem:$0x1CC00] =	vst v63  }
0x143: {  	_ =	swait.ge [sflag:s15], $0x4000  }
0x144: {  	[sflag:s15] =	ssyncset.done $0x0  }
0x145: {  	[sflag:s15] =	ssyncadd.s32 $0xFFFFC000  }
0x146: {  	[tilespmem:s19], [sflag:$0x2] =	stream.indirect.gather [hbm4b:s1+s18], $0x80, s29, s18, $0xb8;
	[tilespmem:$0x1CC00] =	vst v63  }
0x147: {  	_ =	swait.ge [sflag:s20], $0x4000  }
0x148: {  	[sflag:s20] =	ssyncset.done $0x0  }
0x149: {  	[sflag:s20] =	ssyncadd.s32 $0xFFFFC000  }
0x14a: {  	[spmem:s2] =	stream.indirect.scatter.add.f32 [tilespmem:s14], [sflag:$0x3], $0x80, s30, s18, $0xb8;
	[tilespmem:$0x1CC00] =	vst v63  }
0x14b: {  	_ =	swait.ge [sflag:s15], $0x4000  }
0x14c: {  	[sflag:s15] =	ssyncset.done $0x0  }
0x14d: {  	[sflag:s15] =	ssyncadd.s32 $0xFFFFC000  }
0x14e: {  	[tilespmem:s14], [sflag:$0x1] =	stream.indirect.gather [hbm4b:s1+s18], $0x80, s31, s18, $0xb8;
	[tilespmem:$0x1CC00] =	vst v63  }
0x14f: {  	_ =	swait.ge [sflag:s21], $0x4000  }
0x150: {  	[sflag:s21] =	ssyncset.done $0x0  }
0x151: {  	[sflag:s21] =	ssyncadd.s32 $0xFFFFC000  }
0x152: {  	[spmem:s2] =	stream.indirect.scatter.add.f32 [tilespmem:s19], [sflag:$0x3], $0x80, s0, s18, $0xb8;
	[tilespmem:$0x1CC00] =	vst v63  }
0x153: {  	_ =	swait.ge [sflag:s15], $0x4000  }
0x154: {  	[sflag:s15] =	ssyncset.done $0x0  }
0x155: {  	[sflag:s15] =	ssyncadd.s32 $0xFFFFC000  }
0x156: {  	[tilespmem:s19], [sflag:$0x2] =	stream.indirect.gather [hbm4b:s1+s18], $0x80, s3, s18, $0xb8;
	[tilespmem:$0x1CC00] =	vst v63  }
0x157: {  	_ =	swait.ge [sflag:s20], $0x4000  }
0x158: {  	[sflag:s20] =	ssyncset.done $0x0  }
0x159: {  	[sflag:s20] =	ssyncadd.s32 $0xFFFFC000  }
0x15a: {  	[spmem:s2] =	stream.indirect.scatter.add.f32 [tilespmem:s14], [sflag:$0x3], $0x80, s6, s18, $0xb8;
	[tilespmem:$0x1CC00] =	vst v63  }
0x15b: {  	_ =	swait.ge [sflag:s15], $0x4000  }
0x15c: {  	[sflag:s15] =	ssyncset.done $0x0  }
0x15d: {  	[sflag:s15] =	ssyncadd.s32 $0xFFFFC000  }
0x15e: {  	p1 =	sne.s32 s11, $0x1;
	_ =	swait.ge [sflag:s21], $0x4000  }
.Ltmp3:
0x15f: {  	[sflag:s21] =	ssyncset.done $0x0;
	(pc) =	sbr.rel @p1 .LBB2_7-.Ltmp3, $4  }
0x160: {  	[sflag:s21] =	ssyncadd.s32 $0xFFFFC000  }
0x161: {  	[spmem:s2] =	stream.indirect.scatter.add.f32 [tilespmem:s19], [sflag:$0x3], $0x80, s7, s18, $0xb8;
	[tilespmem:$0x1CC00] =	vst v63  }
0x162: {  	_ =	swait.ge [sflag:s15], $0x4000  }
0x163: {  	s11 =	sadd.s32 $0xFFFFFFFF, s11;
	s12 =	rddreg [dreg:$0x4];
	[sflag:s15] =	ssyncset.done $0x0  }
.LBB2_8:
0x164: {  	s10 =	sadd.s32 @p0 $0x800, s13;
	s11 =	smov.u32 s9  }
0x165: {  	s11 =	smov.u32 @p0 s10  }
0x166: {  	s10 =	sshrl.u32 s11, $0x3  }
0x167: {  	[sflag:s15] =	ssyncadd.s32 @p0 $0xFFFFC000;
	s11 =	sadd.s32 s12, s10  }
0x168: {  	[tilespmem:s16], [sflag:$0x3] =	stream.linear.gather [hbm4b:s11+s4], $0x800, $0x38;
	[tilespmem:$0x1CC00] =	vst v63  }
0x169: {  	_ =	swait.ge [sflag:s15], $0x800  }
0x16a: {  	s13 =	rddreg [dreg:$0x5];
	[sflag:s15] =	ssyncset.done $0x0  }
0x16b: {  	[sflag:s15] =	ssyncadd.s32 $0xFFFFF800;
	s10 =	sadd.s32 s13, s10  }
0x16c: {  	[tilespmem:s17], [sflag:$0x3] =	stream.linear.gather [hbm4b:s10+s4], $0x800, $0x38;
	[tilespmem:$0x1CC00] =	vst v63  }
0x16d: {  	_ =	swait.ge [sflag:s15], $0x800  }
0x16e: {  	[sflag:s15] =	ssyncset.done $0x0  }
0x16f: {  	[sflag:s15] =	ssyncadd.s32 $0xFFFFF800  }
0x170: {  	[tilespmem:s14], [sflag:$0x1] =	stream.indirect.gather [hbm4b:s1+s18], $0x80, s16, s18, $0xb8;
	[tilespmem:$0x1CC00] =	vst v63  }
0x171: {  	s12 =	rddreg [dreg:$0x6]  }
0x172: {  	[tilespmem:s19], [sflag:$0x2] =	stream.indirect.gather [hbm4b:s1+s18], $0x80, s12, s18, $0xb8;
	[tilespmem:$0x1CC00] =	vst v63  }
0x173: {  	_ =	swait.ge [sflag:s20], $0x4000  }
0x174: {  	[sflag:s20] =	ssyncset.done $0x0  }
0x175: {  	[sflag:s20] =	ssyncadd.s32 $0xFFFFC000  }
0x176: {  	[spmem:s2] =	stream.indirect.scatter.add.f32 [tilespmem:s14], [sflag:$0x3], $0x80, s17, s18, $0xb8;
	[tilespmem:$0x1CC00] =	vst v63  }
0x177: {  	_ =	swait.ge [sflag:s15], $0x4000  }
0x178: {  	[sflag:s15] =	ssyncset.done $0x0  }
0x179: {  	s13 =	rddreg [dreg:$0x7];
	[sflag:s15] =	ssyncadd.s32 $0xFFFFC000  }
0x17a: {  	[tilespmem:s14], [sflag:$0x1] =	stream.indirect.gather [hbm4b:s1+s18], $0x80, s13, s18, $0xb8;
	[tilespmem:$0x1CC00] =	vst v63  }
0x17b: {  	_ =	swait.ge [sflag:s21], $0x4000  }
0x17c: {  	[sflag:s21] =	ssyncset.done $0x0  }
0x17d: {  	s11 =	rddreg [dreg:$0x8];
	[sflag:s21] =	ssyncadd.s32 $0xFFFFC000  }
0x17e: {  	[spmem:s2] =	stream.indirect.scatter.add.f32 [tilespmem:s19], [sflag:$0x3], $0x80, s11, s18, $0xb8;
	[tilespmem:$0x1CC00] =	vst v63  }
0x17f: {  	_ =	swait.ge [sflag:s15], $0x4000  }
0x180: {  	[sflag:s15] =	ssyncset.done $0x0  }
0x181: {  	s12 =	rddreg [dreg:$0x9];
	[sflag:s15] =	ssyncadd.s32 $0xFFFFC000  }
0x182: {  	[tilespmem:s19], [sflag:$0x2] =	stream.indirect.gather [hbm4b:s1+s18], $0x80, s12, s18, $0xb8;
	[tilespmem:$0x1CC00] =	vst v63  }
0x183: {  	_ =	swait.ge [sflag:s20], $0x4000  }
0x184: {  	[sflag:s20] =	ssyncset.done $0x0  }
0x185: {  	s13 =	rddreg [dreg:$0xa];
	[sflag:s20] =	ssyncadd.s32 $0xFFFFC000  }
0x186: {  	[spmem:s2] =	stream.indirect.scatter.add.f32 [tilespmem:s14], [sflag:$0x3], $0x80, s13, s18, $0xb8;
	[tilespmem:$0x1CC00] =	vst v63  }
0x187: {  	_ =	swait.ge [sflag:s15], $0x4000  }
0x188: {  	[sflag:s15] =	ssyncset.done $0x0  }
0x189: {  	s11 =	rddreg [dreg:$0xb];
	[sflag:s15] =	ssyncadd.s32 $0xFFFFC000  }
0x18a: {  	[tilespmem:s14], [sflag:$0x1] =	stream.indirect.gather [hbm4b:s1+s18], $0x80, s11, s18, $0xb8;
	[tilespmem:$0x1CC00] =	vst v63  }
0x18b: {  	_ =	swait.ge [sflag:s21], $0x4000  }
0x18c: {  	[sflag:s21] =	ssyncset.done $0x0  }
0x18d: {  	s12 =	rddreg [dreg:$0xc];
	[sflag:s21] =	ssyncadd.s32 $0xFFFFC000  }
0x18e: {  	[spmem:s2] =	stream.indirect.scatter.add.f32 [tilespmem:s19], [sflag:$0x3], $0x80, s12, s18, $0xb8;
	[tilespmem:$0x1CC00] =	vst v63  }
0x18f: {  	_ =	swait.ge [sflag:s15], $0x4000  }
0x190: {  	[sflag:s15] =	ssyncset.done $0x0  }
0x191: {  	s13 =	rddreg [dreg:$0xd];
	[sflag:s15] =	ssyncadd.s32 $0xFFFFC000  }
0x192: {  	[tilespmem:s19], [sflag:$0x2] =	stream.indirect.gather [hbm4b:s1+s18], $0x80, s13, s18, $0xb8;
	[tilespmem:$0x1CC00] =	vst v63  }
0x193: {  	_ =	swait.ge [sflag:s20], $0x4000  }
0x194: {  	[sflag:s20] =	ssyncset.done $0x0  }
0x195: {  	s11 =	rddreg [dreg:$0xe];
	[sflag:s20] =	ssyncadd.s32 $0xFFFFC000  }
0x196: {  	[spmem:s2] =	stream.indirect.scatter.add.f32 [tilespmem:s14], [sflag:$0x3], $0x80, s11, s18, $0xb8;
	[tilespmem:$0x1CC00] =	vst v63  }
0x197: {  	_ =	swait.ge [sflag:s15], $0x4000  }
0x198: {  	[sflag:s15] =	ssyncset.done $0x0  }
0x199: {  	s12 =	rddreg [dreg:$0xf];
	[sflag:s15] =	ssyncadd.s32 $0xFFFFC000  }
0x19a: {  	[tilespmem:s14], [sflag:$0x1] =	stream.indirect.gather [hbm4b:s1+s18], $0x80, s12, s18, $0xb8;
	[tilespmem:$0x1CC00] =	vst v63  }
0x19b: {  	_ =	swait.ge [sflag:s21], $0x4000  }
0x19c: {  	[sflag:s21] =	ssyncset.done $0x0  }
0x19d: {  	s13 =	rddreg [dreg:$0x10];
	[sflag:s21] =	ssyncadd.s32 $0xFFFFC000  }
0x19e: {  	[spmem:s2] =	stream.indirect.scatter.add.f32 [tilespmem:s19], [sflag:$0x3], $0x80, s13, s18, $0xb8;
	[tilespmem:$0x1CC00] =	vst v63  }
0x19f: {  	_ =	swait.ge [sflag:s15], $0x4000  }
0x1a0: {  	[sflag:s15] =	ssyncset.done $0x0  }
0x1a1: {  	s11 =	rddreg [dreg:$0x11];
	[sflag:s15] =	ssyncadd.s32 $0xFFFFC000  }
0x1a2: {  	[tilespmem:s19], [sflag:$0x2] =	stream.indirect.gather [hbm4b:s1+s18], $0x80, s11, s18, $0xb8;
	[tilespmem:$0x1CC00] =	vst v63  }
0x1a3: {  	_ =	swait.ge [sflag:s20], $0x4000  }
0x1a4: {  	[sflag:s20] =	ssyncset.done $0x0  }
0x1a5: {  	s12 =	rddreg [dreg:$0x12];
	[sflag:s20] =	ssyncadd.s32 $0xFFFFC000  }
0x1a6: {  	[spmem:s2] =	stream.indirect.scatter.add.f32 [tilespmem:s14], [sflag:$0x3], $0x80, s12, s18, $0xb8;
	[tilespmem:$0x1CC00] =	vst v63  }
0x1a7: {  	_ =	swait.ge [sflag:s15], $0x4000  }
0x1a8: {  	[sflag:s15] =	ssyncset.done $0x0  }
0x1a9: {  	s13 =	rddreg [dreg:$0x13];
	[sflag:s15] =	ssyncadd.s32 $0xFFFFC000  }
0x1aa: {  	[tilespmem:s14], [sflag:$0x1] =	stream.indirect.gather [hbm4b:s1+s18], $0x80, s13, s18, $0xb8;
	[tilespmem:$0x1CC00] =	vst v63  }
0x1ab: {  	_ =	swait.ge [sflag:s21], $0x4000  }
0x1ac: {  	[sflag:s21] =	ssyncset.done $0x0  }
0x1ad: {  	s11 =	rddreg [dreg:$0x14];
	[sflag:s21] =	ssyncadd.s32 $0xFFFFC000  }
0x1ae: {  	[spmem:s2] =	stream.indirect.scatter.add.f32 [tilespmem:s19], [sflag:$0x3], $0x80, s11, s18, $0xb8;
	[tilespmem:$0x1CC00] =	vst v63  }
0x1af: {  	_ =	swait.ge [sflag:s15], $0x4000  }
0x1b0: {  	[sflag:s15] =	ssyncset.done $0x0  }
0x1b1: {  	s12 =	rddreg [dreg:$0x15];
	[sflag:s15] =	ssyncadd.s32 $0xFFFFC000  }
0x1b2: {  	[tilespmem:s19], [sflag:$0x2] =	stream.indirect.gather [hbm4b:s1+s18], $0x80, s12, s18, $0xb8;
	[tilespmem:$0x1CC00] =	vst v63  }
0x1b3: {  	_ =	swait.ge [sflag:s20], $0x4000  }
0x1b4: {  	[sflag:s20] =	ssyncset.done $0x0  }
0x1b5: {  	s13 =	rddreg [dreg:$0x16];
	[sflag:s20] =	ssyncadd.s32 $0xFFFFC000  }
0x1b6: {  	[spmem:s2] =	stream.indirect.scatter.add.f32 [tilespmem:s14], [sflag:$0x3], $0x80, s13, s18, $0xb8;
	[tilespmem:$0x1CC00] =	vst v63  }
0x1b7: {  	_ =	swait.ge [sflag:s15], $0x4000  }
0x1b8: {  	[sflag:s15] =	ssyncset.done $0x0  }
0x1b9: {  	[sflag:s15] =	ssyncadd.s32 $0xFFFFC000  }
0x1ba: {  	[tilespmem:s14], [sflag:$0x1] =	stream.indirect.gather [hbm4b:s1+s18], $0x80, s22, s18, $0xb8;
	[tilespmem:$0x1CC00] =	vst v63  }
0x1bb: {  	_ =	swait.ge [sflag:s21], $0x4000  }
0x1bc: {  	[sflag:s21] =	ssyncset.done $0x0  }
0x1bd: {  	[sflag:s21] =	ssyncadd.s32 $0xFFFFC000  }
0x1be: {  	[spmem:s2] =	stream.indirect.scatter.add.f32 [tilespmem:s19], [sflag:$0x3], $0x80, s23, s18, $0xb8;
	[tilespmem:$0x1CC00] =	vst v63  }
0x1bf: {  	_ =	swait.ge [sflag:s15], $0x4000  }
0x1c0: {  	[sflag:s15] =	ssyncset.done $0x0  }
0x1c1: {  	[sflag:s15] =	ssyncadd.s32 $0xFFFFC000  }
0x1c2: {  	[tilespmem:s19], [sflag:$0x2] =	stream.indirect.gather [hbm4b:s1+s18], $0x80, s24, s18, $0xb8;
	[tilespmem:$0x1CC00] =	vst v63  }
0x1c3: {  	_ =	swait.ge [sflag:s20], $0x4000  }
0x1c4: {  	[sflag:s20] =	ssyncset.done $0x0  }
0x1c5: {  	[sflag:s20] =	ssyncadd.s32 $0xFFFFC000  }
0x1c6: {  	[spmem:s2] =	stream.indirect.scatter.add.f32 [tilespmem:s14], [sflag:$0x3], $0x80, s25, s18, $0xb8;
	[tilespmem:$0x1CC00] =	vst v63  }
0x1c7: {  	_ =	swait.ge [sflag:s15], $0x4000  }
0x1c8: {  	[sflag:s15] =	ssyncset.done $0x0  }
0x1c9: {  	[sflag:s15] =	ssyncadd.s32 $0xFFFFC000  }
0x1ca: {  	[tilespmem:s14], [sflag:$0x1] =	stream.indirect.gather [hbm4b:s1+s18], $0x80, s26, s18, $0xb8;
	[tilespmem:$0x1CC00] =	vst v63  }
0x1cb: {  	_ =	swait.ge [sflag:s21], $0x4000  }
0x1cc: {  	[sflag:s21] =	ssyncset.done $0x0  }
0x1cd: {  	[sflag:s21] =	ssyncadd.s32 $0xFFFFC000  }
0x1ce: {  	[spmem:s2] =	stream.indirect.scatter.add.f32 [tilespmem:s19], [sflag:$0x3], $0x80, s28, s18, $0xb8;
	[tilespmem:$0x1CC00] =	vst v63  }
0x1cf: {  	_ =	swait.ge [sflag:s15], $0x4000  }
0x1d0: {  	[sflag:s15] =	ssyncset.done $0x0  }
0x1d1: {  	[sflag:s15] =	ssyncadd.s32 $0xFFFFC000  }
0x1d2: {  	[tilespmem:s19], [sflag:$0x2] =	stream.indirect.gather [hbm4b:s1+s18], $0x80, s29, s18, $0xb8;
	[tilespmem:$0x1CC00] =	vst v63  }
0x1d3: {  	_ =	swait.ge [sflag:s20], $0x4000  }
0x1d4: {  	[sflag:s20] =	ssyncset.done $0x0  }
0x1d5: {  	[sflag:s20] =	ssyncadd.s32 $0xFFFFC000  }
0x1d6: {  	[spmem:s2] =	stream.indirect.scatter.add.f32 [tilespmem:s14], [sflag:$0x3], $0x80, s30, s18, $0xb8;
	[tilespmem:$0x1CC00] =	vst v63  }
0x1d7: {  	_ =	swait.ge [sflag:s15], $0x4000  }
0x1d8: {  	[sflag:s15] =	ssyncset.done $0x0  }
0x1d9: {  	[sflag:s15] =	ssyncadd.s32 $0xFFFFC000  }
0x1da: {  	[tilespmem:s14], [sflag:$0x1] =	stream.indirect.gather [hbm4b:s1+s18], $0x80, s31, s18, $0xb8;
	[tilespmem:$0x1CC00] =	vst v63  }
0x1db: {  	_ =	swait.ge [sflag:s21], $0x4000  }
0x1dc: {  	[sflag:s21] =	ssyncset.done $0x0  }
0x1dd: {  	[sflag:s21] =	ssyncadd.s32 $0xFFFFC000  }
0x1de: {  	[spmem:s2] =	stream.indirect.scatter.add.f32 [tilespmem:s19], [sflag:$0x3], $0x80, s0, s18, $0xb8;
	[tilespmem:$0x1CC00] =	vst v63  }
0x1df: {  	_ =	swait.ge [sflag:s15], $0x4000  }
0x1e0: {  	[sflag:s15] =	ssyncset.done $0x0  }
0x1e1: {  	[sflag:s15] =	ssyncadd.s32 $0xFFFFC000  }
0x1e2: {  	[tilespmem:s19], [sflag:$0x2] =	stream.indirect.gather [hbm4b:s1+s18], $0x80, s3, s18, $0xb8;
	[tilespmem:$0x1CC00] =	vst v63  }
0x1e3: {  	_ =	swait.ge [sflag:s20], $0x4000  }
0x1e4: {  	[sflag:s20] =	ssyncset.done $0x0  }
0x1e5: {  	[sflag:s20] =	ssyncadd.s32 $0xFFFFC000  }
0x1e6: {  	[spmem:s2] =	stream.indirect.scatter.add.f32 [tilespmem:s14], [sflag:$0x3], $0x80, s6, s18, $0xb8;
	[tilespmem:$0x1CC00] =	vst v63  }
0x1e7: {  	_ =	swait.ge [sflag:s15], $0x4000  }
0x1e8: {  	[sflag:s15] =	ssyncset.done $0x0  }
0x1e9: {  	[sflag:s15] =	ssyncadd.s32 $0xFFFFC000  }
0x1ea: {  	_ =	swait.ge [sflag:s21], $0x4000  }
0x1eb: {  	[sflag:s21] =	ssyncset.done $0x0  }
0x1ec: {  	[sflag:s21] =	ssyncadd.s32 $0xFFFFC000  }
0x1ed: {  	[spmem:s2] =	stream.indirect.scatter.add.f32 [tilespmem:s19], [sflag:$0x3], $0x80, s7, s18, $0xb8;
	[tilespmem:$0x1CC00] =	vst v63  }
0x1ee: {  	_ =	swait.ge [sflag:s15], $0x4000  }
0x1ef: {  	[sflag:s15] =	ssyncset.done $0x0  }
0x1f0: {  	s11 =	stileid.u32;
	[sflag:s15] =	ssyncadd.s32 $0xFFFFC000  }
0x1f1: {  	s10 =	sshll.u32 s11, $0x6;
	[bflag:$0x0] =	sbarrier.arrive $0xFFFF  }
0x1f2: {  	s10 =	sor.u32 $0x1C03, s10;
	s12 =	sshrl.u32 s5, $0x3;
	s13 =	rddreg [dreg:$0x1c]  }
0x1f3: {  	[hbm:s13], [sflag:s10] =	dma.local [spmem:s12], $0x2780  }
0x1f4: {  	_ =	swait.ge [sflag:s15], $0x2780  }
0x1f5: {  	s8 =	sadd.s32 $0x1, s8;
	s13 =	rddreg [dreg:$0x1d]  }
0x1f6: {  	p0 =	sne.s32 s8, s13  }
.Ltmp4:
0x1f7: {  	_ = 	snop;
	(pc) =	sbr.rel @p0 .LBB2_1-.Ltmp4, $4  }
.Ltmp5:
0x1f8: {  	_ = 	snop;
	(pc) =	sbr.rel @!p0 .LBB2_9-.Ltmp5, $4  }
0x1f9: {  	_ = 	snop  }
0x1fa: {  	[sflag:s15] =	ssyncset.done $0x0  }
0x1fb: {  	[sflag:s15] =	ssyncadd.s32 $0xFFFFD880  }
0x1fc: {  	_ = 	snop  }
.LBB2_4:
.Ltmp6:
0x1fd: {  	(pc) =	sbr.rel .LBB2_8-.Ltmp6, $2  }
0x1fe: {  	_ =	sdelay $0x2  }
0x1ff: {  	s13 =	smov.u32 s9  }
.LBB2_6:
.Ltmp7:
0x200: {  	(pc) =	sbr.rel .LBB2_8-.Ltmp7, $2  }
0x201: {  	_ =	sdelay $0x2  }
0x202: {  	s13 =	smov.u32 s9  }
.LBB2_9:
0x203: {  	_ =	sfence.sel $0x180000  }
0x204: {  	[bflag:$0x0] =	sbarrier.arrive $0xFFFF  }
0x205: {  	_ =	strace $0x9000004A  }
0x206: {  	s0 =	stileid.u32;
	[bflag:$0x2] =	sbarrier.arrive $0xFFFF  }
0x207: {  	p0 =	sne.s32 s0, $0x0;
	s0 =	rddreg [dreg:$0x3]  }
0x208: {  	s0 =	sadd.s32 @!p0 $0x100000, s0  }
0x209: {  	[sflag:s0] =	ssyncadd.tile.s32 @!p0 $0x1;
	_ =	shalt  }
.Lfunc_end2:
_tile_overlayer_lowered:
.L_overlay_start_2:
0x20a: {  	(tag) =	ssettag $0x2  }
0x20b: {  	s0 =	rddreg [dreg:$0x0];
	s2 =	stileid.u32  }
0x20c: {  	s1 =	rddreg [dreg:$0x1];
	p0 =	sne.s32 s2, $0x0  }
0x20d: {  	s3 =	rddreg [dreg:$0x2];
	[bflag:$0x3] =	sbarrier.arrive $0xFFFF;
	s2 =	simm.s32 @!p0 $0x1C03  }
0x20e: {  	[timem:s3], [sflag:s2] =	dma.local @!p0 [hbm:s0], s1  }
0x20f: {  	s0 =	simm.s32 @!p0 $0x3  }
0x210: {  	_ =	swait.ge @!p0 [sflag:s0], s1  }
0x211: {  	s1 =	ssub.s32 @!p0 $0x0, s1;
	[sflag:s0] =	ssyncset.done @!p0 $0x0  }
0x212: {  	[sflag:s0] =	ssyncadd.s32 @!p0 s1  }
0x213: {  	[bflag:$0x3] =	sbarrier.arrive $0xFFFF  }
0x214: {  	_ =	shalt  }

</sc_bundles>
